<compile_context>
chip_gen: v7x
topology: tpu7x:2x2x1
jax: 0.10.2.dev20260603
libtpu: 0.0.44.dev20260713+nightly
codegen_flags: <defaults>
</compile_context>

<pallas_src>
import functools

import jax
import jax.numpy as jnp
from jax import lax
from jax.experimental import pallas as pl
from jax.experimental.pallas import tpu as pltpu
from jax.experimental.pallas import tpu_sc as plsc

_N = 100000
_D = 128
_G = 1024
_NH = 512
_NOUT = 4002
_L = 2001

_NC = 2
_NS = 16
_NW = _NC * _NS
_GPW = _G // _NW

_CHUNK = 192
_NB = _N - _CHUNK
_SPAD = 1040

_B1 = 10000
_GRID1 = _N // _B1
_BW3 = 1024



def _silu(x):
    return x * jax.nn.sigmoid(x)



def _att_body(h_ref, wp_ref, bp_ref, out_ref):
    h = h_ref[...]
    z = jnp.dot(h, wp_ref[...], preferred_element_type=jnp.float32) + bp_ref[...]
    out_ref[...] = jnp.exp(_silu(z))


def _att_call(h, Wp, bp2):
    return pl.pallas_call(
        _att_body,
        grid=(_GRID1,),
        in_specs=[
            pl.BlockSpec((_B1, _D), lambda i: (i, 0)),
            pl.BlockSpec((_D, _D), lambda i: (0, 0)),
            pl.BlockSpec((1, _D), lambda i: (0, 0)),
        ],
        out_specs=pl.BlockSpec((_B1, _D), lambda i: (i, 0)),
        out_shape=jax.ShapeDtypeStruct((_N, _D), jnp.float32),
    )(h, Wp, bp2)



def _sc_pool_body(e_hbm, h_hbm, starts, out, eb0, eb1, hb0, hb1, win_v,
                  stage_v, hg_v, sem_e0, sem_e1, sem_h0, sem_h1):
    c = lax.axis_index("c")
    s = lax.axis_index("s")
    w = s * _NC + c
    gbase = pl.multiple_of(w * _GPW, _GPW)
    pltpu.sync_copy(starts.at[pl.ds(gbase, 48)], win_v)

    def _zero(k, carry):
        for i in range(16):
            stage_v[k, pl.ds(i * 16, 16)] = jnp.zeros((16,), jnp.float32)
        return carry

    lax.fori_loop(0, _GPW, _zero, 0)

    def _bound(k):
        return win_v[pl.ds(k, 16)][0]

    s0 = _bound(0)
    s1 = _bound(_GPW)
    cb0 = (s0 // 16) * 16
    n_chunks = (s1 - cb0 + _CHUNK - 1) // _CHUNK

    def _cbase(ci):
        return pl.multiple_of(jnp.minimum(cb0 + ci * _CHUNK, _NB), 16)

    def _start_load(ci, eb, hb, sem_e, sem_h):
        base = _cbase(ci)
        pltpu.async_copy(e_hbm.at[pl.ds(base, _CHUNK)], eb, sem_e)
        pltpu.async_copy(h_hbm.at[pl.ds(base, _CHUNK)], hb, sem_h)

    def _wait_load(eb, hb, sem_e, sem_h):
        pltpu.make_async_copy(e_hbm.at[pl.ds(0, _CHUNK)], eb, sem_e).wait()
        pltpu.make_async_copy(h_hbm.at[pl.ds(0, _CHUNK)], hb, sem_h).wait()

    def _consume(ci, eb, hb):
        cb = cb0 + ci * _CHUNK
        base_c = _cbase(ci)

        def _graph_body(k, carry):
            lo = jnp.maximum(_bound(k), cb)
            hi = jnp.minimum(_bound(k + 1), base_c + _CHUNK)

            @pl.when(hi > lo)
            def _():
                def _row(r, acc):
                    rl = r - base_c
                    ev = tuple(eb[rl, pl.ds(i * 16, 16)] for i in range(8))
                    hv = tuple(hb[rl, pl.ds(i * 16, 16)] for i in range(8))
                    return tuple(acc[i] + ev[i] for i in range(8)) + \
                        tuple(acc[8 + i] + hv[i] * ev[i] for i in range(8))

                init = tuple(stage_v[k, pl.ds(i * 16, 16)] for i in range(16))
                accf = lax.fori_loop(lo, hi, _row, init)
                for i in range(16):
                    stage_v[k, pl.ds(i * 16, 16)] = accf[i]

            return carry

        lax.fori_loop(0, _GPW, _graph_body, 0)

    @pl.when(n_chunks > 0)
    def _prime():
        _start_load(0, eb0, hb0, sem_e0, sem_h0)

    def _chunk_body(ci, carry):
        nxt = ci + 1

        @pl.when(lax.rem(ci, 2) == 0)
        def _even():
            _wait_load(eb0, hb0, sem_e0, sem_h0)

            @pl.when(nxt < n_chunks)
            def _():
                _start_load(nxt, eb1, hb1, sem_e1, sem_h1)

            _consume(ci, eb0, hb0)

        @pl.when(lax.rem(ci, 2) == 1)
        def _odd():
            _wait_load(eb1, hb1, sem_e1, sem_h1)

            @pl.when(nxt < n_chunks)
            def _():
                _start_load(nxt, eb0, hb0, sem_e0, sem_h0)

            _consume(ci, eb1, hb1)

        return carry

    lax.fori_loop(0, n_chunks, _chunk_body, 0)

    def _norm(k, carry):
        for i in range(8):
            ev = stage_v[k, pl.ds(i * 16, 16)]
            hev = stage_v[k, pl.ds(_D + i * 16, 16)]
            hg_v[k, pl.ds(i * 16, 16)] = hev / jnp.maximum(ev, 1e-12)
        return carry

    lax.fori_loop(0, _GPW, _norm, 0)
    pltpu.sync_copy(hg_v, out.at[pl.ds(gbase, _GPW)])


def _sc_pool_call(e, h, starts):
    fn = functools.partial(
        pl.kernel,
        out_type=jax.ShapeDtypeStruct((_G, _D), jnp.float32),
        mesh=plsc.VectorSubcoreMesh(core_axis_name="c", subcore_axis_name="s"),
        scratch_types=[
            pltpu.VMEM((_CHUNK, _D), jnp.float32),
            pltpu.VMEM((_CHUNK, _D), jnp.float32),
            pltpu.VMEM((_CHUNK, _D), jnp.float32),
            pltpu.VMEM((_CHUNK, _D), jnp.float32),
            pltpu.VMEM((48,), jnp.int32),
            pltpu.VMEM((_GPW, 2 * _D), jnp.float32),
            pltpu.VMEM((_GPW, _D), jnp.float32),
            pltpu.SemaphoreType.DMA,
            pltpu.SemaphoreType.DMA,
            pltpu.SemaphoreType.DMA,
            pltpu.SemaphoreType.DMA,
        ],
    )(_sc_pool_body)
    return fn(e, h, starts)



def _mlp_body(hg_ref, w1_ref, b1_ref, w2_ref, b2_ref, w3_ref, b3_ref,
              out_ref, imag_ref, real_ref, x2_ref):
    j = pl.program_id(0)

    @pl.when(j == 0)
    def _():
        x1 = _silu(jnp.dot(hg_ref[...], w1_ref[...],
                           preferred_element_type=jnp.float32) + b1_ref[...])
        x2_ref[...] = _silu(jnp.dot(x1, w2_ref[...],
                                    preferred_element_type=jnp.float32)
                            + b2_ref[...])

    res = (jnp.dot(x2_ref[...], w3_ref[...],
                   preferred_element_type=jnp.float32) + b3_ref[...])
    out_ref[...] = res

    for jj in range(_NOUT // _BW3 + 1):
        c0, c1 = jj * _BW3, min((jj + 1) * _BW3, _NOUT)

        @pl.when(j == jj)
        def _(c0=c0, c1=c1):
            if c1 <= _L:
                imag_ref[:, c0:c1] = res[:, :c1 - c0]
            elif c0 >= _L:
                real_ref[:, c0 - _L:c1 - _L] = res[:, :c1 - c0]
            else:
                imag_ref[:, c0:_L] = res[:, :_L - c0]
                real_ref[:, 0:c1 - _L] = res[:, _L - c0:c1 - c0]


def _mlp_call(hg, W1, b1_2, W2, b2_2, W3, b3_2):
    nblk = -(-_NOUT // _BW3)
    return pl.pallas_call(
        _mlp_body,
        grid=(nblk,),
        in_specs=[
            pl.BlockSpec((_G, _D), lambda j: (0, 0)),
            pl.BlockSpec((_D, _NH), lambda j: (0, 0)),
            pl.BlockSpec((1, _NH), lambda j: (0, 0)),
            pl.BlockSpec((_NH, _NH), lambda j: (0, 0)),
            pl.BlockSpec((1, _NH), lambda j: (0, 0)),
            pl.BlockSpec((_NH, _BW3), lambda j: (0, j)),
            pl.BlockSpec((1, _BW3), lambda j: (0, j)),
        ],
        out_specs=[
            pl.BlockSpec((_G, _BW3), lambda j: (0, j)),
            pl.BlockSpec((_G, _L), lambda j: (0, 0)),
            pl.BlockSpec((_G, _L), lambda j: (0, 0)),
        ],
        out_shape=[
            jax.ShapeDtypeStruct((_G, _NOUT), jnp.float32),
            jax.ShapeDtypeStruct((_G, _L), jnp.float32),
            jax.ShapeDtypeStruct((_G, _L), jnp.float32),
        ],
        scratch_shapes=[pltpu.VMEM((_G, _NH), jnp.float32)],
    )(hg, W1, b1_2, W2, b2_2, W3, b3_2)


def kernel(h, node_graph_index, Wp, bp, W1, b1, W2, b2, W3, b3):
    idx = node_graph_index.astype(jnp.int32)
    idxr = idx.reshape(_N // 16, 16)
    q = jnp.arange(_G + 1, dtype=jnp.int32)
    coarse = jnp.searchsorted(idxr[:, 0], q, side="left",
                              method="compare_all").astype(jnp.int32)
    row = jnp.clip(coarse - 1, 0, _N // 16 - 1)
    win = idxr[row]
    starts = row * 16 + jnp.sum((win < q[:, None]).astype(jnp.int32), axis=1)
    starts = jnp.pad(starts, (0, _SPAD - (_G + 1)), constant_values=_N)
    e = _att_call(h, Wp, bp.reshape(1, _D))
    hg = _sc_pool_call(e, h, starts)
    out, eps_imag, eps_real = _mlp_call(hg, W1, b1.reshape(1, _NH),
                                        W2, b2.reshape(1, _NH),
                                        W3, b3.reshape(1, _NOUT))
    return out, eps_imag, eps_real

# --- scband reference (transcript-rebuilt; emitter-appended) ---
"""Pipeline reference for scband-dielectric-readout-28329604285242 (READ-ONLY COPY).

The authoritative reference and input builder live on the scoring server;
editing this copy changes nothing except your own understanding.
"""

import jax, jax.numpy as jnp
import numpy as np


def silu(x):
    return x * jax.nn.sigmoid(x)


def _linear_params(key, fan_in, fan_out):
    s = 1.0 / np.sqrt(fan_in)
    kw, kb = jax.random.split(key)
    W = jax.random.uniform(kw, (fan_in, fan_out), minval=-s, maxval=s, dtype=jnp.float32)
    b = jax.random.uniform(kb, (fan_out,), minval=-s, maxval=s, dtype=jnp.float32)
    return W, b


def setup_inputs(seed: int = 0) -> dict:
    key = jax.random.key(seed)
    ks = jax.random.split(key, 6)
    N, d, nh, nout = 100000, 128, 512, 4002
    h = jax.random.normal(ks[0], (N, d), dtype=jnp.float32)
    node_graph_index = jnp.sort(jax.random.randint(ks[1], (N,), 0, 1024))
    Wp, bp = _linear_params(ks[2], d, d)
    W1, b1 = _linear_params(ks[3], d, nh)
    W2, b2 = _linear_params(ks[4], nh, nh)
    W3, b3 = _linear_params(ks[5], nh, nout)
    return {"h": h, "node_graph_index": node_graph_index, "Wp": Wp, "bp": bp,
            "W1": W1, "b1": b1, "W2": W2, "b2": b2, "W3": W3, "b3": b3}


def reference(h, node_graph_index, Wp, bp, W1, b1, W2, b2, W3, b3):
    L = 2001
    G = 1024
    # attention pooling: a_i = softmax_i(SiLU(W_pool h_i)) over nodes per graph
    att = silu(h @ Wp + bp)                                              # [N, d]
    att_max = jax.ops.segment_max(att, node_graph_index, num_segments=G)  # [G, d]
    att_exp = jnp.exp(att - att_max[node_graph_index])                   # [N, d]
    att_sum = jax.ops.segment_sum(att_exp, node_graph_index, num_segments=G)  # [G, d]
    att_norm = att_exp / jnp.maximum(att_sum[node_graph_index], 1e-12)   # [N, d]
    h_G = jax.ops.segment_sum(h * att_norm, node_graph_index, num_segments=G)  # [G, d]
    # output MLP (depth=2 hidden SiLU layers, plain last)
    x = silu(h_G @ W1 + b1)
    x = silu(x @ W2 + b2)
    out = x @ W3 + b3                                                    # [G, 4002]
    eps_imag = out[:, :L]
    eps_real = out[:, L:]
    return out, eps_imag, eps_real

if __name__ == "__main__":
    import jax
    _d = setup_inputs()
    print(jax.jit(kernel)(*tuple(_d.values())))

</pallas_src>

<mosaic_0001>
#map = affine_map<(d0, d1) -> (0, 0)>
#map1 = affine_map<(d0, d1) -> (0)>
module attributes {stable_mosaic.version = 14 : i64} {
  func.func @_sc_pool_body(%arg0: i32, %arg1: i32, %arg2: memref<100000x128xf32, #tpu.memory_space<hbm>>, %arg3: memref<100000x128xf32, #tpu.memory_space<hbm>>, %arg4: memref<1040xi32, #tpu.memory_space<hbm>>, %arg5: memref<1024x128xf32, #tpu.memory_space<hbm>>, %arg6: memref<192x128xf32, #tpu.memory_space<vmem>>, %arg7: memref<192x128xf32, #tpu.memory_space<vmem>>, %arg8: memref<192x128xf32, #tpu.memory_space<vmem>>, %arg9: memref<192x128xf32, #tpu.memory_space<vmem>>, %arg10: memref<48xi32, #tpu.memory_space<vmem>>, %arg11: memref<32x256xf32, #tpu.memory_space<vmem>>, %arg12: memref<32x128xf32, #tpu.memory_space<vmem>>, %arg13: memref<!tpu.dma_semaphore, #tpu.memory_space<semaphore_mem>>, %arg14: memref<!tpu.dma_semaphore, #tpu.memory_space<semaphore_mem>>, %arg15: memref<!tpu.dma_semaphore, #tpu.memory_space<semaphore_mem>>, %arg16: memref<!tpu.dma_semaphore, #tpu.memory_space<semaphore_mem>>) attributes {dimension_semantics = [#tpu.dimension_semantics<core_parallel>, #tpu.dimension_semantics<subcore_parallel>], iteration_bounds = array<i64: 2, 16>, scalar_prefetch = 0 : i64, scratch_operands = 11 : i64, tpu.core_type = #tpu.core_type<sc_vector_subcore>, window_params = [{transform_indices = #map}, {transform_indices = #map}, {transform_indices = #map1}, {transform_indices = #map}]} {
    %mul3A = arith.constant 2 : i32
    %mul3A_0 = arith.muli %arg1, %mul3A : i32
    %add3A = arith.addi %mul3A_0, %arg0 : i32
    %mul3A_1 = arith.constant 32 : i32
    %mul3A_2 = arith.muli %add3A, %mul3A_1 : i32
    %multiple_of3A = tpu.assume_multiple %mul3A_2, 32 : i32
    "tpu.region"() ({
      %run_scoped3A = tpu.sem_alloc : memref<!tpu.dma_semaphore, #tpu.memory_space<semaphore_mem>>
      %dma_start3A = tpu.memref_slice %arg4[%multiple_of3A] : memref<1040xi32, #tpu.memory_space<hbm>> -> memref<48xi32, #tpu.memory_space<hbm>>
      %dma_start3A_79 = tpu.memref_slice %arg4[%multiple_of3A] : memref<1040xi32, #tpu.memory_space<hbm>> -> memref<48xi32, #tpu.memory_space<hbm>>
      tpu.enqueue_dma source(%dma_start3A_79 : memref<48xi32, #tpu.memory_space<hbm>>) target(%arg10 : memref<48xi32, #tpu.memory_space<vmem>>) target_semaphore(%run_scoped3A : memref<!tpu.dma_semaphore, #tpu.memory_space<semaphore_mem>>)
      %dma_wait3A = tpu.memref_slice %arg4[%multiple_of3A] : memref<1040xi32, #tpu.memory_space<hbm>> -> memref<48xi32, #tpu.memory_space<hbm>>
      %dma_wait3A_80 = tpu.memref_slice %arg4[%multiple_of3A] : memref<1040xi32, #tpu.memory_space<hbm>> -> memref<48xi32, #tpu.memory_space<hbm>>
      tpu.wait_dma2 semaphore(%run_scoped3A : memref<!tpu.dma_semaphore, #tpu.memory_space<semaphore_mem>>) src(%dma_wait3A_80 : memref<48xi32, #tpu.memory_space<hbm>>) dst(%arg10 : memref<48xi32, #tpu.memory_space<vmem>>)
      tpu.yield
    }) : () -> ()
    %scan3A = arith.constant 0 : i32
    %scan3A_3 = arith.constant 0 : i32
    %scan3A_4 = arith.constant 32 : i32
    %scan3A_5 = arith.addi %scan3A_3, %scan3A_4 : i32
    %scan3A_6 = arith.constant 1 : i32
    scf.for %scan3A_79 = %scan3A_3 to %scan3A_5 step %scan3A_6  : i32 {
      %broadcast_in_dim3A = arith.constant 0.000000e+00 : f32
      %broadcast_in_dim3A_80 = vector.broadcast %broadcast_in_dim3A : f32 to vector<16xf32>
      %swap3A = arith.index_cast %scan3A_79 : i32 to index
      %swap3A_81 = arith.constant 0 : index
      %swap3A_82 = tpu.vector_load %arg11[%swap3A, %swap3A_81] {strides = array<i32>} : memref<32x256xf32, #tpu.memory_space<vmem>>, vector<1x16xf32>,
      %swap3A_83 = vector.shape_cast %swap3A_82 : vector<1x16xf32> to vector<16xf32>
      %swap3A_84 = vector.shape_cast %broadcast_in_dim3A_80 : vector<16xf32> to vector<1x16xf32>
      tpu.vector_store %arg11[%swap3A, %swap3A_81], %swap3A_84 {strides = array<i32>} : memref<32x256xf32, #tpu.memory_space<vmem>>, vector<1x16xf32>,
      %broadcast_in_dim3A_85 = arith.constant 0.000000e+00 : f32
      %broadcast_in_dim3A_86 = vector.broadcast %broadcast_in_dim3A_85 : f32 to vector<16xf32>
      %swap3A_87 = arith.index_cast %scan3A_79 : i32 to index
      %swap3A_88 = arith.constant 16 : index
      %swap3A_89 = tpu.vector_load %arg11[%swap3A_87, %swap3A_88] {strides = array<i32>} : memref<32x256xf32, #tpu.memory_space<vmem>>, vector<1x16xf32>,
      %swap3A_90 = vector.shape_cast %swap3A_89 : vector<1x16xf32> to vector<16xf32>
      %swap3A_91 = vector.shape_cast %broadcast_in_dim3A_86 : vector<16xf32> to vector<1x16xf32>
      tpu.vector_store %arg11[%swap3A_87, %swap3A_88], %swap3A_91 {strides = array<i32>} : memref<32x256xf32, #tpu.memory_space<vmem>>, vector<1x16xf32>,
      %broadcast_in_dim3A_92 = arith.constant 0.000000e+00 : f32
      %broadcast_in_dim3A_93 = vector.broadcast %broadcast_in_dim3A_92 : f32 to vector<16xf32>
      %swap3A_94 = arith.index_cast %scan3A_79 : i32 to index
      %swap3A_95 = arith.constant 32 : index
      %swap3A_96 = tpu.vector_load %arg11[%swap3A_94, %swap3A_95] {strides = array<i32>} : memref<32x256xf32, #tpu.memory_space<vmem>>, vector<1x16xf32>,
      %swap3A_97 = vector.shape_cast %swap3A_96 : vector<1x16xf32> to vector<16xf32>
      %swap3A_98 = vector.shape_cast %broadcast_in_dim3A_93 : vector<16xf32> to vector<1x16xf32>
      tpu.vector_store %arg11[%swap3A_94, %swap3A_95], %swap3A_98 {strides = array<i32>} : memref<32x256xf32, #tpu.memory_space<vmem>>, vector<1x16xf32>,
      %broadcast_in_dim3A_99 = arith.constant 0.000000e+00 : f32
      %broadcast_in_dim3A_100 = vector.broadcast %broadcast_in_dim3A_99 : f32 to vector<16xf32>
      %swap3A_101 = arith.index_cast %scan3A_79 : i32 to index
      %swap3A_102 = arith.constant 48 : index
      %swap3A_103 = tpu.vector_load %arg11[%swap3A_101, %swap3A_102] {strides = array<i32>} : memref<32x256xf32, #tpu.memory_space<vmem>>, vector<1x16xf32>,
      %swap3A_104 = vector.shape_cast %swap3A_103 : vector<1x16xf32> to vector<16xf32>
      %swap3A_105 = vector.shape_cast %broadcast_in_dim3A_100 : vector<16xf32> to vector<1x16xf32>
      tpu.vector_store %arg11[%swap3A_101, %swap3A_102], %swap3A_105 {strides = array<i32>} : memref<32x256xf32, #tpu.memory_space<vmem>>, vector<1x16xf32>,
      %broadcast_in_dim3A_106 = arith.constant 0.000000e+00 : f32
      %broadcast_in_dim3A_107 = vector.broadcast %broadcast_in_dim3A_106 : f32 to vector<16xf32>
      %swap3A_108 = arith.index_cast %scan3A_79 : i32 to index
      %swap3A_109 = arith.constant 64 : index
      %swap3A_110 = tpu.vector_load %arg11[%swap3A_108, %swap3A_109] {strides = array<i32>} : memref<32x256xf32, #tpu.memory_space<vmem>>, vector<1x16xf32>,
      %swap3A_111 = vector.shape_cast %swap3A_110 : vector<1x16xf32> to vector<16xf32>
      %swap3A_112 = vector.shape_cast %broadcast_in_dim3A_107 : vector<16xf32> to vector<1x16xf32>
      tpu.vector_store %arg11[%swap3A_108, %swap3A_109], %swap3A_112 {strides = array<i32>} : memref<32x256xf32, #tpu.memory_space<vmem>>, vector<1x16xf32>,
      %broadcast_in_dim3A_113 = arith.constant 0.000000e+00 : f32
      %broadcast_in_dim3A_114 = vector.broadcast %broadcast_in_dim3A_113 : f32 to vector<16xf32>
      %swap3A_115 = arith.index_cast %scan3A_79 : i32 to index
      %swap3A_116 = arith.constant 80 : index
      %swap3A_117 = tpu.vector_load %arg11[%swap3A_115, %swap3A_116] {strides = array<i32>} : memref<32x256xf32, #tpu.memory_space<vmem>>, vector<1x16xf32>,
      %swap3A_118 = vector.shape_cast %swap3A_117 : vector<1x16xf32> to vector<16xf32>
      %swap3A_119 = vector.shape_cast %broadcast_in_dim3A_114 : vector<16xf32> to vector<1x16xf32>
      tpu.vector_store %arg11[%swap3A_115, %swap3A_116], %swap3A_119 {strides = array<i32>} : memref<32x256xf32, #tpu.memory_space<vmem>>, vector<1x16xf32>,
      %broadcast_in_dim3A_120 = arith.constant 0.000000e+00 : f32
      %broadcast_in_dim3A_121 = vector.broadcast %broadcast_in_dim3A_120 : f32 to vector<16xf32>
      %swap3A_122 = arith.index_cast %scan3A_79 : i32 to index
      %swap3A_123 = arith.constant 96 : index
      %swap3A_124 = tpu.vector_load %arg11[%swap3A_122, %swap3A_123] {strides = array<i32>} : memref<32x256xf32, #tpu.memory_space<vmem>>, vector<1x16xf32>,
      %swap3A_125 = vector.shape_cast %swap3A_124 : vector<1x16xf32> to vector<16xf32>
      %swap3A_126 = vector.shape_cast %broadcast_in_dim3A_121 : vector<16xf32> to vector<1x16xf32>
      tpu.vector_store %arg11[%swap3A_122, %swap3A_123], %swap3A_126 {strides = array<i32>} : memref<32x256xf32, #tpu.memory_space<vmem>>, vector<1x16xf32>,
      %broadcast_in_dim3A_127 = arith.constant 0.000000e+00 : f32
      %broadcast_in_dim3A_128 = vector.broadcast %broadcast_in_dim3A_127 : f32 to vector<16xf32>
      %swap3A_129 = arith.index_cast %scan3A_79 : i32 to index
      %swap3A_130 = arith.constant 112 : index
      %swap3A_131 = tpu.vector_load %arg11[%swap3A_129, %swap3A_130] {strides = array<i32>} : memref<32x256xf32, #tpu.memory_space<vmem>>, vector<1x16xf32>,
      %swap3A_132 = vector.shape_cast %swap3A_131 : vector<1x16xf32> to vector<16xf32>
      %swap3A_133 = vector.shape_cast %broadcast_in_dim3A_128 : vector<16xf32> to vector<1x16xf32>
      tpu.vector_store %arg11[%swap3A_129, %swap3A_130], %swap3A_133 {strides = array<i32>} : memref<32x256xf32, #tpu.memory_space<vmem>>, vector<1x16xf32>,
      %broadcast_in_dim3A_134 = arith.constant 0.000000e+00 : f32
      %broadcast_in_dim3A_135 = vector.broadcast %broadcast_in_dim3A_134 : f32 to vector<16xf32>
      %swap3A_136 = arith.index_cast %scan3A_79 : i32 to index
      %swap3A_137 = arith.constant 128 : index
      %swap3A_138 = tpu.vector_load %arg11[%swap3A_136, %swap3A_137] {strides = array<i32>} : memref<32x256xf32, #tpu.memory_space<vmem>>, vector<1x16xf32>,
      %swap3A_139 = vector.shape_cast %swap3A_138 : vector<1x16xf32> to vector<16xf32>
      %swap3A_140 = vector.shape_cast %broadcast_in_dim3A_135 : vector<16xf32> to vector<1x16xf32>
      tpu.vector_store %arg11[%swap3A_136, %swap3A_137], %swap3A_140 {strides = array<i32>} : memref<32x256xf32, #tpu.memory_space<vmem>>, vector<1x16xf32>,
      %broadcast_in_dim3A_141 = arith.constant 0.000000e+00 : f32
      %broadcast_in_dim3A_142 = vector.broadcast %broadcast_in_dim3A_141 : f32 to vector<16xf32>
      %swap3A_143 = arith.index_cast %scan3A_79 : i32 to index
      %swap3A_144 = arith.constant 144 : index
      %swap3A_145 = tpu.vector_load %arg11[%swap3A_143, %swap3A_144] {strides = array<i32>} : memref<32x256xf32, #tpu.memory_space<vmem>>, vector<1x16xf32>,
      %swap3A_146 = vector.shape_cast %swap3A_145 : vector<1x16xf32> to vector<16xf32>
      %swap3A_147 = vector.shape_cast %broadcast_in_dim3A_142 : vector<16xf32> to vector<1x16xf32>
      tpu.vector_store %arg11[%swap3A_143, %swap3A_144], %swap3A_147 {strides = array<i32>} : memref<32x256xf32, #tpu.memory_space<vmem>>, vector<1x16xf32>,
      %broadcast_in_dim3A_148 = arith.constant 0.000000e+00 : f32
      %broadcast_in_dim3A_149 = vector.broadcast %broadcast_in_dim3A_148 : f32 to vector<16xf32>
      %swap3A_150 = arith.index_cast %scan3A_79 : i32 to index
      %swap3A_151 = arith.constant 160 : index
      %swap3A_152 = tpu.vector_load %arg11[%swap3A_150, %swap3A_151] {strides = array<i32>} : memref<32x256xf32, #tpu.memory_space<vmem>>, vector<1x16xf32>,
      %swap3A_153 = vector.shape_cast %swap3A_152 : vector<1x16xf32> to vector<16xf32>
      %swap3A_154 = vector.shape_cast %broadcast_in_dim3A_149 : vector<16xf32> to vector<1x16xf32>
      tpu.vector_store %arg11[%swap3A_150, %swap3A_151], %swap3A_154 {strides = array<i32>} : memref<32x256xf32, #tpu.memory_space<vmem>>, vector<1x16xf32>,
      %broadcast_in_dim3A_155 = arith.constant 0.000000e+00 : f32
      %broadcast_in_dim3A_156 = vector.broadcast %broadcast_in_dim3A_155 : f32 to vector<16xf32>
      %swap3A_157 = arith.index_cast %scan3A_79 : i32 to index
      %swap3A_158 = arith.constant 176 : index
      %swap3A_159 = tpu.vector_load %arg11[%swap3A_157, %swap3A_158] {strides = array<i32>} : memref<32x256xf32, #tpu.memory_space<vmem>>, vector<1x16xf32>,
      %swap3A_160 = vector.shape_cast %swap3A_159 : vector<1x16xf32> to vector<16xf32>
      %swap3A_161 = vector.shape_cast %broadcast_in_dim3A_156 : vector<16xf32> to vector<1x16xf32>
      tpu.vector_store %arg11[%swap3A_157, %swap3A_158], %swap3A_161 {strides = array<i32>} : memref<32x256xf32, #tpu.memory_space<vmem>>, vector<1x16xf32>,
      %broadcast_in_dim3A_162 = arith.constant 0.000000e+00 : f32
      %broadcast_in_dim3A_163 = vector.broadcast %broadcast_in_dim3A_162 : f32 to vector<16xf32>
      %swap3A_164 = arith.index_cast %scan3A_79 : i32 to index
      %swap3A_165 = arith.constant 192 : index
      %swap3A_166 = tpu.vector_load %arg11[%swap3A_164, %swap3A_165] {strides = array<i32>} : memref<32x256xf32, #tpu.memory_space<vmem>>, vector<1x16xf32>,
      %swap3A_167 = vector.shape_cast %swap3A_166 : vector<1x16xf32> to vector<16xf32>
      %swap3A_168 = vector.shape_cast %broadcast_in_dim3A_163 : vector<16xf32> to vector<1x16xf32>
      tpu.vector_store %arg11[%swap3A_164, %swap3A_165], %swap3A_168 {strides = array<i32>} : memref<32x256xf32, #tpu.memory_space<vmem>>, vector<1x16xf32>,
      %broadcast_in_dim3A_169 = arith.constant 0.000000e+00 : f32
      %broadcast_in_dim3A_170 = vector.broadcast %broadcast_in_dim3A_169 : f32 to vector<16xf32>
      %swap3A_171 = arith.index_cast %scan3A_79 : i32 to index
      %swap3A_172 = arith.constant 208 : index
      %swap3A_173 = tpu.vector_load %arg11[%swap3A_171, %swap3A_172] {strides = array<i32>} : memref<32x256xf32, #tpu.memory_space<vmem>>, vector<1x16xf32>,
      %swap3A_174 = vector.shape_cast %swap3A_173 : vector<1x16xf32> to vector<16xf32>
      %swap3A_175 = vector.shape_cast %broadcast_in_dim3A_170 : vector<16xf32> to vector<1x16xf32>
      tpu.vector_store %arg11[%swap3A_171, %swap3A_172], %swap3A_175 {strides = array<i32>} : memref<32x256xf32, #tpu.memory_space<vmem>>, vector<1x16xf32>,
      %broadcast_in_dim3A_176 = arith.constant 0.000000e+00 : f32
      %broadcast_in_dim3A_177 = vector.broadcast %broadcast_in_dim3A_176 : f32 to vector<16xf32>
      %swap3A_178 = arith.index_cast %scan3A_79 : i32 to index
      %swap3A_179 = arith.constant 224 : index
      %swap3A_180 = tpu.vector_load %arg11[%swap3A_178, %swap3A_179] {strides = array<i32>} : memref<32x256xf32, #tpu.memory_space<vmem>>, vector<1x16xf32>,
      %swap3A_181 = vector.shape_cast %swap3A_180 : vector<1x16xf32> to vector<16xf32>
      %swap3A_182 = vector.shape_cast %broadcast_in_dim3A_177 : vector<16xf32> to vector<1x16xf32>
      tpu.vector_store %arg11[%swap3A_178, %swap3A_179], %swap3A_182 {strides = array<i32>} : memref<32x256xf32, #tpu.memory_space<vmem>>, vector<1x16xf32>,
      %broadcast_in_dim3A_183 = arith.constant 0.000000e+00 : f32
      %broadcast_in_dim3A_184 = vector.broadcast %broadcast_in_dim3A_183 : f32 to vector<16xf32>
      %swap3A_185 = arith.index_cast %scan3A_79 : i32 to index
      %swap3A_186 = arith.constant 240 : index
      %swap3A_187 = tpu.vector_load %arg11[%swap3A_185, %swap3A_186] {strides = array<i32>} : memref<32x256xf32, #tpu.memory_space<vmem>>, vector<1x16xf32>,
      %swap3A_188 = vector.shape_cast %swap3A_187 : vector<1x16xf32> to vector<16xf32>
      %swap3A_189 = vector.shape_cast %broadcast_in_dim3A_184 : vector<16xf32> to vector<1x16xf32>
      tpu.vector_store %arg11[%swap3A_185, %swap3A_186], %swap3A_189 {strides = array<i32>} : memref<32x256xf32, #tpu.memory_space<vmem>>, vector<1x16xf32>,
    }
    %scan3A_7 = arith.constant 32 : i32
    %get3A = arith.constant 0 : index
    %get3A_8 = tpu.vector_load %arg10[%get3A] {strides = array<i32>} : memref<48xi32, #tpu.memory_space<vmem>>, vector<16xi32>,
    %get3A_9 = vector.shape_cast %get3A_8 : vector<16xi32> to vector<16xi32>
    %slice3A = vector.extract_strided_slice %get3A_9 {offsets = [0], sizes = [1], strides = [1]} : vector<16xi32> to vector<1xi32>
    %squeeze3A = vector.extract %slice3A[0] : i32 from vector<1xi32>
    %get3A_10 = arith.constant 32 : index
    %get3A_11 = tpu.vector_load %arg10[%get3A_10] {strides = array<i32>} : memref<48xi32, #tpu.memory_space<vmem>>, vector<16xi32>,
    %get3A_12 = vector.shape_cast %get3A_11 : vector<16xi32> to vector<16xi32>
    %slice3A_13 = vector.extract_strided_slice %get3A_12 {offsets = [0], sizes = [1], strides = [1]} : vector<16xi32> to vector<1xi32>
    %squeeze3A_14 = vector.extract %slice3A_13[0] : i32 from vector<1xi32>
    %jit3A = arith.constant 16 : i32
    %div3A = arith.divsi %squeeze3A, %jit3A : i32
    %sign3A = arith.constant 0 : i32
    %sign3A_15 = arith.cmpi sgt, %squeeze3A, %sign3A : i32
    %sign3A_16 = arith.extui %sign3A_15 : i1 to i32
    %sign3A_17 = arith.constant 0 : i32
    %sign3A_18 = arith.cmpi slt, %squeeze3A, %sign3A_17 : i32
    %sign3A_19 = arith.extui %sign3A_18 : i1 to i32
    %sign3A_20 = arith.subi %sign3A_16, %sign3A_19 : i32
    %sign3A_21 = arith.constant 0 : i32
    %sign3A_22 = arith.cmpi sgt, %jit3A, %sign3A_21 : i32
    %sign3A_23 = arith.extui %sign3A_22 : i1 to i32
    %sign3A_24 = arith.constant 0 : i32
    %sign3A_25 = arith.cmpi slt, %jit3A, %sign3A_24 : i32
    %sign3A_26 = arith.extui %sign3A_25 : i1 to i32
    %sign3A_27 = arith.subi %sign3A_23, %sign3A_26 : i32
    %ne3A = arith.cmpi ne, %sign3A_20, %sign3A_27 : i32
    %rem3A = arith.remsi %squeeze3A, %jit3A : i32
    %ne3A_28 = arith.constant 0 : i32
    %ne3A_29 = arith.cmpi ne, %rem3A, %ne3A_28 : i32
    %and3A = arith.andi %ne3A, %ne3A_29 : i1
    %sub3A = arith.constant 1 : i32
    %sub3A_30 = arith.subi %div3A, %sub3A : i32
    %select_n3A = arith.select %and3A, %sub3A_30, %div3A : i32
    %mul3A_31 = arith.constant 16 : i32
    %mul3A_32 = arith.muli %select_n3A, %mul3A_31 : i32
    %sub3A_33 = arith.subi %squeeze3A_14, %mul3A_32 : i32
    %add3A_34 = arith.constant 192 : i32
    %add3A_35 = arith.addi %sub3A_33, %add3A_34 : i32
    %sub3A_36 = arith.constant 1 : i32
    %sub3A_37 = arith.subi %add3A_35, %sub3A_36 : i32
    %jit3A_38 = arith.constant 192 : i32
    %div3A_39 = arith.divsi %sub3A_37, %jit3A_38 : i32
    %sign3A_40 = arith.constant 0 : i32
    %sign3A_41 = arith.cmpi sgt, %sub3A_37, %sign3A_40 : i32
    %sign3A_42 = arith.extui %sign3A_41 : i1 to i32
    %sign3A_43 = arith.constant 0 : i32
    %sign3A_44 = arith.cmpi slt, %sub3A_37, %sign3A_43 : i32
    %sign3A_45 = arith.extui %sign3A_44 : i1 to i32
    %sign3A_46 = arith.subi %sign3A_42, %sign3A_45 : i32
    %sign3A_47 = arith.constant 0 : i32
    %sign3A_48 = arith.cmpi sgt, %jit3A_38, %sign3A_47 : i32
    %sign3A_49 = arith.extui %sign3A_48 : i1 to i32
    %sign3A_50 = arith.constant 0 : i32
    %sign3A_51 = arith.cmpi slt, %jit3A_38, %sign3A_50 : i32
    %sign3A_52 = arith.extui %sign3A_51 : i1 to i32
    %sign3A_53 = arith.subi %sign3A_49, %sign3A_52 : i32
    %ne3A_54 = arith.cmpi ne, %sign3A_46, %sign3A_53 : i32
    %rem3A_55 = arith.remsi %sub3A_37, %jit3A_38 : i32
    %ne3A_56 = arith.constant 0 : i32
    %ne3A_57 = arith.cmpi ne, %rem3A_55, %ne3A_56 : i32
    %and3A_58 = arith.andi %ne3A_54, %ne3A_57 : i1
    %sub3A_59 = arith.constant 1 : i32
    %sub3A_60 = arith.subi %div3A_39, %sub3A_59 : i32
    %select_n3A_61 = arith.select %and3A_58, %sub3A_60, %div3A_39 : i32
    %gt3A = arith.constant 0 : i32
    %gt3A_62 = arith.cmpi sgt, %select_n3A_61, %gt3A : i32
    %convert_element_type3A = arith.extui %gt3A_62 : i1 to i32
    %cond3A = arith.constant 0 : i32
    %cond3A_63 = arith.cmpi ne, %convert_element_type3A, %cond3A : i32
    scf.if %cond3A_63 {
      %add3A_79 = arith.constant 0 : i32
      %add3A_80 = arith.addi %mul3A_32, %add3A_79 : i32
      %min3A = arith.constant 99808 : i32
      %min3A_81 = arith.minsi %add3A_80, %min3A : i32
      %multiple_of3A_82 = tpu.assume_multiple %min3A_81, 16 : i32
      %dma_start3A = arith.constant 0 : i32
      %dma_start3A_83 = tpu.memref_slice %arg2[%multiple_of3A_82, %dma_start3A] : memref<100000x128xf32, #tpu.memory_space<hbm>> -> memref<192x128xf32, #tpu.memory_space<hbm>>
      %dma_start3A_84 = arith.constant 0 : i32
      %dma_start3A_85 = tpu.memref_slice %arg2[%multiple_of3A_82, %dma_start3A_84] : memref<100000x128xf32, #tpu.memory_space<hbm>> -> memref<192x128xf32, #tpu.memory_space<hbm>>
      tpu.enqueue_dma source(%dma_start3A_85 : memref<192x128xf32, #tpu.memory_space<hbm>>) target(%arg6 : memref<192x128xf32, #tpu.memory_space<vmem>>) target_semaphore(%arg13 : memref<!tpu.dma_semaphore, #tpu.memory_space<semaphore_mem>>)
      %dma_start3A_86 = arith.constant 0 : i32
      %dma_start3A_87 = tpu.memref_slice %arg3[%multiple_of3A_82, %dma_start3A_86] : memref<100000x128xf32, #tpu.memory_space<hbm>> -> memref<192x128xf32, #tpu.memory_space<hbm>>
      %dma_start3A_88 = arith.constant 0 : i32
      %dma_start3A_89 = tpu.memref_slice %arg3[%multiple_of3A_82, %dma_start3A_88] : memref<100000x128xf32, #tpu.memory_space<hbm>> -> memref<192x128xf32, #tpu.memory_space<hbm>>
      tpu.enqueue_dma source(%dma_start3A_89 : memref<192x128xf32, #tpu.memory_space<hbm>>) target(%arg8 : memref<192x128xf32, #tpu.memory_space<vmem>>) target_semaphore(%arg15 : memref<!tpu.dma_semaphore, #tpu.memory_space<semaphore_mem>>)
    } else {
    }
    %while3A = arith.constant 0 : i32
    %while3A_64 = arith.constant 0 : i32
    %while3A_65 = arith.subi %select_n3A_61, %while3A_64 : i32
    %while3A_66 = arith.addi %while3A_64, %while3A_65 : i32
    %while3A_67 = arith.constant 1 : i32
    %while3A_68 = arith.divsi %while3A_65, %while3A_67 : i32
    %while3A_69 = arith.muli %while3A_68, %while3A_67 : i32
    %while3A_70 = arith.addi %while3A_64, %while3A_69 : i32
    %while3A_71 = arith.constant 1 : i32
    scf.for %while3A_79 = %while3A_64 to %while3A_70 step %while3A_71  : i32 {
      %add3A_80 = arith.constant 1 : i32
      %add3A_81 = arith.addi %while3A_79, %add3A_80 : i32
      %rem3A_82 = arith.constant 2 : i32
      %rem3A_83 = arith.remsi %while3A_79, %rem3A_82 : i32
      %eq3A = arith.constant 0 : i32
      %eq3A_84 = arith.cmpi eq, %rem3A_83, %eq3A : i32
      %convert_element_type3A_85 = arith.extui %eq3A_84 : i1 to i32
      %cond3A_86 = arith.constant 0 : i32
      %cond3A_87 = arith.cmpi ne, %convert_element_type3A_85, %cond3A_86 : i32
      scf.if %cond3A_87 {
        %dma_wait3A = arith.constant 0 : i32
        %dma_wait3A_95 = arith.constant 0 : i32
        %dma_wait3A_96 = tpu.memref_slice %arg2[%dma_wait3A, %dma_wait3A_95] : memref<100000x128xf32, #tpu.memory_space<hbm>> -> memref<192x128xf32, #tpu.memory_space<hbm>>
        %dma_wait3A_97 = arith.constant 0 : i32
        %dma_wait3A_98 = arith.constant 0 : i32
        %dma_wait3A_99 = tpu.memref_slice %arg2[%dma_wait3A_97, %dma_wait3A_98] : memref<100000x128xf32, #tpu.memory_space<hbm>> -> memref<192x128xf32, #tpu.memory_space<hbm>>
        tpu.wait_dma2 semaphore(%arg13 : memref<!tpu.dma_semaphore, #tpu.memory_space<semaphore_mem>>) src(%dma_wait3A_99 : memref<192x128xf32, #tpu.memory_space<hbm>>) dst(%arg6 : memref<192x128xf32, #tpu.memory_space<vmem>>)
        %dma_wait3A_100 = arith.constant 0 : i32
        %dma_wait3A_101 = arith.constant 0 : i32
        %dma_wait3A_102 = tpu.memref_slice %arg3[%dma_wait3A_100, %dma_wait3A_101] : memref<100000x128xf32, #tpu.memory_space<hbm>> -> memref<192x128xf32, #tpu.memory_space<hbm>>
        %dma_wait3A_103 = arith.constant 0 : i32
        %dma_wait3A_104 = arith.constant 0 : i32
        %dma_wait3A_105 = tpu.memref_slice %arg3[%dma_wait3A_103, %dma_wait3A_104] : memref<100000x128xf32, #tpu.memory_space<hbm>> -> memref<192x128xf32, #tpu.memory_space<hbm>>
        tpu.wait_dma2 semaphore(%arg15 : memref<!tpu.dma_semaphore, #tpu.memory_space<semaphore_mem>>) src(%dma_wait3A_105 : memref<192x128xf32, #tpu.memory_space<hbm>>) dst(%arg8 : memref<192x128xf32, #tpu.memory_space<vmem>>)
        %lt3A = arith.cmpi slt, %add3A_81, %select_n3A_61 : i32
        %convert_element_type3A_106 = arith.extui %lt3A : i1 to i32
        %cond3A_107 = arith.constant 0 : i32
        %cond3A_108 = arith.cmpi ne, %convert_element_type3A_106, %cond3A_107 : i32
        scf.if %cond3A_108 {
          %mul3A_123 = arith.constant 192 : i32
          %mul3A_124 = arith.muli %add3A_81, %mul3A_123 : i32
          %add3A_125 = arith.addi %mul3A_32, %mul3A_124 : i32
          %min3A_126 = arith.constant 99808 : i32
          %min3A_127 = arith.minsi %add3A_125, %min3A_126 : i32
          %multiple_of3A_128 = tpu.assume_multiple %min3A_127, 16 : i32
          %dma_start3A = arith.constant 0 : i32
          %dma_start3A_129 = tpu.memref_slice %arg2[%multiple_of3A_128, %dma_start3A] : memref<100000x128xf32, #tpu.memory_space<hbm>> -> memref<192x128xf32, #tpu.memory_space<hbm>>
          %dma_start3A_130 = arith.constant 0 : i32
          %dma_start3A_131 = tpu.memref_slice %arg2[%multiple_of3A_128, %dma_start3A_130] : memref<100000x128xf32, #tpu.memory_space<hbm>> -> memref<192x128xf32, #tpu.memory_space<hbm>>
          tpu.enqueue_dma source(%dma_start3A_131 : memref<192x128xf32, #tpu.memory_space<hbm>>) target(%arg7 : memref<192x128xf32, #tpu.memory_space<vmem>>) target_semaphore(%arg14 : memref<!tpu.dma_semaphore, #tpu.memory_space<semaphore_mem>>)
          %dma_start3A_132 = arith.constant 0 : i32
          %dma_start3A_133 = tpu.memref_slice %arg3[%multiple_of3A_128, %dma_start3A_132] : memref<100000x128xf32, #tpu.memory_space<hbm>> -> memref<192x128xf32, #tpu.memory_space<hbm>>
          %dma_start3A_134 = arith.constant 0 : i32
          %dma_start3A_135 = tpu.memref_slice %arg3[%multiple_of3A_128, %dma_start3A_134] : memref<100000x128xf32, #tpu.memory_space<hbm>> -> memref<192x128xf32, #tpu.memory_space<hbm>>
          tpu.enqueue_dma source(%dma_start3A_135 : memref<192x128xf32, #tpu.memory_space<hbm>>) target(%arg9 : memref<192x128xf32, #tpu.memory_space<vmem>>) target_semaphore(%arg16 : memref<!tpu.dma_semaphore, #tpu.memory_space<semaphore_mem>>)
        } else {
        }
        %mul3A_109 = arith.constant 192 : i32
        %mul3A_110 = arith.muli %while3A_79, %mul3A_109 : i32
        %add3A_111 = arith.addi %mul3A_32, %mul3A_110 : i32
        %mul3A_112 = arith.constant 192 : i32
        %mul3A_113 = arith.muli %while3A_79, %mul3A_112 : i32
        %add3A_114 = arith.addi %mul3A_32, %mul3A_113 : i32
        %min3A = arith.constant 99808 : i32
        %min3A_115 = arith.minsi %add3A_114, %min3A : i32
        %multiple_of3A_116 = tpu.assume_multiple %min3A_115, 16 : i32
        %scan3A_117 = arith.constant 0 : i32
        %scan3A_118 = arith.constant 0 : i32
        %scan3A_119 = arith.constant 32 : i32
        %scan3A_120 = arith.addi %scan3A_118, %scan3A_119 : i32
        %scan3A_121 = arith.constant 1 : i32
        scf.for %scan3A_123 = %scan3A_118 to %scan3A_120 step %scan3A_121  : i32 {
          %get3A_124 = arith.index_cast %scan3A_123 : i32 to index
          %get3A_125 = tpu.vector_load %arg10[%get3A_124] {strides = array<i32>} : memref<48xi32, #tpu.memory_space<vmem>>, vector<16xi32>,
          %get3A_126 = vector.shape_cast %get3A_125 : vector<16xi32> to vector<16xi32>
          %slice3A_127 = vector.extract_strided_slice %get3A_126 {offsets = [0], sizes = [1], strides = [1]} : vector<16xi32> to vector<1xi32>
          %squeeze3A_128 = vector.extract %slice3A_127[0] : i32 from vector<1xi32>
          %max3A = arith.maxsi %squeeze3A_128, %add3A_111 : i32
          %add3A_129 = arith.constant 1 : i32
          %add3A_130 = arith.addi %scan3A_123, %add3A_129 : i32
          %get3A_131 = arith.index_cast %add3A_130 : i32 to index
          %get3A_132 = tpu.vector_load %arg10[%get3A_131] {strides = array<i32>} : memref<48xi32, #tpu.memory_space<vmem>>, vector<16xi32>,
          %get3A_133 = vector.shape_cast %get3A_132 : vector<16xi32> to vector<16xi32>
          %slice3A_134 = vector.extract_strided_slice %get3A_133 {offsets = [0], sizes = [1], strides = [1]} : vector<16xi32> to vector<1xi32>
          %squeeze3A_135 = vector.extract %slice3A_134[0] : i32 from vector<1xi32>
          %add3A_136 = arith.constant 192 : i32
          %add3A_137 = arith.addi %multiple_of3A_116, %add3A_136 : i32
          %min3A_138 = arith.minsi %squeeze3A_135, %add3A_137 : i32
          %gt3A_139 = arith.cmpi sgt, %min3A_138, %max3A : i32
          %convert_element_type3A_140 = arith.extui %gt3A_139 : i1 to i32
          %cond3A_141 = arith.constant 0 : i32
          %cond3A_142 = arith.cmpi ne, %convert_element_type3A_140, %cond3A_141 : i32
          scf.if %cond3A_142 {
            %get3A_143 = arith.index_cast %scan3A_123 : i32 to index
            %get3A_144 = arith.constant 0 : index
            %get3A_145 = tpu.vector_load %arg11[%get3A_143, %get3A_144] {strides = array<i32>} : memref<32x256xf32, #tpu.memory_space<vmem>>, vector<1x16xf32>,
            %get3A_146 = vector.shape_cast %get3A_145 : vector<1x16xf32> to vector<16xf32>
            %get3A_147 = arith.index_cast %scan3A_123 : i32 to index
            %get3A_148 = arith.constant 16 : index
            %get3A_149 = tpu.vector_load %arg11[%get3A_147, %get3A_148] {strides = array<i32>} : memref<32x256xf32, #tpu.memory_space<vmem>>, vector<1x16xf32>,
            %get3A_150 = vector.shape_cast %get3A_149 : vector<1x16xf32> to vector<16xf32>
            %get3A_151 = arith.index_cast %scan3A_123 : i32 to index
            %get3A_152 = arith.constant 32 : index
            %get3A_153 = tpu.vector_load %arg11[%get3A_151, %get3A_152] {strides = array<i32>} : memref<32x256xf32, #tpu.memory_space<vmem>>, vector<1x16xf32>,
            %get3A_154 = vector.shape_cast %get3A_153 : vector<1x16xf32> to vector<16xf32>
            %get3A_155 = arith.index_cast %scan3A_123 : i32 to index
            %get3A_156 = arith.constant 48 : index
            %get3A_157 = tpu.vector_load %arg11[%get3A_155, %get3A_156] {strides = array<i32>} : memref<32x256xf32, #tpu.memory_space<vmem>>, vector<1x16xf32>,
            %get3A_158 = vector.shape_cast %get3A_157 : vector<1x16xf32> to vector<16xf32>
            %get3A_159 = arith.index_cast %scan3A_123 : i32 to index
            %get3A_160 = arith.constant 64 : index
            %get3A_161 = tpu.vector_load %arg11[%get3A_159, %get3A_160] {strides = array<i32>} : memref<32x256xf32, #tpu.memory_space<vmem>>, vector<1x16xf32>,
            %get3A_162 = vector.shape_cast %get3A_161 : vector<1x16xf32> to vector<16xf32>
            %get3A_163 = arith.index_cast %scan3A_123 : i32 to index
            %get3A_164 = arith.constant 80 : index
            %get3A_165 = tpu.vector_load %arg11[%get3A_163, %get3A_164] {strides = array<i32>} : memref<32x256xf32, #tpu.memory_space<vmem>>, vector<1x16xf32>,
            %get3A_166 = vector.shape_cast %get3A_165 : vector<1x16xf32> to vector<16xf32>
            %get3A_167 = arith.index_cast %scan3A_123 : i32 to index
            %get3A_168 = arith.constant 96 : index
            %get3A_169 = tpu.vector_load %arg11[%get3A_167, %get3A_168] {strides = array<i32>} : memref<32x256xf32, #tpu.memory_space<vmem>>, vector<1x16xf32>,
            %get3A_170 = vector.shape_cast %get3A_169 : vector<1x16xf32> to vector<16xf32>
            %get3A_171 = arith.index_cast %scan3A_123 : i32 to index
            %get3A_172 = arith.constant 112 : index
            %get3A_173 = tpu.vector_load %arg11[%get3A_171, %get3A_172] {strides = array<i32>} : memref<32x256xf32, #tpu.memory_space<vmem>>, vector<1x16xf32>,
            %get3A_174 = vector.shape_cast %get3A_173 : vector<1x16xf32> to vector<16xf32>
            %get3A_175 = arith.index_cast %scan3A_123 : i32 to index
            %get3A_176 = arith.constant 128 : index
            %get3A_177 = tpu.vector_load %arg11[%get3A_175, %get3A_176] {strides = array<i32>} : memref<32x256xf32, #tpu.memory_space<vmem>>, vector<1x16xf32>,
            %get3A_178 = vector.shape_cast %get3A_177 : vector<1x16xf32> to vector<16xf32>
            %get3A_179 = arith.index_cast %scan3A_123 : i32 to index
            %get3A_180 = arith.constant 144 : index
            %get3A_181 = tpu.vector_load %arg11[%get3A_179, %get3A_180] {strides = array<i32>} : memref<32x256xf32, #tpu.memory_space<vmem>>, vector<1x16xf32>,
            %get3A_182 = vector.shape_cast %get3A_181 : vector<1x16xf32> to vector<16xf32>
            %get3A_183 = arith.index_cast %scan3A_123 : i32 to index
            %get3A_184 = arith.constant 160 : index
            %get3A_185 = tpu.vector_load %arg11[%get3A_183, %get3A_184] {strides = array<i32>} : memref<32x256xf32, #tpu.memory_space<vmem>>, vector<1x16xf32>,
            %get3A_186 = vector.shape_cast %get3A_185 : vector<1x16xf32> to vector<16xf32>
            %get3A_187 = arith.index_cast %scan3A_123 : i32 to index
            %get3A_188 = arith.constant 176 : index
            %get3A_189 = tpu.vector_load %arg11[%get3A_187, %get3A_188] {strides = array<i32>} : memref<32x256xf32, #tpu.memory_space<vmem>>, vector<1x16xf32>,
            %get3A_190 = vector.shape_cast %get3A_189 : vector<1x16xf32> to vector<16xf32>
            %get3A_191 = arith.index_cast %scan3A_123 : i32 to index
            %get3A_192 = arith.constant 192 : index
            %get3A_193 = tpu.vector_load %arg11[%get3A_191, %get3A_192] {strides = array<i32>} : memref<32x256xf32, #tpu.memory_space<vmem>>, vector<1x16xf32>,
            %get3A_194 = vector.shape_cast %get3A_193 : vector<1x16xf32> to vector<16xf32>
            %get3A_195 = arith.index_cast %scan3A_123 : i32 to index
            %get3A_196 = arith.constant 208 : index
            %get3A_197 = tpu.vector_load %arg11[%get3A_195, %get3A_196] {strides = array<i32>} : memref<32x256xf32, #tpu.memory_space<vmem>>, vector<1x16xf32>,
            %get3A_198 = vector.shape_cast %get3A_197 : vector<1x16xf32> to vector<16xf32>
            %get3A_199 = arith.index_cast %scan3A_123 : i32 to index
            %get3A_200 = arith.constant 224 : index
            %get3A_201 = tpu.vector_load %arg11[%get3A_199, %get3A_200] {strides = array<i32>} : memref<32x256xf32, #tpu.memory_space<vmem>>, vector<1x16xf32>,
            %get3A_202 = vector.shape_cast %get3A_201 : vector<1x16xf32> to vector<16xf32>
            %get3A_203 = arith.index_cast %scan3A_123 : i32 to index
            %get3A_204 = arith.constant 240 : index
            %get3A_205 = tpu.vector_load %arg11[%get3A_203, %get3A_204] {strides = array<i32>} : memref<32x256xf32, #tpu.memory_space<vmem>>, vector<1x16xf32>,
            %get3A_206 = vector.shape_cast %get3A_205 : vector<1x16xf32> to vector<16xf32>
            %while3A_207 = arith.subi %min3A_138, %max3A : i32
            %while3A_208 = arith.addi %max3A, %while3A_207 : i32
            %while3A_209 = arith.constant 1 : i32
            %while3A_210 = arith.divsi %while3A_207, %while3A_209 : i32
            %while3A_211 = arith.muli %while3A_210, %while3A_209 : i32
            %while3A_212 = arith.addi %max3A, %while3A_211 : i32
            %while3A_213 = arith.constant 1 : i32
            %while3A_214:16 = scf.for %while3A_296 = %max3A to %while3A_212 step %while3A_213 iter_args(%while3A_297 = %get3A_146, %while3A_298 = %get3A_150, %while3A_299 = %get3A_154, %while3A_300 = %get3A_158, %while3A_301 = %get3A_162, %while3A_302 = %get3A_166, %while3A_303 = %get3A_170, %while3A_304 = %get3A_174, %while3A_305 = %get3A_178, %while3A_306 = %get3A_182, %while3A_307 = %get3A_186, %while3A_308 = %get3A_190, %while3A_309 = %get3A_194, %while3A_310 = %get3A_198, %while3A_311 = %get3A_202, %while3A_312 = %get3A_206) -> (vector<16xf32>, vector<16xf32>, vector<16xf32>, vector<16xf32>, vector<16xf32>, vector<16xf32>, vector<16xf32>, vector<16xf32>, vector<16xf32>, vector<16xf32>, vector<16xf32>, vector<16xf32>, vector<16xf32>, vector<16xf32>, vector<16xf32>, vector<16xf32>)  : i32 {
              %sub3A_313 = arith.subi %while3A_296, %multiple_of3A_116 : i32
              %get3A_314 = arith.index_cast %sub3A_313 : i32 to index
              %get3A_315 = arith.constant 0 : index
              %get3A_316 = tpu.vector_load %arg6[%get3A_314, %get3A_315] {strides = array<i32>} : memref<192x128xf32, #tpu.memory_space<vmem>>, vector<1x16xf32>,
              %get3A_317 = vector.shape_cast %get3A_316 : vector<1x16xf32> to vector<16xf32>
              %get3A_318 = arith.index_cast %sub3A_313 : i32 to index
              %get3A_319 = arith.constant 16 : index
              %get3A_320 = tpu.vector_load %arg6[%get3A_318, %get3A_319] {strides = array<i32>} : memref<192x128xf32, #tpu.memory_space<vmem>>, vector<1x16xf32>,
              %get3A_321 = vector.shape_cast %get3A_320 : vector<1x16xf32> to vector<16xf32>
              %get3A_322 = arith.index_cast %sub3A_313 : i32 to index
              %get3A_323 = arith.constant 32 : index
              %get3A_324 = tpu.vector_load %arg6[%get3A_322, %get3A_323] {strides = array<i32>} : memref<192x128xf32, #tpu.memory_space<vmem>>, vector<1x16xf32>,
              %get3A_325 = vector.shape_cast %get3A_324 : vector<1x16xf32> to vector<16xf32>
              %get3A_326 = arith.index_cast %sub3A_313 : i32 to index
              %get3A_327 = arith.constant 48 : index
              %get3A_328 = tpu.vector_load %arg6[%get3A_326, %get3A_327] {strides = array<i32>} : memref<192x128xf32, #tpu.memory_space<vmem>>, vector<1x16xf32>,
              %get3A_329 = vector.shape_cast %get3A_328 : vector<1x16xf32> to vector<16xf32>
              %get3A_330 = arith.index_cast %sub3A_313 : i32 to index
              %get3A_331 = arith.constant 64 : index
              %get3A_332 = tpu.vector_load %arg6[%get3A_330, %get3A_331] {strides = array<i32>} : memref<192x128xf32, #tpu.memory_space<vmem>>, vector<1x16xf32>,
              %get3A_333 = vector.shape_cast %get3A_332 : vector<1x16xf32> to vector<16xf32>
              %get3A_334 = arith.index_cast %sub3A_313 : i32 to index
              %get3A_335 = arith.constant 80 : index
              %get3A_336 = tpu.vector_load %arg6[%get3A_334, %get3A_335] {strides = array<i32>} : memref<192x128xf32, #tpu.memory_space<vmem>>, vector<1x16xf32>,
              %get3A_337 = vector.shape_cast %get3A_336 : vector<1x16xf32> to vector<16xf32>
              %get3A_338 = arith.index_cast %sub3A_313 : i32 to index
              %get3A_339 = arith.constant 96 : index
              %get3A_340 = tpu.vector_load %arg6[%get3A_338, %get3A_339] {strides = array<i32>} : memref<192x128xf32, #tpu.memory_space<vmem>>, vector<1x16xf32>,
              %get3A_341 = vector.shape_cast %get3A_340 : vector<1x16xf32> to vector<16xf32>
              %get3A_342 = arith.index_cast %sub3A_313 : i32 to index
              %get3A_343 = arith.constant 112 : index
              %get3A_344 = tpu.vector_load %arg6[%get3A_342, %get3A_343] {strides = array<i32>} : memref<192x128xf32, #tpu.memory_space<vmem>>, vector<1x16xf32>,
              %get3A_345 = vector.shape_cast %get3A_344 : vector<1x16xf32> to vector<16xf32>
              %get3A_346 = arith.index_cast %sub3A_313 : i32 to index
              %get3A_347 = arith.constant 0 : index
              %get3A_348 = tpu.vector_load %arg8[%get3A_346, %get3A_347] {strides = array<i32>} : memref<192x128xf32, #tpu.memory_space<vmem>>, vector<1x16xf32>,
              %get3A_349 = vector.shape_cast %get3A_348 : vector<1x16xf32> to vector<16xf32>
              %get3A_350 = arith.index_cast %sub3A_313 : i32 to index
              %get3A_351 = arith.constant 16 : index
              %get3A_352 = tpu.vector_load %arg8[%get3A_350, %get3A_351] {strides = array<i32>} : memref<192x128xf32, #tpu.memory_space<vmem>>, vector<1x16xf32>,
              %get3A_353 = vector.shape_cast %get3A_352 : vector<1x16xf32> to vector<16xf32>
              %get3A_354 = arith.index_cast %sub3A_313 : i32 to index
              %get3A_355 = arith.constant 32 : index
              %get3A_356 = tpu.vector_load %arg8[%get3A_354, %get3A_355] {strides = array<i32>} : memref<192x128xf32, #tpu.memory_space<vmem>>, vector<1x16xf32>,
              %get3A_357 = vector.shape_cast %get3A_356 : vector<1x16xf32> to vector<16xf32>
              %get3A_358 = arith.index_cast %sub3A_313 : i32 to index
              %get3A_359 = arith.constant 48 : index
              %get3A_360 = tpu.vector_load %arg8[%get3A_358, %get3A_359] {strides = array<i32>} : memref<192x128xf32, #tpu.memory_space<vmem>>, vector<1x16xf32>,
              %get3A_361 = vector.shape_cast %get3A_360 : vector<1x16xf32> to vector<16xf32>
              %get3A_362 = arith.index_cast %sub3A_313 : i32 to index
              %get3A_363 = arith.constant 64 : index
              %get3A_364 = tpu.vector_load %arg8[%get3A_362, %get3A_363] {strides = array<i32>} : memref<192x128xf32, #tpu.memory_space<vmem>>, vector<1x16xf32>,
              %get3A_365 = vector.shape_cast %get3A_364 : vector<1x16xf32> to vector<16xf32>
              %get3A_366 = arith.index_cast %sub3A_313 : i32 to index
              %get3A_367 = arith.constant 80 : index
              %get3A_368 = tpu.vector_load %arg8[%get3A_366, %get3A_367] {strides = array<i32>} : memref<192x128xf32, #tpu.memory_space<vmem>>, vector<1x16xf32>,
              %get3A_369 = vector.shape_cast %get3A_368 : vector<1x16xf32> to vector<16xf32>
              %get3A_370 = arith.index_cast %sub3A_313 : i32 to index
              %get3A_371 = arith.constant 96 : index
              %get3A_372 = tpu.vector_load %arg8[%get3A_370, %get3A_371] {strides = array<i32>} : memref<192x128xf32, #tpu.memory_space<vmem>>, vector<1x16xf32>,
              %get3A_373 = vector.shape_cast %get3A_372 : vector<1x16xf32> to vector<16xf32>
              %get3A_374 = arith.index_cast %sub3A_313 : i32 to index
              %get3A_375 = arith.constant 112 : index
              %get3A_376 = tpu.vector_load %arg8[%get3A_374, %get3A_375] {strides = array<i32>} : memref<192x128xf32, #tpu.memory_space<vmem>>, vector<1x16xf32>,
              %get3A_377 = vector.shape_cast %get3A_376 : vector<1x16xf32> to vector<16xf32>
              %add3A_378 = arith.addf %while3A_297, %get3A_317 : vector<16xf32>
              %add3A_379 = arith.addf %while3A_298, %get3A_321 : vector<16xf32>
              %add3A_380 = arith.addf %while3A_299, %get3A_325 : vector<16xf32>
              %add3A_381 = arith.addf %while3A_300, %get3A_329 : vector<16xf32>
              %add3A_382 = arith.addf %while3A_301, %get3A_333 : vector<16xf32>
              %add3A_383 = arith.addf %while3A_302, %get3A_337 : vector<16xf32>
              %add3A_384 = arith.addf %while3A_303, %get3A_341 : vector<16xf32>
              %add3A_385 = arith.addf %while3A_304, %get3A_345 : vector<16xf32>
              %mul3A_386 = arith.mulf %get3A_349, %get3A_317 : vector<16xf32>
              %add3A_387 = arith.addf %while3A_305, %mul3A_386 : vector<16xf32>
              %mul3A_388 = arith.mulf %get3A_353, %get3A_321 : vector<16xf32>
              %add3A_389 = arith.addf %while3A_306, %mul3A_388 : vector<16xf32>
              %mul3A_390 = arith.mulf %get3A_357, %get3A_325 : vector<16xf32>
              %add3A_391 = arith.addf %while3A_307, %mul3A_390 : vector<16xf32>
              %mul3A_392 = arith.mulf %get3A_361, %get3A_329 : vector<16xf32>
              %add3A_393 = arith.addf %while3A_308, %mul3A_392 : vector<16xf32>
              %mul3A_394 = arith.mulf %get3A_365, %get3A_333 : vector<16xf32>
              %add3A_395 = arith.addf %while3A_309, %mul3A_394 : vector<16xf32>
              %mul3A_396 = arith.mulf %get3A_369, %get3A_337 : vector<16xf32>
              %add3A_397 = arith.addf %while3A_310, %mul3A_396 : vector<16xf32>
              %mul3A_398 = arith.mulf %get3A_373, %get3A_341 : vector<16xf32>
              %add3A_399 = arith.addf %while3A_311, %mul3A_398 : vector<16xf32>
              %mul3A_400 = arith.mulf %get3A_377, %get3A_345 : vector<16xf32>
              %add3A_401 = arith.addf %while3A_312, %mul3A_400 : vector<16xf32>
              scf.yield %add3A_378, %add3A_379, %add3A_380, %add3A_381, %add3A_382, %add3A_383, %add3A_384, %add3A_385, %add3A_387, %add3A_389, %add3A_391, %add3A_393, %add3A_395, %add3A_397, %add3A_399, %add3A_401 : vector<16xf32>, vector<16xf32>, vector<16xf32>, vector<16xf32>, vector<16xf32>, vector<16xf32>, vector<16xf32>, vector<16xf32>, vector<16xf32>, vector<16xf32>, vector<16xf32>, vector<16xf32>, vector<16xf32>, vector<16xf32>, vector<16xf32>, vector<16xf32>
            }
            %while3A_215 = arith.constant 1 : i32
            %while3A_216:16 = scf.for %while3A_296 = %while3A_212 to %while3A_208 step %while3A_215 iter_args(%while3A_297 = %while3A_214#0, %while3A_298 = %while3A_214#1, %while3A_299 = %while3A_214#2, %while3A_300 = %while3A_214#3, %while3A_301 = %while3A_214#4, %while3A_302 = %while3A_214#5, %while3A_303 = %while3A_214#6, %while3A_304 = %while3A_214#7, %while3A_305 = %while3A_214#8, %while3A_306 = %while3A_214#9, %while3A_307 = %while3A_214#10, %while3A_308 = %while3A_214#11, %while3A_309 = %while3A_214#12, %while3A_310 = %while3A_214#13, %while3A_311 = %while3A_214#14, %while3A_312 = %while3A_214#15) -> (vector<16xf32>, vector<16xf32>, vector<16xf32>, vector<16xf32>, vector<16xf32>, vector<16xf32>, vector<16xf32>, vector<16xf32>, vector<16xf32>, vector<16xf32>, vector<16xf32>, vector<16xf32>, vector<16xf32>, vector<16xf32>, vector<16xf32>, vector<16xf32>)  : i32 {
              %sub3A_313 = arith.subi %while3A_296, %multiple_of3A_116 : i32
              %get3A_314 = arith.index_cast %sub3A_313 : i32 to index
              %get3A_315 = arith.constant 0 : index
              %get3A_316 = tpu.vector_load %arg6[%get3A_314, %get3A_315] {strides = array<i32>} : memref<192x128xf32, #tpu.memory_space<vmem>>, vector<1x16xf32>,
              %get3A_317 = vector.shape_cast %get3A_316 : vector<1x16xf32> to vector<16xf32>
              %get3A_318 = arith.index_cast %sub3A_313 : i32 to index
              %get3A_319 = arith.constant 16 : index
              %get3A_320 = tpu.vector_load %arg6[%get3A_318, %get3A_319] {strides = array<i32>} : memref<192x128xf32, #tpu.memory_space<vmem>>, vector<1x16xf32>,
              %get3A_321 = vector.shape_cast %get3A_320 : vector<1x16xf32> to vector<16xf32>
              %get3A_322 = arith.index_cast %sub3A_313 : i32 to index
              %get3A_323 = arith.constant 32 : index
              %get3A_324 = tpu.vector_load %arg6[%get3A_322, %get3A_323] {strides = array<i32>} : memref<192x128xf32, #tpu.memory_space<vmem>>, vector<1x16xf32>,
              %get3A_325 = vector.shape_cast %get3A_324 : vector<1x16xf32> to vector<16xf32>
              %get3A_326 = arith.index_cast %sub3A_313 : i32 to index
              %get3A_327 = arith.constant 48 : index
              %get3A_328 = tpu.vector_load %arg6[%get3A_326, %get3A_327] {strides = array<i32>} : memref<192x128xf32, #tpu.memory_space<vmem>>, vector<1x16xf32>,
              %get3A_329 = vector.shape_cast %get3A_328 : vector<1x16xf32> to vector<16xf32>
              %get3A_330 = arith.index_cast %sub3A_313 : i32 to index
              %get3A_331 = arith.constant 64 : index
              %get3A_332 = tpu.vector_load %arg6[%get3A_330, %get3A_331] {strides = array<i32>} : memref<192x128xf32, #tpu.memory_space<vmem>>, vector<1x16xf32>,
              %get3A_333 = vector.shape_cast %get3A_332 : vector<1x16xf32> to vector<16xf32>
              %get3A_334 = arith.index_cast %sub3A_313 : i32 to index
              %get3A_335 = arith.constant 80 : index
              %get3A_336 = tpu.vector_load %arg6[%get3A_334, %get3A_335] {strides = array<i32>} : memref<192x128xf32, #tpu.memory_space<vmem>>, vector<1x16xf32>,
              %get3A_337 = vector.shape_cast %get3A_336 : vector<1x16xf32> to vector<16xf32>
              %get3A_338 = arith.index_cast %sub3A_313 : i32 to index
              %get3A_339 = arith.constant 96 : index
              %get3A_340 = tpu.vector_load %arg6[%get3A_338, %get3A_339] {strides = array<i32>} : memref<192x128xf32, #tpu.memory_space<vmem>>, vector<1x16xf32>,
              %get3A_341 = vector.shape_cast %get3A_340 : vector<1x16xf32> to vector<16xf32>
              %get3A_342 = arith.index_cast %sub3A_313 : i32 to index
              %get3A_343 = arith.constant 112 : index
              %get3A_344 = tpu.vector_load %arg6[%get3A_342, %get3A_343] {strides = array<i32>} : memref<192x128xf32, #tpu.memory_space<vmem>>, vector<1x16xf32>,
              %get3A_345 = vector.shape_cast %get3A_344 : vector<1x16xf32> to vector<16xf32>
              %get3A_346 = arith.index_cast %sub3A_313 : i32 to index
              %get3A_347 = arith.constant 0 : index
              %get3A_348 = tpu.vector_load %arg8[%get3A_346, %get3A_347] {strides = array<i32>} : memref<192x128xf32, #tpu.memory_space<vmem>>, vector<1x16xf32>,
              %get3A_349 = vector.shape_cast %get3A_348 : vector<1x16xf32> to vector<16xf32>
              %get3A_350 = arith.index_cast %sub3A_313 : i32 to index
              %get3A_351 = arith.constant 16 : index
              %get3A_352 = tpu.vector_load %arg8[%get3A_350, %get3A_351] {strides = array<i32>} : memref<192x128xf32, #tpu.memory_space<vmem>>, vector<1x16xf32>,
              %get3A_353 = vector.shape_cast %get3A_352 : vector<1x16xf32> to vector<16xf32>
              %get3A_354 = arith.index_cast %sub3A_313 : i32 to index
              %get3A_355 = arith.constant 32 : index
              %get3A_356 = tpu.vector_load %arg8[%get3A_354, %get3A_355] {strides = array<i32>} : memref<192x128xf32, #tpu.memory_space<vmem>>, vector<1x16xf32>,
              %get3A_357 = vector.shape_cast %get3A_356 : vector<1x16xf32> to vector<16xf32>
              %get3A_358 = arith.index_cast %sub3A_313 : i32 to index
              %get3A_359 = arith.constant 48 : index
              %get3A_360 = tpu.vector_load %arg8[%get3A_358, %get3A_359] {strides = array<i32>} : memref<192x128xf32, #tpu.memory_space<vmem>>, vector<1x16xf32>,
              %get3A_361 = vector.shape_cast %get3A_360 : vector<1x16xf32> to vector<16xf32>
              %get3A_362 = arith.index_cast %sub3A_313 : i32 to index
              %get3A_363 = arith.constant 64 : index
              %get3A_364 = tpu.vector_load %arg8[%get3A_362, %get3A_363] {strides = array<i32>} : memref<192x128xf32, #tpu.memory_space<vmem>>, vector<1x16xf32>,
              %get3A_365 = vector.shape_cast %get3A_364 : vector<1x16xf32> to vector<16xf32>
              %get3A_366 = arith.index_cast %sub3A_313 : i32 to index
              %get3A_367 = arith.constant 80 : index
              %get3A_368 = tpu.vector_load %arg8[%get3A_366, %get3A_367] {strides = array<i32>} : memref<192x128xf32, #tpu.memory_space<vmem>>, vector<1x16xf32>,
              %get3A_369 = vector.shape_cast %get3A_368 : vector<1x16xf32> to vector<16xf32>
              %get3A_370 = arith.index_cast %sub3A_313 : i32 to index
              %get3A_371 = arith.constant 96 : index
              %get3A_372 = tpu.vector_load %arg8[%get3A_370, %get3A_371] {strides = array<i32>} : memref<192x128xf32, #tpu.memory_space<vmem>>, vector<1x16xf32>,
              %get3A_373 = vector.shape_cast %get3A_372 : vector<1x16xf32> to vector<16xf32>
              %get3A_374 = arith.index_cast %sub3A_313 : i32 to index
              %get3A_375 = arith.constant 112 : index
              %get3A_376 = tpu.vector_load %arg8[%get3A_374, %get3A_375] {strides = array<i32>} : memref<192x128xf32, #tpu.memory_space<vmem>>, vector<1x16xf32>,
              %get3A_377 = vector.shape_cast %get3A_376 : vector<1x16xf32> to vector<16xf32>
              %add3A_378 = arith.addf %while3A_297, %get3A_317 : vector<16xf32>
              %add3A_379 = arith.addf %while3A_298, %get3A_321 : vector<16xf32>
              %add3A_380 = arith.addf %while3A_299, %get3A_325 : vector<16xf32>
              %add3A_381 = arith.addf %while3A_300, %get3A_329 : vector<16xf32>
              %add3A_382 = arith.addf %while3A_301, %get3A_333 : vector<16xf32>
              %add3A_383 = arith.addf %while3A_302, %get3A_337 : vector<16xf32>
              %add3A_384 = arith.addf %while3A_303, %get3A_341 : vector<16xf32>
              %add3A_385 = arith.addf %while3A_304, %get3A_345 : vector<16xf32>
              %mul3A_386 = arith.mulf %get3A_349, %get3A_317 : vector<16xf32>
              %add3A_387 = arith.addf %while3A_305, %mul3A_386 : vector<16xf32>
              %mul3A_388 = arith.mulf %get3A_353, %get3A_321 : vector<16xf32>
              %add3A_389 = arith.addf %while3A_306, %mul3A_388 : vector<16xf32>
              %mul3A_390 = arith.mulf %get3A_357, %get3A_325 : vector<16xf32>
              %add3A_391 = arith.addf %while3A_307, %mul3A_390 : vector<16xf32>
              %mul3A_392 = arith.mulf %get3A_361, %get3A_329 : vector<16xf32>
              %add3A_393 = arith.addf %while3A_308, %mul3A_392 : vector<16xf32>
              %mul3A_394 = arith.mulf %get3A_365, %get3A_333 : vector<16xf32>
              %add3A_395 = arith.addf %while3A_309, %mul3A_394 : vector<16xf32>
              %mul3A_396 = arith.mulf %get3A_369, %get3A_337 : vector<16xf32>
              %add3A_397 = arith.addf %while3A_310, %mul3A_396 : vector<16xf32>
              %mul3A_398 = arith.mulf %get3A_373, %get3A_341 : vector<16xf32>
              %add3A_399 = arith.addf %while3A_311, %mul3A_398 : vector<16xf32>
              %mul3A_400 = arith.mulf %get3A_377, %get3A_345 : vector<16xf32>
              %add3A_401 = arith.addf %while3A_312, %mul3A_400 : vector<16xf32>
              scf.yield %add3A_378, %add3A_379, %add3A_380, %add3A_381, %add3A_382, %add3A_383, %add3A_384, %add3A_385, %add3A_387, %add3A_389, %add3A_391, %add3A_393, %add3A_395, %add3A_397, %add3A_399, %add3A_401 : vector<16xf32>, vector<16xf32>, vector<16xf32>, vector<16xf32>, vector<16xf32>, vector<16xf32>, vector<16xf32>, vector<16xf32>, vector<16xf32>, vector<16xf32>, vector<16xf32>, vector<16xf32>, vector<16xf32>, vector<16xf32>, vector<16xf32>, vector<16xf32>
            }
            %swap3A = arith.index_cast %scan3A_123 : i32 to index
            %swap3A_217 = arith.constant 0 : index
            %swap3A_218 = tpu.vector_load %arg11[%swap3A, %swap3A_217] {strides = array<i32>} : memref<32x256xf32, #tpu.memory_space<vmem>>, vector<1x16xf32>,
            %swap3A_219 = vector.shape_cast %swap3A_218 : vector<1x16xf32> to vector<16xf32>
            %swap3A_220 = vector.shape_cast %while3A_216#0 : vector<16xf32> to vector<1x16xf32>
            tpu.vector_store %arg11[%swap3A, %swap3A_217], %swap3A_220 {strides = array<i32>} : memref<32x256xf32, #tpu.memory_space<vmem>>, vector<1x16xf32>,
            %swap3A_221 = arith.index_cast %scan3A_123 : i32 to index
            %swap3A_222 = arith.constant 16 : index
            %swap3A_223 = tpu.vector_load %arg11[%swap3A_221, %swap3A_222] {strides = array<i32>} : memref<32x256xf32, #tpu.memory_space<vmem>>, vector<1x16xf32>,
            %swap3A_224 = vector.shape_cast %swap3A_223 : vector<1x16xf32> to vector<16xf32>
            %swap3A_225 = vector.shape_cast %while3A_216#1 : vector<16xf32> to vector<1x16xf32>
            tpu.vector_store %arg11[%swap3A_221, %swap3A_222], %swap3A_225 {strides = array<i32>} : memref<32x256xf32, #tpu.memory_space<vmem>>, vector<1x16xf32>,
            %swap3A_226 = arith.index_cast %scan3A_123 : i32 to index
            %swap3A_227 = arith.constant 32 : index
            %swap3A_228 = tpu.vector_load %arg11[%swap3A_226, %swap3A_227] {strides = array<i32>} : memref<32x256xf32, #tpu.memory_space<vmem>>, vector<1x16xf32>,
            %swap3A_229 = vector.shape_cast %swap3A_228 : vector<1x16xf32> to vector<16xf32>
            %swap3A_230 = vector.shape_cast %while3A_216#2 : vector<16xf32> to vector<1x16xf32>
            tpu.vector_store %arg11[%swap3A_226, %swap3A_227], %swap3A_230 {strides = array<i32>} : memref<32x256xf32, #tpu.memory_space<vmem>>, vector<1x16xf32>,
            %swap3A_231 = arith.index_cast %scan3A_123 : i32 to index
            %swap3A_232 = arith.constant 48 : index
            %swap3A_233 = tpu.vector_load %arg11[%swap3A_231, %swap3A_232] {strides = array<i32>} : memref<32x256xf32, #tpu.memory_space<vmem>>, vector<1x16xf32>,
            %swap3A_234 = vector.shape_cast %swap3A_233 : vector<1x16xf32> to vector<16xf32>
            %swap3A_235 = vector.shape_cast %while3A_216#3 : vector<16xf32> to vector<1x16xf32>
            tpu.vector_store %arg11[%swap3A_231, %swap3A_232], %swap3A_235 {strides = array<i32>} : memref<32x256xf32, #tpu.memory_space<vmem>>, vector<1x16xf32>,
            %swap3A_236 = arith.index_cast %scan3A_123 : i32 to index
            %swap3A_237 = arith.constant 64 : index
            %swap3A_238 = tpu.vector_load %arg11[%swap3A_236, %swap3A_237] {strides = array<i32>} : memref<32x256xf32, #tpu.memory_space<vmem>>, vector<1x16xf32>,
            %swap3A_239 = vector.shape_cast %swap3A_238 : vector<1x16xf32> to vector<16xf32>
            %swap3A_240 = vector.shape_cast %while3A_216#4 : vector<16xf32> to vector<1x16xf32>
            tpu.vector_store %arg11[%swap3A_236, %swap3A_237], %swap3A_240 {strides = array<i32>} : memref<32x256xf32, #tpu.memory_space<vmem>>, vector<1x16xf32>,
            %swap3A_241 = arith.index_cast %scan3A_123 : i32 to index
            %swap3A_242 = arith.constant 80 : index
            %swap3A_243 = tpu.vector_load %arg11[%swap3A_241, %swap3A_242] {strides = array<i32>} : memref<32x256xf32, #tpu.memory_space<vmem>>, vector<1x16xf32>,
            %swap3A_244 = vector.shape_cast %swap3A_243 : vector<1x16xf32> to vector<16xf32>
            %swap3A_245 = vector.shape_cast %while3A_216#5 : vector<16xf32> to vector<1x16xf32>
            tpu.vector_store %arg11[%swap3A_241, %swap3A_242], %swap3A_245 {strides = array<i32>} : memref<32x256xf32, #tpu.memory_space<vmem>>, vector<1x16xf32>,
            %swap3A_246 = arith.index_cast %scan3A_123 : i32 to index
            %swap3A_247 = arith.constant 96 : index
            %swap3A_248 = tpu.vector_load %arg11[%swap3A_246, %swap3A_247] {strides = array<i32>} : memref<32x256xf32, #tpu.memory_space<vmem>>, vector<1x16xf32>,
            %swap3A_249 = vector.shape_cast %swap3A_248 : vector<1x16xf32> to vector<16xf32>
            %swap3A_250 = vector.shape_cast %while3A_216#6 : vector<16xf32> to vector<1x16xf32>
            tpu.vector_store %arg11[%swap3A_246, %swap3A_247], %swap3A_250 {strides = array<i32>} : memref<32x256xf32, #tpu.memory_space<vmem>>, vector<1x16xf32>,
            %swap3A_251 = arith.index_cast %scan3A_123 : i32 to index
            %swap3A_252 = arith.constant 112 : index
            %swap3A_253 = tpu.vector_load %arg11[%swap3A_251, %swap3A_252] {strides = array<i32>} : memref<32x256xf32, #tpu.memory_space<vmem>>, vector<1x16xf32>,
            %swap3A_254 = vector.shape_cast %swap3A_253 : vector<1x16xf32> to vector<16xf32>
            %swap3A_255 = vector.shape_cast %while3A_216#7 : vector<16xf32> to vector<1x16xf32>
            tpu.vector_store %arg11[%swap3A_251, %swap3A_252], %swap3A_255 {strides = array<i32>} : memref<32x256xf32, #tpu.memory_space<vmem>>, vector<1x16xf32>,
            %swap3A_256 = arith.index_cast %scan3A_123 : i32 to index
            %swap3A_257 = arith.constant 128 : index
            %swap3A_258 = tpu.vector_load %arg11[%swap3A_256, %swap3A_257] {strides = array<i32>} : memref<32x256xf32, #tpu.memory_space<vmem>>, vector<1x16xf32>,
            %swap3A_259 = vector.shape_cast %swap3A_258 : vector<1x16xf32> to vector<16xf32>
            %swap3A_260 = vector.shape_cast %while3A_216#8 : vector<16xf32> to vector<1x16xf32>
            tpu.vector_store %arg11[%swap3A_256, %swap3A_257], %swap3A_260 {strides = array<i32>} : memref<32x256xf32, #tpu.memory_space<vmem>>, vector<1x16xf32>,
            %swap3A_261 = arith.index_cast %scan3A_123 : i32 to index
            %swap3A_262 = arith.constant 144 : index
            %swap3A_263 = tpu.vector_load %arg11[%swap3A_261, %swap3A_262] {strides = array<i32>} : memref<32x256xf32, #tpu.memory_space<vmem>>, vector<1x16xf32>,
            %swap3A_264 = vector.shape_cast %swap3A_263 : vector<1x16xf32> to vector<16xf32>
            %swap3A_265 = vector.shape_cast %while3A_216#9 : vector<16xf32> to vector<1x16xf32>
            tpu.vector_store %arg11[%swap3A_261, %swap3A_262], %swap3A_265 {strides = array<i32>} : memref<32x256xf32, #tpu.memory_space<vmem>>, vector<1x16xf32>,
            %swap3A_266 = arith.index_cast %scan3A_123 : i32 to index
            %swap3A_267 = arith.constant 160 : index
            %swap3A_268 = tpu.vector_load %arg11[%swap3A_266, %swap3A_267] {strides = array<i32>} : memref<32x256xf32, #tpu.memory_space<vmem>>, vector<1x16xf32>,
            %swap3A_269 = vector.shape_cast %swap3A_268 : vector<1x16xf32> to vector<16xf32>
            %swap3A_270 = vector.shape_cast %while3A_216#10 : vector<16xf32> to vector<1x16xf32>
            tpu.vector_store %arg11[%swap3A_266, %swap3A_267], %swap3A_270 {strides = array<i32>} : memref<32x256xf32, #tpu.memory_space<vmem>>, vector<1x16xf32>,
            %swap3A_271 = arith.index_cast %scan3A_123 : i32 to index
            %swap3A_272 = arith.constant 176 : index
            %swap3A_273 = tpu.vector_load %arg11[%swap3A_271, %swap3A_272] {strides = array<i32>} : memref<32x256xf32, #tpu.memory_space<vmem>>, vector<1x16xf32>,
            %swap3A_274 = vector.shape_cast %swap3A_273 : vector<1x16xf32> to vector<16xf32>
            %swap3A_275 = vector.shape_cast %while3A_216#11 : vector<16xf32> to vector<1x16xf32>
            tpu.vector_store %arg11[%swap3A_271, %swap3A_272], %swap3A_275 {strides = array<i32>} : memref<32x256xf32, #tpu.memory_space<vmem>>, vector<1x16xf32>,
            %swap3A_276 = arith.index_cast %scan3A_123 : i32 to index
            %swap3A_277 = arith.constant 192 : index
            %swap3A_278 = tpu.vector_load %arg11[%swap3A_276, %swap3A_277] {strides = array<i32>} : memref<32x256xf32, #tpu.memory_space<vmem>>, vector<1x16xf32>,
            %swap3A_279 = vector.shape_cast %swap3A_278 : vector<1x16xf32> to vector<16xf32>
            %swap3A_280 = vector.shape_cast %while3A_216#12 : vector<16xf32> to vector<1x16xf32>
            tpu.vector_store %arg11[%swap3A_276, %swap3A_277], %swap3A_280 {strides = array<i32>} : memref<32x256xf32, #tpu.memory_space<vmem>>, vector<1x16xf32>,
            %swap3A_281 = arith.index_cast %scan3A_123 : i32 to index
            %swap3A_282 = arith.constant 208 : index
            %swap3A_283 = tpu.vector_load %arg11[%swap3A_281, %swap3A_282] {strides = array<i32>} : memref<32x256xf32, #tpu.memory_space<vmem>>, vector<1x16xf32>,
            %swap3A_284 = vector.shape_cast %swap3A_283 : vector<1x16xf32> to vector<16xf32>
            %swap3A_285 = vector.shape_cast %while3A_216#13 : vector<16xf32> to vector<1x16xf32>
            tpu.vector_store %arg11[%swap3A_281, %swap3A_282], %swap3A_285 {strides = array<i32>} : memref<32x256xf32, #tpu.memory_space<vmem>>, vector<1x16xf32>,
            %swap3A_286 = arith.index_cast %scan3A_123 : i32 to index
            %swap3A_287 = arith.constant 224 : index
            %swap3A_288 = tpu.vector_load %arg11[%swap3A_286, %swap3A_287] {strides = array<i32>} : memref<32x256xf32, #tpu.memory_space<vmem>>, vector<1x16xf32>,
            %swap3A_289 = vector.shape_cast %swap3A_288 : vector<1x16xf32> to vector<16xf32>
            %swap3A_290 = vector.shape_cast %while3A_216#14 : vector<16xf32> to vector<1x16xf32>
            tpu.vector_store %arg11[%swap3A_286, %swap3A_287], %swap3A_290 {strides = array<i32>} : memref<32x256xf32, #tpu.memory_space<vmem>>, vector<1x16xf32>,
            %swap3A_291 = arith.index_cast %scan3A_123 : i32 to index
            %swap3A_292 = arith.constant 240 : index
            %swap3A_293 = tpu.vector_load %arg11[%swap3A_291, %swap3A_292] {strides = array<i32>} : memref<32x256xf32, #tpu.memory_space<vmem>>, vector<1x16xf32>,
            %swap3A_294 = vector.shape_cast %swap3A_293 : vector<1x16xf32> to vector<16xf32>
            %swap3A_295 = vector.shape_cast %while3A_216#15 : vector<16xf32> to vector<1x16xf32>
            tpu.vector_store %arg11[%swap3A_291, %swap3A_292], %swap3A_295 {strides = array<i32>} : memref<32x256xf32, #tpu.memory_space<vmem>>, vector<1x16xf32>,
          } else {
          }
        }
        %scan3A_122 = arith.constant 32 : i32
      } else {
      }
      %rem3A_88 = arith.constant 2 : i32
      %rem3A_89 = arith.remsi %while3A_79, %rem3A_88 : i32
      %eq3A_90 = arith.constant 1 : i32
      %eq3A_91 = arith.cmpi eq, %rem3A_89, %eq3A_90 : i32
      %convert_element_type3A_92 = arith.extui %eq3A_91 : i1 to i32
      %cond3A_93 = arith.constant 0 : i32
      %cond3A_94 = arith.cmpi ne, %convert_element_type3A_92, %cond3A_93 : i32
      scf.if %cond3A_94 {
        %dma_wait3A = arith.constant 0 : i32
        %dma_wait3A_95 = arith.constant 0 : i32
        %dma_wait3A_96 = tpu.memref_slice %arg2[%dma_wait3A, %dma_wait3A_95] : memref<100000x128xf32, #tpu.memory_space<hbm>> -> memref<192x128xf32, #tpu.memory_space<hbm>>
        %dma_wait3A_97 = arith.constant 0 : i32
        %dma_wait3A_98 = arith.constant 0 : i32
        %dma_wait3A_99 = tpu.memref_slice %arg2[%dma_wait3A_97, %dma_wait3A_98] : memref<100000x128xf32, #tpu.memory_space<hbm>> -> memref<192x128xf32, #tpu.memory_space<hbm>>
        tpu.wait_dma2 semaphore(%arg14 : memref<!tpu.dma_semaphore, #tpu.memory_space<semaphore_mem>>) src(%dma_wait3A_99 : memref<192x128xf32, #tpu.memory_space<hbm>>) dst(%arg7 : memref<192x128xf32, #tpu.memory_space<vmem>>)
        %dma_wait3A_100 = arith.constant 0 : i32
        %dma_wait3A_101 = arith.constant 0 : i32
        %dma_wait3A_102 = tpu.memref_slice %arg3[%dma_wait3A_100, %dma_wait3A_101] : memref<100000x128xf32, #tpu.memory_space<hbm>> -> memref<192x128xf32, #tpu.memory_space<hbm>>
        %dma_wait3A_103 = arith.constant 0 : i32
        %dma_wait3A_104 = arith.constant 0 : i32
        %dma_wait3A_105 = tpu.memref_slice %arg3[%dma_wait3A_103, %dma_wait3A_104] : memref<100000x128xf32, #tpu.memory_space<hbm>> -> memref<192x128xf32, #tpu.memory_space<hbm>>
        tpu.wait_dma2 semaphore(%arg16 : memref<!tpu.dma_semaphore, #tpu.memory_space<semaphore_mem>>) src(%dma_wait3A_105 : memref<192x128xf32, #tpu.memory_space<hbm>>) dst(%arg9 : memref<192x128xf32, #tpu.memory_space<vmem>>)
        %lt3A = arith.cmpi slt, %add3A_81, %select_n3A_61 : i32
        %convert_element_type3A_106 = arith.extui %lt3A : i1 to i32
        %cond3A_107 = arith.constant 0 : i32
        %cond3A_108 = arith.cmpi ne, %convert_element_type3A_106, %cond3A_107 : i32
        scf.if %cond3A_108 {
          %mul3A_123 = arith.constant 192 : i32
          %mul3A_124 = arith.muli %add3A_81, %mul3A_123 : i32
          %add3A_125 = arith.addi %mul3A_32, %mul3A_124 : i32
          %min3A_126 = arith.constant 99808 : i32
          %min3A_127 = arith.minsi %add3A_125, %min3A_126 : i32
          %multiple_of3A_128 = tpu.assume_multiple %min3A_127, 16 : i32
          %dma_start3A = arith.constant 0 : i32
          %dma_start3A_129 = tpu.memref_slice %arg2[%multiple_of3A_128, %dma_start3A] : memref<100000x128xf32, #tpu.memory_space<hbm>> -> memref<192x128xf32, #tpu.memory_space<hbm>>
          %dma_start3A_130 = arith.constant 0 : i32
          %dma_start3A_131 = tpu.memref_slice %arg2[%multiple_of3A_128, %dma_start3A_130] : memref<100000x128xf32, #tpu.memory_space<hbm>> -> memref<192x128xf32, #tpu.memory_space<hbm>>
          tpu.enqueue_dma source(%dma_start3A_131 : memref<192x128xf32, #tpu.memory_space<hbm>>) target(%arg6 : memref<192x128xf32, #tpu.memory_space<vmem>>) target_semaphore(%arg13 : memref<!tpu.dma_semaphore, #tpu.memory_space<semaphore_mem>>)
          %dma_start3A_132 = arith.constant 0 : i32
          %dma_start3A_133 = tpu.memref_slice %arg3[%multiple_of3A_128, %dma_start3A_132] : memref<100000x128xf32, #tpu.memory_space<hbm>> -> memref<192x128xf32, #tpu.memory_space<hbm>>
          %dma_start3A_134 = arith.constant 0 : i32
          %dma_start3A_135 = tpu.memref_slice %arg3[%multiple_of3A_128, %dma_start3A_134] : memref<100000x128xf32, #tpu.memory_space<hbm>> -> memref<192x128xf32, #tpu.memory_space<hbm>>
          tpu.enqueue_dma source(%dma_start3A_135 : memref<192x128xf32, #tpu.memory_space<hbm>>) target(%arg8 : memref<192x128xf32, #tpu.memory_space<vmem>>) target_semaphore(%arg15 : memref<!tpu.dma_semaphore, #tpu.memory_space<semaphore_mem>>)
        } else {
        }
        %mul3A_109 = arith.constant 192 : i32
        %mul3A_110 = arith.muli %while3A_79, %mul3A_109 : i32
        %add3A_111 = arith.addi %mul3A_32, %mul3A_110 : i32
        %mul3A_112 = arith.constant 192 : i32
        %mul3A_113 = arith.muli %while3A_79, %mul3A_112 : i32
        %add3A_114 = arith.addi %mul3A_32, %mul3A_113 : i32
        %min3A = arith.constant 99808 : i32
        %min3A_115 = arith.minsi %add3A_114, %min3A : i32
        %multiple_of3A_116 = tpu.assume_multiple %min3A_115, 16 : i32
        %scan3A_117 = arith.constant 0 : i32
        %scan3A_118 = arith.constant 0 : i32
        %scan3A_119 = arith.constant 32 : i32
        %scan3A_120 = arith.addi %scan3A_118, %scan3A_119 : i32
        %scan3A_121 = arith.constant 1 : i32
        scf.for %scan3A_123 = %scan3A_118 to %scan3A_120 step %scan3A_121  : i32 {
          %get3A_124 = arith.index_cast %scan3A_123 : i32 to index
          %get3A_125 = tpu.vector_load %arg10[%get3A_124] {strides = array<i32>} : memref<48xi32, #tpu.memory_space<vmem>>, vector<16xi32>,
          %get3A_126 = vector.shape_cast %get3A_125 : vector<16xi32> to vector<16xi32>
          %slice3A_127 = vector.extract_strided_slice %get3A_126 {offsets = [0], sizes = [1], strides = [1]} : vector<16xi32> to vector<1xi32>
          %squeeze3A_128 = vector.extract %slice3A_127[0] : i32 from vector<1xi32>
          %max3A = arith.maxsi %squeeze3A_128, %add3A_111 : i32
          %add3A_129 = arith.constant 1 : i32
          %add3A_130 = arith.addi %scan3A_123, %add3A_129 : i32
          %get3A_131 = arith.index_cast %add3A_130 : i32 to index
          %get3A_132 = tpu.vector_load %arg10[%get3A_131] {strides = array<i32>} : memref<48xi32, #tpu.memory_space<vmem>>, vector<16xi32>,
          %get3A_133 = vector.shape_cast %get3A_132 : vector<16xi32> to vector<16xi32>
          %slice3A_134 = vector.extract_strided_slice %get3A_133 {offsets = [0], sizes = [1], strides = [1]} : vector<16xi32> to vector<1xi32>
          %squeeze3A_135 = vector.extract %slice3A_134[0] : i32 from vector<1xi32>
          %add3A_136 = arith.constant 192 : i32
          %add3A_137 = arith.addi %multiple_of3A_116, %add3A_136 : i32
          %min3A_138 = arith.minsi %squeeze3A_135, %add3A_137 : i32
          %gt3A_139 = arith.cmpi sgt, %min3A_138, %max3A : i32
          %convert_element_type3A_140 = arith.extui %gt3A_139 : i1 to i32
          %cond3A_141 = arith.constant 0 : i32
          %cond3A_142 = arith.cmpi ne, %convert_element_type3A_140, %cond3A_141 : i32
          scf.if %cond3A_142 {
            %get3A_143 = arith.index_cast %scan3A_123 : i32 to index
            %get3A_144 = arith.constant 0 : index
            %get3A_145 = tpu.vector_load %arg11[%get3A_143, %get3A_144] {strides = array<i32>} : memref<32x256xf32, #tpu.memory_space<vmem>>, vector<1x16xf32>,
            %get3A_146 = vector.shape_cast %get3A_145 : vector<1x16xf32> to vector<16xf32>
            %get3A_147 = arith.index_cast %scan3A_123 : i32 to index
            %get3A_148 = arith.constant 16 : index
            %get3A_149 = tpu.vector_load %arg11[%get3A_147, %get3A_148] {strides = array<i32>} : memref<32x256xf32, #tpu.memory_space<vmem>>, vector<1x16xf32>,
            %get3A_150 = vector.shape_cast %get3A_149 : vector<1x16xf32> to vector<16xf32>
            %get3A_151 = arith.index_cast %scan3A_123 : i32 to index
            %get3A_152 = arith.constant 32 : index
            %get3A_153 = tpu.vector_load %arg11[%get3A_151, %get3A_152] {strides = array<i32>} : memref<32x256xf32, #tpu.memory_space<vmem>>, vector<1x16xf32>,
            %get3A_154 = vector.shape_cast %get3A_153 : vector<1x16xf32> to vector<16xf32>
            %get3A_155 = arith.index_cast %scan3A_123 : i32 to index
            %get3A_156 = arith.constant 48 : index
            %get3A_157 = tpu.vector_load %arg11[%get3A_155, %get3A_156] {strides = array<i32>} : memref<32x256xf32, #tpu.memory_space<vmem>>, vector<1x16xf32>,
            %get3A_158 = vector.shape_cast %get3A_157 : vector<1x16xf32> to vector<16xf32>
            %get3A_159 = arith.index_cast %scan3A_123 : i32 to index
            %get3A_160 = arith.constant 64 : index
            %get3A_161 = tpu.vector_load %arg11[%get3A_159, %get3A_160] {strides = array<i32>} : memref<32x256xf32, #tpu.memory_space<vmem>>, vector<1x16xf32>,
            %get3A_162 = vector.shape_cast %get3A_161 : vector<1x16xf32> to vector<16xf32>
            %get3A_163 = arith.index_cast %scan3A_123 : i32 to index
            %get3A_164 = arith.constant 80 : index
            %get3A_165 = tpu.vector_load %arg11[%get3A_163, %get3A_164] {strides = array<i32>} : memref<32x256xf32, #tpu.memory_space<vmem>>, vector<1x16xf32>,
            %get3A_166 = vector.shape_cast %get3A_165 : vector<1x16xf32> to vector<16xf32>
            %get3A_167 = arith.index_cast %scan3A_123 : i32 to index
            %get3A_168 = arith.constant 96 : index
            %get3A_169 = tpu.vector_load %arg11[%get3A_167, %get3A_168] {strides = array<i32>} : memref<32x256xf32, #tpu.memory_space<vmem>>, vector<1x16xf32>,
            %get3A_170 = vector.shape_cast %get3A_169 : vector<1x16xf32> to vector<16xf32>
            %get3A_171 = arith.index_cast %scan3A_123 : i32 to index
            %get3A_172 = arith.constant 112 : index
            %get3A_173 = tpu.vector_load %arg11[%get3A_171, %get3A_172] {strides = array<i32>} : memref<32x256xf32, #tpu.memory_space<vmem>>, vector<1x16xf32>,
            %get3A_174 = vector.shape_cast %get3A_173 : vector<1x16xf32> to vector<16xf32>
            %get3A_175 = arith.index_cast %scan3A_123 : i32 to index
            %get3A_176 = arith.constant 128 : index
            %get3A_177 = tpu.vector_load %arg11[%get3A_175, %get3A_176] {strides = array<i32>} : memref<32x256xf32, #tpu.memory_space<vmem>>, vector<1x16xf32>,
            %get3A_178 = vector.shape_cast %get3A_177 : vector<1x16xf32> to vector<16xf32>
            %get3A_179 = arith.index_cast %scan3A_123 : i32 to index
            %get3A_180 = arith.constant 144 : index
            %get3A_181 = tpu.vector_load %arg11[%get3A_179, %get3A_180] {strides = array<i32>} : memref<32x256xf32, #tpu.memory_space<vmem>>, vector<1x16xf32>,
            %get3A_182 = vector.shape_cast %get3A_181 : vector<1x16xf32> to vector<16xf32>
            %get3A_183 = arith.index_cast %scan3A_123 : i32 to index
            %get3A_184 = arith.constant 160 : index
            %get3A_185 = tpu.vector_load %arg11[%get3A_183, %get3A_184] {strides = array<i32>} : memref<32x256xf32, #tpu.memory_space<vmem>>, vector<1x16xf32>,
            %get3A_186 = vector.shape_cast %get3A_185 : vector<1x16xf32> to vector<16xf32>
            %get3A_187 = arith.index_cast %scan3A_123 : i32 to index
            %get3A_188 = arith.constant 176 : index
            %get3A_189 = tpu.vector_load %arg11[%get3A_187, %get3A_188] {strides = array<i32>} : memref<32x256xf32, #tpu.memory_space<vmem>>, vector<1x16xf32>,
            %get3A_190 = vector.shape_cast %get3A_189 : vector<1x16xf32> to vector<16xf32>
            %get3A_191 = arith.index_cast %scan3A_123 : i32 to index
            %get3A_192 = arith.constant 192 : index
            %get3A_193 = tpu.vector_load %arg11[%get3A_191, %get3A_192] {strides = array<i32>} : memref<32x256xf32, #tpu.memory_space<vmem>>, vector<1x16xf32>,
            %get3A_194 = vector.shape_cast %get3A_193 : vector<1x16xf32> to vector<16xf32>
            %get3A_195 = arith.index_cast %scan3A_123 : i32 to index
            %get3A_196 = arith.constant 208 : index
            %get3A_197 = tpu.vector_load %arg11[%get3A_195, %get3A_196] {strides = array<i32>} : memref<32x256xf32, #tpu.memory_space<vmem>>, vector<1x16xf32>,
            %get3A_198 = vector.shape_cast %get3A_197 : vector<1x16xf32> to vector<16xf32>
            %get3A_199 = arith.index_cast %scan3A_123 : i32 to index
            %get3A_200 = arith.constant 224 : index
            %get3A_201 = tpu.vector_load %arg11[%get3A_199, %get3A_200] {strides = array<i32>} : memref<32x256xf32, #tpu.memory_space<vmem>>, vector<1x16xf32>,
            %get3A_202 = vector.shape_cast %get3A_201 : vector<1x16xf32> to vector<16xf32>
            %get3A_203 = arith.index_cast %scan3A_123 : i32 to index
            %get3A_204 = arith.constant 240 : index
            %get3A_205 = tpu.vector_load %arg11[%get3A_203, %get3A_204] {strides = array<i32>} : memref<32x256xf32, #tpu.memory_space<vmem>>, vector<1x16xf32>,
            %get3A_206 = vector.shape_cast %get3A_205 : vector<1x16xf32> to vector<16xf32>
            %while3A_207 = arith.subi %min3A_138, %max3A : i32
            %while3A_208 = arith.addi %max3A, %while3A_207 : i32
            %while3A_209 = arith.constant 1 : i32
            %while3A_210 = arith.divsi %while3A_207, %while3A_209 : i32
            %while3A_211 = arith.muli %while3A_210, %while3A_209 : i32
            %while3A_212 = arith.addi %max3A, %while3A_211 : i32
            %while3A_213 = arith.constant 1 : i32
            %while3A_214:16 = scf.for %while3A_296 = %max3A to %while3A_212 step %while3A_213 iter_args(%while3A_297 = %get3A_146, %while3A_298 = %get3A_150, %while3A_299 = %get3A_154, %while3A_300 = %get3A_158, %while3A_301 = %get3A_162, %while3A_302 = %get3A_166, %while3A_303 = %get3A_170, %while3A_304 = %get3A_174, %while3A_305 = %get3A_178, %while3A_306 = %get3A_182, %while3A_307 = %get3A_186, %while3A_308 = %get3A_190, %while3A_309 = %get3A_194, %while3A_310 = %get3A_198, %while3A_311 = %get3A_202, %while3A_312 = %get3A_206) -> (vector<16xf32>, vector<16xf32>, vector<16xf32>, vector<16xf32>, vector<16xf32>, vector<16xf32>, vector<16xf32>, vector<16xf32>, vector<16xf32>, vector<16xf32>, vector<16xf32>, vector<16xf32>, vector<16xf32>, vector<16xf32>, vector<16xf32>, vector<16xf32>)  : i32 {
              %sub3A_313 = arith.subi %while3A_296, %multiple_of3A_116 : i32
              %get3A_314 = arith.index_cast %sub3A_313 : i32 to index
              %get3A_315 = arith.constant 0 : index
              %get3A_316 = tpu.vector_load %arg7[%get3A_314, %get3A_315] {strides = array<i32>} : memref<192x128xf32, #tpu.memory_space<vmem>>, vector<1x16xf32>,
              %get3A_317 = vector.shape_cast %get3A_316 : vector<1x16xf32> to vector<16xf32>
              %get3A_318 = arith.index_cast %sub3A_313 : i32 to index
              %get3A_319 = arith.constant 16 : index
              %get3A_320 = tpu.vector_load %arg7[%get3A_318, %get3A_319] {strides = array<i32>} : memref<192x128xf32, #tpu.memory_space<vmem>>, vector<1x16xf32>,
              %get3A_321 = vector.shape_cast %get3A_320 : vector<1x16xf32> to vector<16xf32>
              %get3A_322 = arith.index_cast %sub3A_313 : i32 to index
              %get3A_323 = arith.constant 32 : index
              %get3A_324 = tpu.vector_load %arg7[%get3A_322, %get3A_323] {strides = array<i32>} : memref<192x128xf32, #tpu.memory_space<vmem>>, vector<1x16xf32>,
              %get3A_325 = vector.shape_cast %get3A_324 : vector<1x16xf32> to vector<16xf32>
              %get3A_326 = arith.index_cast %sub3A_313 : i32 to index
              %get3A_327 = arith.constant 48 : index
              %get3A_328 = tpu.vector_load %arg7[%get3A_326, %get3A_327] {strides = array<i32>} : memref<192x128xf32, #tpu.memory_space<vmem>>, vector<1x16xf32>,
              %get3A_329 = vector.shape_cast %get3A_328 : vector<1x16xf32> to vector<16xf32>
              %get3A_330 = arith.index_cast %sub3A_313 : i32 to index
              %get3A_331 = arith.constant 64 : index
              %get3A_332 = tpu.vector_load %arg7[%get3A_330, %get3A_331] {strides = array<i32>} : memref<192x128xf32, #tpu.memory_space<vmem>>, vector<1x16xf32>,
              %get3A_333 = vector.shape_cast %get3A_332 : vector<1x16xf32> to vector<16xf32>
              %get3A_334 = arith.index_cast %sub3A_313 : i32 to index
              %get3A_335 = arith.constant 80 : index
              %get3A_336 = tpu.vector_load %arg7[%get3A_334, %get3A_335] {strides = array<i32>} : memref<192x128xf32, #tpu.memory_space<vmem>>, vector<1x16xf32>,
              %get3A_337 = vector.shape_cast %get3A_336 : vector<1x16xf32> to vector<16xf32>
              %get3A_338 = arith.index_cast %sub3A_313 : i32 to index
              %get3A_339 = arith.constant 96 : index
              %get3A_340 = tpu.vector_load %arg7[%get3A_338, %get3A_339] {strides = array<i32>} : memref<192x128xf32, #tpu.memory_space<vmem>>, vector<1x16xf32>,
              %get3A_341 = vector.shape_cast %get3A_340 : vector<1x16xf32> to vector<16xf32>
              %get3A_342 = arith.index_cast %sub3A_313 : i32 to index
              %get3A_343 = arith.constant 112 : index
              %get3A_344 = tpu.vector_load %arg7[%get3A_342, %get3A_343] {strides = array<i32>} : memref<192x128xf32, #tpu.memory_space<vmem>>, vector<1x16xf32>,
              %get3A_345 = vector.shape_cast %get3A_344 : vector<1x16xf32> to vector<16xf32>
              %get3A_346 = arith.index_cast %sub3A_313 : i32 to index
              %get3A_347 = arith.constant 0 : index
              %get3A_348 = tpu.vector_load %arg9[%get3A_346, %get3A_347] {strides = array<i32>} : memref<192x128xf32, #tpu.memory_space<vmem>>, vector<1x16xf32>,
              %get3A_349 = vector.shape_cast %get3A_348 : vector<1x16xf32> to vector<16xf32>
              %get3A_350 = arith.index_cast %sub3A_313 : i32 to index
              %get3A_351 = arith.constant 16 : index
              %get3A_352 = tpu.vector_load %arg9[%get3A_350, %get3A_351] {strides = array<i32>} : memref<192x128xf32, #tpu.memory_space<vmem>>, vector<1x16xf32>,
              %get3A_353 = vector.shape_cast %get3A_352 : vector<1x16xf32> to vector<16xf32>
              %get3A_354 = arith.index_cast %sub3A_313 : i32 to index
              %get3A_355 = arith.constant 32 : index
              %get3A_356 = tpu.vector_load %arg9[%get3A_354, %get3A_355] {strides = array<i32>} : memref<192x128xf32, #tpu.memory_space<vmem>>, vector<1x16xf32>,
              %get3A_357 = vector.shape_cast %get3A_356 : vector<1x16xf32> to vector<16xf32>
              %get3A_358 = arith.index_cast %sub3A_313 : i32 to index
              %get3A_359 = arith.constant 48 : index
              %get3A_360 = tpu.vector_load %arg9[%get3A_358, %get3A_359] {strides = array<i32>} : memref<192x128xf32, #tpu.memory_space<vmem>>, vector<1x16xf32>,
              %get3A_361 = vector.shape_cast %get3A_360 : vector<1x16xf32> to vector<16xf32>
              %get3A_362 = arith.index_cast %sub3A_313 : i32 to index
              %get3A_363 = arith.constant 64 : index
              %get3A_364 = tpu.vector_load %arg9[%get3A_362, %get3A_363] {strides = array<i32>} : memref<192x128xf32, #tpu.memory_space<vmem>>, vector<1x16xf32>,
              %get3A_365 = vector.shape_cast %get3A_364 : vector<1x16xf32> to vector<16xf32>
              %get3A_366 = arith.index_cast %sub3A_313 : i32 to index
              %get3A_367 = arith.constant 80 : index
              %get3A_368 = tpu.vector_load %arg9[%get3A_366, %get3A_367] {strides = array<i32>} : memref<192x128xf32, #tpu.memory_space<vmem>>, vector<1x16xf32>,
              %get3A_369 = vector.shape_cast %get3A_368 : vector<1x16xf32> to vector<16xf32>
              %get3A_370 = arith.index_cast %sub3A_313 : i32 to index
              %get3A_371 = arith.constant 96 : index
              %get3A_372 = tpu.vector_load %arg9[%get3A_370, %get3A_371] {strides = array<i32>} : memref<192x128xf32, #tpu.memory_space<vmem>>, vector<1x16xf32>,
              %get3A_373 = vector.shape_cast %get3A_372 : vector<1x16xf32> to vector<16xf32>
              %get3A_374 = arith.index_cast %sub3A_313 : i32 to index
              %get3A_375 = arith.constant 112 : index
              %get3A_376 = tpu.vector_load %arg9[%get3A_374, %get3A_375] {strides = array<i32>} : memref<192x128xf32, #tpu.memory_space<vmem>>, vector<1x16xf32>,
              %get3A_377 = vector.shape_cast %get3A_376 : vector<1x16xf32> to vector<16xf32>
              %add3A_378 = arith.addf %while3A_297, %get3A_317 : vector<16xf32>
              %add3A_379 = arith.addf %while3A_298, %get3A_321 : vector<16xf32>
              %add3A_380 = arith.addf %while3A_299, %get3A_325 : vector<16xf32>
              %add3A_381 = arith.addf %while3A_300, %get3A_329 : vector<16xf32>
              %add3A_382 = arith.addf %while3A_301, %get3A_333 : vector<16xf32>
              %add3A_383 = arith.addf %while3A_302, %get3A_337 : vector<16xf32>
              %add3A_384 = arith.addf %while3A_303, %get3A_341 : vector<16xf32>
              %add3A_385 = arith.addf %while3A_304, %get3A_345 : vector<16xf32>
              %mul3A_386 = arith.mulf %get3A_349, %get3A_317 : vector<16xf32>
              %add3A_387 = arith.addf %while3A_305, %mul3A_386 : vector<16xf32>
              %mul3A_388 = arith.mulf %get3A_353, %get3A_321 : vector<16xf32>
              %add3A_389 = arith.addf %while3A_306, %mul3A_388 : vector<16xf32>
              %mul3A_390 = arith.mulf %get3A_357, %get3A_325 : vector<16xf32>
              %add3A_391 = arith.addf %while3A_307, %mul3A_390 : vector<16xf32>
              %mul3A_392 = arith.mulf %get3A_361, %get3A_329 : vector<16xf32>
              %add3A_393 = arith.addf %while3A_308, %mul3A_392 : vector<16xf32>
              %mul3A_394 = arith.mulf %get3A_365, %get3A_333 : vector<16xf32>
              %add3A_395 = arith.addf %while3A_309, %mul3A_394 : vector<16xf32>
              %mul3A_396 = arith.mulf %get3A_369, %get3A_337 : vector<16xf32>
              %add3A_397 = arith.addf %while3A_310, %mul3A_396 : vector<16xf32>
              %mul3A_398 = arith.mulf %get3A_373, %get3A_341 : vector<16xf32>
              %add3A_399 = arith.addf %while3A_311, %mul3A_398 : vector<16xf32>
              %mul3A_400 = arith.mulf %get3A_377, %get3A_345 : vector<16xf32>
              %add3A_401 = arith.addf %while3A_312, %mul3A_400 : vector<16xf32>
              scf.yield %add3A_378, %add3A_379, %add3A_380, %add3A_381, %add3A_382, %add3A_383, %add3A_384, %add3A_385, %add3A_387, %add3A_389, %add3A_391, %add3A_393, %add3A_395, %add3A_397, %add3A_399, %add3A_401 : vector<16xf32>, vector<16xf32>, vector<16xf32>, vector<16xf32>, vector<16xf32>, vector<16xf32>, vector<16xf32>, vector<16xf32>, vector<16xf32>, vector<16xf32>, vector<16xf32>, vector<16xf32>, vector<16xf32>, vector<16xf32>, vector<16xf32>, vector<16xf32>
            }
            %while3A_215 = arith.constant 1 : i32
            %while3A_216:16 = scf.for %while3A_296 = %while3A_212 to %while3A_208 step %while3A_215 iter_args(%while3A_297 = %while3A_214#0, %while3A_298 = %while3A_214#1, %while3A_299 = %while3A_214#2, %while3A_300 = %while3A_214#3, %while3A_301 = %while3A_214#4, %while3A_302 = %while3A_214#5, %while3A_303 = %while3A_214#6, %while3A_304 = %while3A_214#7, %while3A_305 = %while3A_214#8, %while3A_306 = %while3A_214#9, %while3A_307 = %while3A_214#10, %while3A_308 = %while3A_214#11, %while3A_309 = %while3A_214#12, %while3A_310 = %while3A_214#13, %while3A_311 = %while3A_214#14, %while3A_312 = %while3A_214#15) -> (vector<16xf32>, vector<16xf32>, vector<16xf32>, vector<16xf32>, vector<16xf32>, vector<16xf32>, vector<16xf32>, vector<16xf32>, vector<16xf32>, vector<16xf32>, vector<16xf32>, vector<16xf32>, vector<16xf32>, vector<16xf32>, vector<16xf32>, vector<16xf32>)  : i32 {
              %sub3A_313 = arith.subi %while3A_296, %multiple_of3A_116 : i32
              %get3A_314 = arith.index_cast %sub3A_313 : i32 to index
              %get3A_315 = arith.constant 0 : index
              %get3A_316 = tpu.vector_load %arg7[%get3A_314, %get3A_315] {strides = array<i32>} : memref<192x128xf32, #tpu.memory_space<vmem>>, vector<1x16xf32>,
              %get3A_317 = vector.shape_cast %get3A_316 : vector<1x16xf32> to vector<16xf32>
              %get3A_318 = arith.index_cast %sub3A_313 : i32 to index
              %get3A_319 = arith.constant 16 : index
              %get3A_320 = tpu.vector_load %arg7[%get3A_318, %get3A_319] {strides = array<i32>} : memref<192x128xf32, #tpu.memory_space<vmem>>, vector<1x16xf32>,
              %get3A_321 = vector.shape_cast %get3A_320 : vector<1x16xf32> to vector<16xf32>
              %get3A_322 = arith.index_cast %sub3A_313 : i32 to index
              %get3A_323 = arith.constant 32 : index
              %get3A_324 = tpu.vector_load %arg7[%get3A_322, %get3A_323] {strides = array<i32>} : memref<192x128xf32, #tpu.memory_space<vmem>>, vector<1x16xf32>,
              %get3A_325 = vector.shape_cast %get3A_324 : vector<1x16xf32> to vector<16xf32>
              %get3A_326 = arith.index_cast %sub3A_313 : i32 to index
              %get3A_327 = arith.constant 48 : index
              %get3A_328 = tpu.vector_load %arg7[%get3A_326, %get3A_327] {strides = array<i32>} : memref<192x128xf32, #tpu.memory_space<vmem>>, vector<1x16xf32>,
              %get3A_329 = vector.shape_cast %get3A_328 : vector<1x16xf32> to vector<16xf32>
              %get3A_330 = arith.index_cast %sub3A_313 : i32 to index
              %get3A_331 = arith.constant 64 : index
              %get3A_332 = tpu.vector_load %arg7[%get3A_330, %get3A_331] {strides = array<i32>} : memref<192x128xf32, #tpu.memory_space<vmem>>, vector<1x16xf32>,
              %get3A_333 = vector.shape_cast %get3A_332 : vector<1x16xf32> to vector<16xf32>
              %get3A_334 = arith.index_cast %sub3A_313 : i32 to index
              %get3A_335 = arith.constant 80 : index
              %get3A_336 = tpu.vector_load %arg7[%get3A_334, %get3A_335] {strides = array<i32>} : memref<192x128xf32, #tpu.memory_space<vmem>>, vector<1x16xf32>,
              %get3A_337 = vector.shape_cast %get3A_336 : vector<1x16xf32> to vector<16xf32>
              %get3A_338 = arith.index_cast %sub3A_313 : i32 to index
              %get3A_339 = arith.constant 96 : index
              %get3A_340 = tpu.vector_load %arg7[%get3A_338, %get3A_339] {strides = array<i32>} : memref<192x128xf32, #tpu.memory_space<vmem>>, vector<1x16xf32>,
              %get3A_341 = vector.shape_cast %get3A_340 : vector<1x16xf32> to vector<16xf32>
              %get3A_342 = arith.index_cast %sub3A_313 : i32 to index
              %get3A_343 = arith.constant 112 : index
              %get3A_344 = tpu.vector_load %arg7[%get3A_342, %get3A_343] {strides = array<i32>} : memref<192x128xf32, #tpu.memory_space<vmem>>, vector<1x16xf32>,
              %get3A_345 = vector.shape_cast %get3A_344 : vector<1x16xf32> to vector<16xf32>
              %get3A_346 = arith.index_cast %sub3A_313 : i32 to index
              %get3A_347 = arith.constant 0 : index
              %get3A_348 = tpu.vector_load %arg9[%get3A_346, %get3A_347] {strides = array<i32>} : memref<192x128xf32, #tpu.memory_space<vmem>>, vector<1x16xf32>,
              %get3A_349 = vector.shape_cast %get3A_348 : vector<1x16xf32> to vector<16xf32>
              %get3A_350 = arith.index_cast %sub3A_313 : i32 to index
              %get3A_351 = arith.constant 16 : index
              %get3A_352 = tpu.vector_load %arg9[%get3A_350, %get3A_351] {strides = array<i32>} : memref<192x128xf32, #tpu.memory_space<vmem>>, vector<1x16xf32>,
              %get3A_353 = vector.shape_cast %get3A_352 : vector<1x16xf32> to vector<16xf32>
              %get3A_354 = arith.index_cast %sub3A_313 : i32 to index
              %get3A_355 = arith.constant 32 : index
              %get3A_356 = tpu.vector_load %arg9[%get3A_354, %get3A_355] {strides = array<i32>} : memref<192x128xf32, #tpu.memory_space<vmem>>, vector<1x16xf32>,
              %get3A_357 = vector.shape_cast %get3A_356 : vector<1x16xf32> to vector<16xf32>
              %get3A_358 = arith.index_cast %sub3A_313 : i32 to index
              %get3A_359 = arith.constant 48 : index
              %get3A_360 = tpu.vector_load %arg9[%get3A_358, %get3A_359] {strides = array<i32>} : memref<192x128xf32, #tpu.memory_space<vmem>>, vector<1x16xf32>,
              %get3A_361 = vector.shape_cast %get3A_360 : vector<1x16xf32> to vector<16xf32>
              %get3A_362 = arith.index_cast %sub3A_313 : i32 to index
              %get3A_363 = arith.constant 64 : index
              %get3A_364 = tpu.vector_load %arg9[%get3A_362, %get3A_363] {strides = array<i32>} : memref<192x128xf32, #tpu.memory_space<vmem>>, vector<1x16xf32>,
              %get3A_365 = vector.shape_cast %get3A_364 : vector<1x16xf32> to vector<16xf32>
              %get3A_366 = arith.index_cast %sub3A_313 : i32 to index
              %get3A_367 = arith.constant 80 : index
              %get3A_368 = tpu.vector_load %arg9[%get3A_366, %get3A_367] {strides = array<i32>} : memref<192x128xf32, #tpu.memory_space<vmem>>, vector<1x16xf32>,
              %get3A_369 = vector.shape_cast %get3A_368 : vector<1x16xf32> to vector<16xf32>
              %get3A_370 = arith.index_cast %sub3A_313 : i32 to index
              %get3A_371 = arith.constant 96 : index
              %get3A_372 = tpu.vector_load %arg9[%get3A_370, %get3A_371] {strides = array<i32>} : memref<192x128xf32, #tpu.memory_space<vmem>>, vector<1x16xf32>,
              %get3A_373 = vector.shape_cast %get3A_372 : vector<1x16xf32> to vector<16xf32>
              %get3A_374 = arith.index_cast %sub3A_313 : i32 to index
              %get3A_375 = arith.constant 112 : index
              %get3A_376 = tpu.vector_load %arg9[%get3A_374, %get3A_375] {strides = array<i32>} : memref<192x128xf32, #tpu.memory_space<vmem>>, vector<1x16xf32>,
              %get3A_377 = vector.shape_cast %get3A_376 : vector<1x16xf32> to vector<16xf32>
              %add3A_378 = arith.addf %while3A_297, %get3A_317 : vector<16xf32>
              %add3A_379 = arith.addf %while3A_298, %get3A_321 : vector<16xf32>
              %add3A_380 = arith.addf %while3A_299, %get3A_325 : vector<16xf32>
              %add3A_381 = arith.addf %while3A_300, %get3A_329 : vector<16xf32>
              %add3A_382 = arith.addf %while3A_301, %get3A_333 : vector<16xf32>
              %add3A_383 = arith.addf %while3A_302, %get3A_337 : vector<16xf32>
              %add3A_384 = arith.addf %while3A_303, %get3A_341 : vector<16xf32>
              %add3A_385 = arith.addf %while3A_304, %get3A_345 : vector<16xf32>
              %mul3A_386 = arith.mulf %get3A_349, %get3A_317 : vector<16xf32>
              %add3A_387 = arith.addf %while3A_305, %mul3A_386 : vector<16xf32>
              %mul3A_388 = arith.mulf %get3A_353, %get3A_321 : vector<16xf32>
              %add3A_389 = arith.addf %while3A_306, %mul3A_388 : vector<16xf32>
              %mul3A_390 = arith.mulf %get3A_357, %get3A_325 : vector<16xf32>
              %add3A_391 = arith.addf %while3A_307, %mul3A_390 : vector<16xf32>
              %mul3A_392 = arith.mulf %get3A_361, %get3A_329 : vector<16xf32>
              %add3A_393 = arith.addf %while3A_308, %mul3A_392 : vector<16xf32>
              %mul3A_394 = arith.mulf %get3A_365, %get3A_333 : vector<16xf32>
              %add3A_395 = arith.addf %while3A_309, %mul3A_394 : vector<16xf32>
              %mul3A_396 = arith.mulf %get3A_369, %get3A_337 : vector<16xf32>
              %add3A_397 = arith.addf %while3A_310, %mul3A_396 : vector<16xf32>
              %mul3A_398 = arith.mulf %get3A_373, %get3A_341 : vector<16xf32>
              %add3A_399 = arith.addf %while3A_311, %mul3A_398 : vector<16xf32>
              %mul3A_400 = arith.mulf %get3A_377, %get3A_345 : vector<16xf32>
              %add3A_401 = arith.addf %while3A_312, %mul3A_400 : vector<16xf32>
              scf.yield %add3A_378, %add3A_379, %add3A_380, %add3A_381, %add3A_382, %add3A_383, %add3A_384, %add3A_385, %add3A_387, %add3A_389, %add3A_391, %add3A_393, %add3A_395, %add3A_397, %add3A_399, %add3A_401 : vector<16xf32>, vector<16xf32>, vector<16xf32>, vector<16xf32>, vector<16xf32>, vector<16xf32>, vector<16xf32>, vector<16xf32>, vector<16xf32>, vector<16xf32>, vector<16xf32>, vector<16xf32>, vector<16xf32>, vector<16xf32>, vector<16xf32>, vector<16xf32>
            }
            %swap3A = arith.index_cast %scan3A_123 : i32 to index
            %swap3A_217 = arith.constant 0 : index
            %swap3A_218 = tpu.vector_load %arg11[%swap3A, %swap3A_217] {strides = array<i32>} : memref<32x256xf32, #tpu.memory_space<vmem>>, vector<1x16xf32>,
            %swap3A_219 = vector.shape_cast %swap3A_218 : vector<1x16xf32> to vector<16xf32>
            %swap3A_220 = vector.shape_cast %while3A_216#0 : vector<16xf32> to vector<1x16xf32>
            tpu.vector_store %arg11[%swap3A, %swap3A_217], %swap3A_220 {strides = array<i32>} : memref<32x256xf32, #tpu.memory_space<vmem>>, vector<1x16xf32>,
            %swap3A_221 = arith.index_cast %scan3A_123 : i32 to index
            %swap3A_222 = arith.constant 16 : index
            %swap3A_223 = tpu.vector_load %arg11[%swap3A_221, %swap3A_222] {strides = array<i32>} : memref<32x256xf32, #tpu.memory_space<vmem>>, vector<1x16xf32>,
            %swap3A_224 = vector.shape_cast %swap3A_223 : vector<1x16xf32> to vector<16xf32>
            %swap3A_225 = vector.shape_cast %while3A_216#1 : vector<16xf32> to vector<1x16xf32>
            tpu.vector_store %arg11[%swap3A_221, %swap3A_222], %swap3A_225 {strides = array<i32>} : memref<32x256xf32, #tpu.memory_space<vmem>>, vector<1x16xf32>,
            %swap3A_226 = arith.index_cast %scan3A_123 : i32 to index
            %swap3A_227 = arith.constant 32 : index
            %swap3A_228 = tpu.vector_load %arg11[%swap3A_226, %swap3A_227] {strides = array<i32>} : memref<32x256xf32, #tpu.memory_space<vmem>>, vector<1x16xf32>,
            %swap3A_229 = vector.shape_cast %swap3A_228 : vector<1x16xf32> to vector<16xf32>
            %swap3A_230 = vector.shape_cast %while3A_216#2 : vector<16xf32> to vector<1x16xf32>
            tpu.vector_store %arg11[%swap3A_226, %swap3A_227], %swap3A_230 {strides = array<i32>} : memref<32x256xf32, #tpu.memory_space<vmem>>, vector<1x16xf32>,
            %swap3A_231 = arith.index_cast %scan3A_123 : i32 to index
            %swap3A_232 = arith.constant 48 : index
            %swap3A_233 = tpu.vector_load %arg11[%swap3A_231, %swap3A_232] {strides = array<i32>} : memref<32x256xf32, #tpu.memory_space<vmem>>, vector<1x16xf32>,
            %swap3A_234 = vector.shape_cast %swap3A_233 : vector<1x16xf32> to vector<16xf32>
            %swap3A_235 = vector.shape_cast %while3A_216#3 : vector<16xf32> to vector<1x16xf32>
            tpu.vector_store %arg11[%swap3A_231, %swap3A_232], %swap3A_235 {strides = array<i32>} : memref<32x256xf32, #tpu.memory_space<vmem>>, vector<1x16xf32>,
            %swap3A_236 = arith.index_cast %scan3A_123 : i32 to index
            %swap3A_237 = arith.constant 64 : index
            %swap3A_238 = tpu.vector_load %arg11[%swap3A_236, %swap3A_237] {strides = array<i32>} : memref<32x256xf32, #tpu.memory_space<vmem>>, vector<1x16xf32>,
            %swap3A_239 = vector.shape_cast %swap3A_238 : vector<1x16xf32> to vector<16xf32>
            %swap3A_240 = vector.shape_cast %while3A_216#4 : vector<16xf32> to vector<1x16xf32>
            tpu.vector_store %arg11[%swap3A_236, %swap3A_237], %swap3A_240 {strides = array<i32>} : memref<32x256xf32, #tpu.memory_space<vmem>>, vector<1x16xf32>,
            %swap3A_241 = arith.index_cast %scan3A_123 : i32 to index
            %swap3A_242 = arith.constant 80 : index
            %swap3A_243 = tpu.vector_load %arg11[%swap3A_241, %swap3A_242] {strides = array<i32>} : memref<32x256xf32, #tpu.memory_space<vmem>>, vector<1x16xf32>,
            %swap3A_244 = vector.shape_cast %swap3A_243 : vector<1x16xf32> to vector<16xf32>
            %swap3A_245 = vector.shape_cast %while3A_216#5 : vector<16xf32> to vector<1x16xf32>
            tpu.vector_store %arg11[%swap3A_241, %swap3A_242], %swap3A_245 {strides = array<i32>} : memref<32x256xf32, #tpu.memory_space<vmem>>, vector<1x16xf32>,
            %swap3A_246 = arith.index_cast %scan3A_123 : i32 to index
            %swap3A_247 = arith.constant 96 : index
            %swap3A_248 = tpu.vector_load %arg11[%swap3A_246, %swap3A_247] {strides = array<i32>} : memref<32x256xf32, #tpu.memory_space<vmem>>, vector<1x16xf32>,
            %swap3A_249 = vector.shape_cast %swap3A_248 : vector<1x16xf32> to vector<16xf32>
            %swap3A_250 = vector.shape_cast %while3A_216#6 : vector<16xf32> to vector<1x16xf32>
            tpu.vector_store %arg11[%swap3A_246, %swap3A_247], %swap3A_250 {strides = array<i32>} : memref<32x256xf32, #tpu.memory_space<vmem>>, vector<1x16xf32>,
            %swap3A_251 = arith.index_cast %scan3A_123 : i32 to index
            %swap3A_252 = arith.constant 112 : index
            %swap3A_253 = tpu.vector_load %arg11[%swap3A_251, %swap3A_252] {strides = array<i32>} : memref<32x256xf32, #tpu.memory_space<vmem>>, vector<1x16xf32>,
            %swap3A_254 = vector.shape_cast %swap3A_253 : vector<1x16xf32> to vector<16xf32>
            %swap3A_255 = vector.shape_cast %while3A_216#7 : vector<16xf32> to vector<1x16xf32>
            tpu.vector_store %arg11[%swap3A_251, %swap3A_252], %swap3A_255 {strides = array<i32>} : memref<32x256xf32, #tpu.memory_space<vmem>>, vector<1x16xf32>,
            %swap3A_256 = arith.index_cast %scan3A_123 : i32 to index
            %swap3A_257 = arith.constant 128 : index
            %swap3A_258 = tpu.vector_load %arg11[%swap3A_256, %swap3A_257] {strides = array<i32>} : memref<32x256xf32, #tpu.memory_space<vmem>>, vector<1x16xf32>,
            %swap3A_259 = vector.shape_cast %swap3A_258 : vector<1x16xf32> to vector<16xf32>
            %swap3A_260 = vector.shape_cast %while3A_216#8 : vector<16xf32> to vector<1x16xf32>
            tpu.vector_store %arg11[%swap3A_256, %swap3A_257], %swap3A_260 {strides = array<i32>} : memref<32x256xf32, #tpu.memory_space<vmem>>, vector<1x16xf32>,
            %swap3A_261 = arith.index_cast %scan3A_123 : i32 to index
            %swap3A_262 = arith.constant 144 : index
            %swap3A_263 = tpu.vector_load %arg11[%swap3A_261, %swap3A_262] {strides = array<i32>} : memref<32x256xf32, #tpu.memory_space<vmem>>, vector<1x16xf32>,
            %swap3A_264 = vector.shape_cast %swap3A_263 : vector<1x16xf32> to vector<16xf32>
            %swap3A_265 = vector.shape_cast %while3A_216#9 : vector<16xf32> to vector<1x16xf32>
            tpu.vector_store %arg11[%swap3A_261, %swap3A_262], %swap3A_265 {strides = array<i32>} : memref<32x256xf32, #tpu.memory_space<vmem>>, vector<1x16xf32>,
            %swap3A_266 = arith.index_cast %scan3A_123 : i32 to index
            %swap3A_267 = arith.constant 160 : index
            %swap3A_268 = tpu.vector_load %arg11[%swap3A_266, %swap3A_267] {strides = array<i32>} : memref<32x256xf32, #tpu.memory_space<vmem>>, vector<1x16xf32>,
            %swap3A_269 = vector.shape_cast %swap3A_268 : vector<1x16xf32> to vector<16xf32>
            %swap3A_270 = vector.shape_cast %while3A_216#10 : vector<16xf32> to vector<1x16xf32>
            tpu.vector_store %arg11[%swap3A_266, %swap3A_267], %swap3A_270 {strides = array<i32>} : memref<32x256xf32, #tpu.memory_space<vmem>>, vector<1x16xf32>,
            %swap3A_271 = arith.index_cast %scan3A_123 : i32 to index
            %swap3A_272 = arith.constant 176 : index
            %swap3A_273 = tpu.vector_load %arg11[%swap3A_271, %swap3A_272] {strides = array<i32>} : memref<32x256xf32, #tpu.memory_space<vmem>>, vector<1x16xf32>,
            %swap3A_274 = vector.shape_cast %swap3A_273 : vector<1x16xf32> to vector<16xf32>
            %swap3A_275 = vector.shape_cast %while3A_216#11 : vector<16xf32> to vector<1x16xf32>
            tpu.vector_store %arg11[%swap3A_271, %swap3A_272], %swap3A_275 {strides = array<i32>} : memref<32x256xf32, #tpu.memory_space<vmem>>, vector<1x16xf32>,
            %swap3A_276 = arith.index_cast %scan3A_123 : i32 to index
            %swap3A_277 = arith.constant 192 : index
            %swap3A_278 = tpu.vector_load %arg11[%swap3A_276, %swap3A_277] {strides = array<i32>} : memref<32x256xf32, #tpu.memory_space<vmem>>, vector<1x16xf32>,
            %swap3A_279 = vector.shape_cast %swap3A_278 : vector<1x16xf32> to vector<16xf32>
            %swap3A_280 = vector.shape_cast %while3A_216#12 : vector<16xf32> to vector<1x16xf32>
            tpu.vector_store %arg11[%swap3A_276, %swap3A_277], %swap3A_280 {strides = array<i32>} : memref<32x256xf32, #tpu.memory_space<vmem>>, vector<1x16xf32>,
            %swap3A_281 = arith.index_cast %scan3A_123 : i32 to index
            %swap3A_282 = arith.constant 208 : index
            %swap3A_283 = tpu.vector_load %arg11[%swap3A_281, %swap3A_282] {strides = array<i32>} : memref<32x256xf32, #tpu.memory_space<vmem>>, vector<1x16xf32>,
            %swap3A_284 = vector.shape_cast %swap3A_283 : vector<1x16xf32> to vector<16xf32>
            %swap3A_285 = vector.shape_cast %while3A_216#13 : vector<16xf32> to vector<1x16xf32>
            tpu.vector_store %arg11[%swap3A_281, %swap3A_282], %swap3A_285 {strides = array<i32>} : memref<32x256xf32, #tpu.memory_space<vmem>>, vector<1x16xf32>,
            %swap3A_286 = arith.index_cast %scan3A_123 : i32 to index
            %swap3A_287 = arith.constant 224 : index
            %swap3A_288 = tpu.vector_load %arg11[%swap3A_286, %swap3A_287] {strides = array<i32>} : memref<32x256xf32, #tpu.memory_space<vmem>>, vector<1x16xf32>,
            %swap3A_289 = vector.shape_cast %swap3A_288 : vector<1x16xf32> to vector<16xf32>
            %swap3A_290 = vector.shape_cast %while3A_216#14 : vector<16xf32> to vector<1x16xf32>
            tpu.vector_store %arg11[%swap3A_286, %swap3A_287], %swap3A_290 {strides = array<i32>} : memref<32x256xf32, #tpu.memory_space<vmem>>, vector<1x16xf32>,
            %swap3A_291 = arith.index_cast %scan3A_123 : i32 to index
            %swap3A_292 = arith.constant 240 : index
            %swap3A_293 = tpu.vector_load %arg11[%swap3A_291, %swap3A_292] {strides = array<i32>} : memref<32x256xf32, #tpu.memory_space<vmem>>, vector<1x16xf32>,
            %swap3A_294 = vector.shape_cast %swap3A_293 : vector<1x16xf32> to vector<16xf32>
            %swap3A_295 = vector.shape_cast %while3A_216#15 : vector<16xf32> to vector<1x16xf32>
            tpu.vector_store %arg11[%swap3A_291, %swap3A_292], %swap3A_295 {strides = array<i32>} : memref<32x256xf32, #tpu.memory_space<vmem>>, vector<1x16xf32>,
          } else {
          }
        }
        %scan3A_122 = arith.constant 32 : i32
      } else {
      }
    }
    %while3A_72 = arith.constant 1 : i32
    scf.for %while3A_79 = %while3A_70 to %while3A_66 step %while3A_72  : i32 {
      %add3A_80 = arith.constant 1 : i32
      %add3A_81 = arith.addi %while3A_79, %add3A_80 : i32
      %rem3A_82 = arith.constant 2 : i32
      %rem3A_83 = arith.remsi %while3A_79, %rem3A_82 : i32
      %eq3A = arith.constant 0 : i32
      %eq3A_84 = arith.cmpi eq, %rem3A_83, %eq3A : i32
      %convert_element_type3A_85 = arith.extui %eq3A_84 : i1 to i32
      %cond3A_86 = arith.constant 0 : i32
      %cond3A_87 = arith.cmpi ne, %convert_element_type3A_85, %cond3A_86 : i32
      scf.if %cond3A_87 {
        %dma_wait3A = arith.constant 0 : i32
        %dma_wait3A_95 = arith.constant 0 : i32
        %dma_wait3A_96 = tpu.memref_slice %arg2[%dma_wait3A, %dma_wait3A_95] : memref<100000x128xf32, #tpu.memory_space<hbm>> -> memref<192x128xf32, #tpu.memory_space<hbm>>
        %dma_wait3A_97 = arith.constant 0 : i32
        %dma_wait3A_98 = arith.constant 0 : i32
        %dma_wait3A_99 = tpu.memref_slice %arg2[%dma_wait3A_97, %dma_wait3A_98] : memref<100000x128xf32, #tpu.memory_space<hbm>> -> memref<192x128xf32, #tpu.memory_space<hbm>>
        tpu.wait_dma2 semaphore(%arg13 : memref<!tpu.dma_semaphore, #tpu.memory_space<semaphore_mem>>) src(%dma_wait3A_99 : memref<192x128xf32, #tpu.memory_space<hbm>>) dst(%arg6 : memref<192x128xf32, #tpu.memory_space<vmem>>)
        %dma_wait3A_100 = arith.constant 0 : i32
        %dma_wait3A_101 = arith.constant 0 : i32
        %dma_wait3A_102 = tpu.memref_slice %arg3[%dma_wait3A_100, %dma_wait3A_101] : memref<100000x128xf32, #tpu.memory_space<hbm>> -> memref<192x128xf32, #tpu.memory_space<hbm>>
        %dma_wait3A_103 = arith.constant 0 : i32
        %dma_wait3A_104 = arith.constant 0 : i32
        %dma_wait3A_105 = tpu.memref_slice %arg3[%dma_wait3A_103, %dma_wait3A_104] : memref<100000x128xf32, #tpu.memory_space<hbm>> -> memref<192x128xf32, #tpu.memory_space<hbm>>
        tpu.wait_dma2 semaphore(%arg15 : memref<!tpu.dma_semaphore, #tpu.memory_space<semaphore_mem>>) src(%dma_wait3A_105 : memref<192x128xf32, #tpu.memory_space<hbm>>) dst(%arg8 : memref<192x128xf32, #tpu.memory_space<vmem>>)
        %lt3A = arith.cmpi slt, %add3A_81, %select_n3A_61 : i32
        %convert_element_type3A_106 = arith.extui %lt3A : i1 to i32
        %cond3A_107 = arith.constant 0 : i32
        %cond3A_108 = arith.cmpi ne, %convert_element_type3A_106, %cond3A_107 : i32
        scf.if %cond3A_108 {
          %mul3A_123 = arith.constant 192 : i32
          %mul3A_124 = arith.muli %add3A_81, %mul3A_123 : i32
          %add3A_125 = arith.addi %mul3A_32, %mul3A_124 : i32
          %min3A_126 = arith.constant 99808 : i32
          %min3A_127 = arith.minsi %add3A_125, %min3A_126 : i32
          %multiple_of3A_128 = tpu.assume_multiple %min3A_127, 16 : i32
          %dma_start3A = arith.constant 0 : i32
          %dma_start3A_129 = tpu.memref_slice %arg2[%multiple_of3A_128, %dma_start3A] : memref<100000x128xf32, #tpu.memory_space<hbm>> -> memref<192x128xf32, #tpu.memory_space<hbm>>
          %dma_start3A_130 = arith.constant 0 : i32
          %dma_start3A_131 = tpu.memref_slice %arg2[%multiple_of3A_128, %dma_start3A_130] : memref<100000x128xf32, #tpu.memory_space<hbm>> -> memref<192x128xf32, #tpu.memory_space<hbm>>
          tpu.enqueue_dma source(%dma_start3A_131 : memref<192x128xf32, #tpu.memory_space<hbm>>) target(%arg7 : memref<192x128xf32, #tpu.memory_space<vmem>>) target_semaphore(%arg14 : memref<!tpu.dma_semaphore, #tpu.memory_space<semaphore_mem>>)
          %dma_start3A_132 = arith.constant 0 : i32
          %dma_start3A_133 = tpu.memref_slice %arg3[%multiple_of3A_128, %dma_start3A_132] : memref<100000x128xf32, #tpu.memory_space<hbm>> -> memref<192x128xf32, #tpu.memory_space<hbm>>
          %dma_start3A_134 = arith.constant 0 : i32
          %dma_start3A_135 = tpu.memref_slice %arg3[%multiple_of3A_128, %dma_start3A_134] : memref<100000x128xf32, #tpu.memory_space<hbm>> -> memref<192x128xf32, #tpu.memory_space<hbm>>
          tpu.enqueue_dma source(%dma_start3A_135 : memref<192x128xf32, #tpu.memory_space<hbm>>) target(%arg9 : memref<192x128xf32, #tpu.memory_space<vmem>>) target_semaphore(%arg16 : memref<!tpu.dma_semaphore, #tpu.memory_space<semaphore_mem>>)
        } else {
        }
        %mul3A_109 = arith.constant 192 : i32
        %mul3A_110 = arith.muli %while3A_79, %mul3A_109 : i32
        %add3A_111 = arith.addi %mul3A_32, %mul3A_110 : i32
        %mul3A_112 = arith.constant 192 : i32
        %mul3A_113 = arith.muli %while3A_79, %mul3A_112 : i32
        %add3A_114 = arith.addi %mul3A_32, %mul3A_113 : i32
        %min3A = arith.constant 99808 : i32
        %min3A_115 = arith.minsi %add3A_114, %min3A : i32
        %multiple_of3A_116 = tpu.assume_multiple %min3A_115, 16 : i32
        %scan3A_117 = arith.constant 0 : i32
        %scan3A_118 = arith.constant 0 : i32
        %scan3A_119 = arith.constant 32 : i32
        %scan3A_120 = arith.addi %scan3A_118, %scan3A_119 : i32
        %scan3A_121 = arith.constant 1 : i32
        scf.for %scan3A_123 = %scan3A_118 to %scan3A_120 step %scan3A_121  : i32 {
          %get3A_124 = arith.index_cast %scan3A_123 : i32 to index
          %get3A_125 = tpu.vector_load %arg10[%get3A_124] {strides = array<i32>} : memref<48xi32, #tpu.memory_space<vmem>>, vector<16xi32>,
          %get3A_126 = vector.shape_cast %get3A_125 : vector<16xi32> to vector<16xi32>
          %slice3A_127 = vector.extract_strided_slice %get3A_126 {offsets = [0], sizes = [1], strides = [1]} : vector<16xi32> to vector<1xi32>
          %squeeze3A_128 = vector.extract %slice3A_127[0] : i32 from vector<1xi32>
          %max3A = arith.maxsi %squeeze3A_128, %add3A_111 : i32
          %add3A_129 = arith.constant 1 : i32
          %add3A_130 = arith.addi %scan3A_123, %add3A_129 : i32
          %get3A_131 = arith.index_cast %add3A_130 : i32 to index
          %get3A_132 = tpu.vector_load %arg10[%get3A_131] {strides = array<i32>} : memref<48xi32, #tpu.memory_space<vmem>>, vector<16xi32>,
          %get3A_133 = vector.shape_cast %get3A_132 : vector<16xi32> to vector<16xi32>
          %slice3A_134 = vector.extract_strided_slice %get3A_133 {offsets = [0], sizes = [1], strides = [1]} : vector<16xi32> to vector<1xi32>
          %squeeze3A_135 = vector.extract %slice3A_134[0] : i32 from vector<1xi32>
          %add3A_136 = arith.constant 192 : i32
          %add3A_137 = arith.addi %multiple_of3A_116, %add3A_136 : i32
          %min3A_138 = arith.minsi %squeeze3A_135, %add3A_137 : i32
          %gt3A_139 = arith.cmpi sgt, %min3A_138, %max3A : i32
          %convert_element_type3A_140 = arith.extui %gt3A_139 : i1 to i32
          %cond3A_141 = arith.constant 0 : i32
          %cond3A_142 = arith.cmpi ne, %convert_element_type3A_140, %cond3A_141 : i32
          scf.if %cond3A_142 {
            %get3A_143 = arith.index_cast %scan3A_123 : i32 to index
            %get3A_144 = arith.constant 0 : index
            %get3A_145 = tpu.vector_load %arg11[%get3A_143, %get3A_144] {strides = array<i32>} : memref<32x256xf32, #tpu.memory_space<vmem>>, vector<1x16xf32>,
            %get3A_146 = vector.shape_cast %get3A_145 : vector<1x16xf32> to vector<16xf32>
            %get3A_147 = arith.index_cast %scan3A_123 : i32 to index
            %get3A_148 = arith.constant 16 : index
            %get3A_149 = tpu.vector_load %arg11[%get3A_147, %get3A_148] {strides = array<i32>} : memref<32x256xf32, #tpu.memory_space<vmem>>, vector<1x16xf32>,
            %get3A_150 = vector.shape_cast %get3A_149 : vector<1x16xf32> to vector<16xf32>
            %get3A_151 = arith.index_cast %scan3A_123 : i32 to index
            %get3A_152 = arith.constant 32 : index
            %get3A_153 = tpu.vector_load %arg11[%get3A_151, %get3A_152] {strides = array<i32>} : memref<32x256xf32, #tpu.memory_space<vmem>>, vector<1x16xf32>,
            %get3A_154 = vector.shape_cast %get3A_153 : vector<1x16xf32> to vector<16xf32>
            %get3A_155 = arith.index_cast %scan3A_123 : i32 to index
            %get3A_156 = arith.constant 48 : index
            %get3A_157 = tpu.vector_load %arg11[%get3A_155, %get3A_156] {strides = array<i32>} : memref<32x256xf32, #tpu.memory_space<vmem>>, vector<1x16xf32>,
            %get3A_158 = vector.shape_cast %get3A_157 : vector<1x16xf32> to vector<16xf32>
            %get3A_159 = arith.index_cast %scan3A_123 : i32 to index
            %get3A_160 = arith.constant 64 : index
            %get3A_161 = tpu.vector_load %arg11[%get3A_159, %get3A_160] {strides = array<i32>} : memref<32x256xf32, #tpu.memory_space<vmem>>, vector<1x16xf32>,
            %get3A_162 = vector.shape_cast %get3A_161 : vector<1x16xf32> to vector<16xf32>
            %get3A_163 = arith.index_cast %scan3A_123 : i32 to index
            %get3A_164 = arith.constant 80 : index
            %get3A_165 = tpu.vector_load %arg11[%get3A_163, %get3A_164] {strides = array<i32>} : memref<32x256xf32, #tpu.memory_space<vmem>>, vector<1x16xf32>,
            %get3A_166 = vector.shape_cast %get3A_165 : vector<1x16xf32> to vector<16xf32>
            %get3A_167 = arith.index_cast %scan3A_123 : i32 to index
            %get3A_168 = arith.constant 96 : index
            %get3A_169 = tpu.vector_load %arg11[%get3A_167, %get3A_168] {strides = array<i32>} : memref<32x256xf32, #tpu.memory_space<vmem>>, vector<1x16xf32>,
            %get3A_170 = vector.shape_cast %get3A_169 : vector<1x16xf32> to vector<16xf32>
            %get3A_171 = arith.index_cast %scan3A_123 : i32 to index
            %get3A_172 = arith.constant 112 : index
            %get3A_173 = tpu.vector_load %arg11[%get3A_171, %get3A_172] {strides = array<i32>} : memref<32x256xf32, #tpu.memory_space<vmem>>, vector<1x16xf32>,
            %get3A_174 = vector.shape_cast %get3A_173 : vector<1x16xf32> to vector<16xf32>
            %get3A_175 = arith.index_cast %scan3A_123 : i32 to index
            %get3A_176 = arith.constant 128 : index
            %get3A_177 = tpu.vector_load %arg11[%get3A_175, %get3A_176] {strides = array<i32>} : memref<32x256xf32, #tpu.memory_space<vmem>>, vector<1x16xf32>,
            %get3A_178 = vector.shape_cast %get3A_177 : vector<1x16xf32> to vector<16xf32>
            %get3A_179 = arith.index_cast %scan3A_123 : i32 to index
            %get3A_180 = arith.constant 144 : index
            %get3A_181 = tpu.vector_load %arg11[%get3A_179, %get3A_180] {strides = array<i32>} : memref<32x256xf32, #tpu.memory_space<vmem>>, vector<1x16xf32>,
            %get3A_182 = vector.shape_cast %get3A_181 : vector<1x16xf32> to vector<16xf32>
            %get3A_183 = arith.index_cast %scan3A_123 : i32 to index
            %get3A_184 = arith.constant 160 : index
            %get3A_185 = tpu.vector_load %arg11[%get3A_183, %get3A_184] {strides = array<i32>} : memref<32x256xf32, #tpu.memory_space<vmem>>, vector<1x16xf32>,
            %get3A_186 = vector.shape_cast %get3A_185 : vector<1x16xf32> to vector<16xf32>
            %get3A_187 = arith.index_cast %scan3A_123 : i32 to index
            %get3A_188 = arith.constant 176 : index
            %get3A_189 = tpu.vector_load %arg11[%get3A_187, %get3A_188] {strides = array<i32>} : memref<32x256xf32, #tpu.memory_space<vmem>>, vector<1x16xf32>,
            %get3A_190 = vector.shape_cast %get3A_189 : vector<1x16xf32> to vector<16xf32>
            %get3A_191 = arith.index_cast %scan3A_123 : i32 to index
            %get3A_192 = arith.constant 192 : index
            %get3A_193 = tpu.vector_load %arg11[%get3A_191, %get3A_192] {strides = array<i32>} : memref<32x256xf32, #tpu.memory_space<vmem>>, vector<1x16xf32>,
            %get3A_194 = vector.shape_cast %get3A_193 : vector<1x16xf32> to vector<16xf32>
            %get3A_195 = arith.index_cast %scan3A_123 : i32 to index
            %get3A_196 = arith.constant 208 : index
            %get3A_197 = tpu.vector_load %arg11[%get3A_195, %get3A_196] {strides = array<i32>} : memref<32x256xf32, #tpu.memory_space<vmem>>, vector<1x16xf32>,
            %get3A_198 = vector.shape_cast %get3A_197 : vector<1x16xf32> to vector<16xf32>
            %get3A_199 = arith.index_cast %scan3A_123 : i32 to index
            %get3A_200 = arith.constant 224 : index
            %get3A_201 = tpu.vector_load %arg11[%get3A_199, %get3A_200] {strides = array<i32>} : memref<32x256xf32, #tpu.memory_space<vmem>>, vector<1x16xf32>,
            %get3A_202 = vector.shape_cast %get3A_201 : vector<1x16xf32> to vector<16xf32>
            %get3A_203 = arith.index_cast %scan3A_123 : i32 to index
            %get3A_204 = arith.constant 240 : index
            %get3A_205 = tpu.vector_load %arg11[%get3A_203, %get3A_204] {strides = array<i32>} : memref<32x256xf32, #tpu.memory_space<vmem>>, vector<1x16xf32>,
            %get3A_206 = vector.shape_cast %get3A_205 : vector<1x16xf32> to vector<16xf32>
            %while3A_207 = arith.subi %min3A_138, %max3A : i32
            %while3A_208 = arith.addi %max3A, %while3A_207 : i32
            %while3A_209 = arith.constant 1 : i32
            %while3A_210 = arith.divsi %while3A_207, %while3A_209 : i32
            %while3A_211 = arith.muli %while3A_210, %while3A_209 : i32
            %while3A_212 = arith.addi %max3A, %while3A_211 : i32
            %while3A_213 = arith.constant 1 : i32
            %while3A_214:16 = scf.for %while3A_296 = %max3A to %while3A_212 step %while3A_213 iter_args(%while3A_297 = %get3A_146, %while3A_298 = %get3A_150, %while3A_299 = %get3A_154, %while3A_300 = %get3A_158, %while3A_301 = %get3A_162, %while3A_302 = %get3A_166, %while3A_303 = %get3A_170, %while3A_304 = %get3A_174, %while3A_305 = %get3A_178, %while3A_306 = %get3A_182, %while3A_307 = %get3A_186, %while3A_308 = %get3A_190, %while3A_309 = %get3A_194, %while3A_310 = %get3A_198, %while3A_311 = %get3A_202, %while3A_312 = %get3A_206) -> (vector<16xf32>, vector<16xf32>, vector<16xf32>, vector<16xf32>, vector<16xf32>, vector<16xf32>, vector<16xf32>, vector<16xf32>, vector<16xf32>, vector<16xf32>, vector<16xf32>, vector<16xf32>, vector<16xf32>, vector<16xf32>, vector<16xf32>, vector<16xf32>)  : i32 {
              %sub3A_313 = arith.subi %while3A_296, %multiple_of3A_116 : i32
              %get3A_314 = arith.index_cast %sub3A_313 : i32 to index
              %get3A_315 = arith.constant 0 : index
              %get3A_316 = tpu.vector_load %arg6[%get3A_314, %get3A_315] {strides = array<i32>} : memref<192x128xf32, #tpu.memory_space<vmem>>, vector<1x16xf32>,
              %get3A_317 = vector.shape_cast %get3A_316 : vector<1x16xf32> to vector<16xf32>
              %get3A_318 = arith.index_cast %sub3A_313 : i32 to index
              %get3A_319 = arith.constant 16 : index
              %get3A_320 = tpu.vector_load %arg6[%get3A_318, %get3A_319] {strides = array<i32>} : memref<192x128xf32, #tpu.memory_space<vmem>>, vector<1x16xf32>,
              %get3A_321 = vector.shape_cast %get3A_320 : vector<1x16xf32> to vector<16xf32>
              %get3A_322 = arith.index_cast %sub3A_313 : i32 to index
              %get3A_323 = arith.constant 32 : index
              %get3A_324 = tpu.vector_load %arg6[%get3A_322, %get3A_323] {strides = array<i32>} : memref<192x128xf32, #tpu.memory_space<vmem>>, vector<1x16xf32>,
              %get3A_325 = vector.shape_cast %get3A_324 : vector<1x16xf32> to vector<16xf32>
              %get3A_326 = arith.index_cast %sub3A_313 : i32 to index
              %get3A_327 = arith.constant 48 : index
              %get3A_328 = tpu.vector_load %arg6[%get3A_326, %get3A_327] {strides = array<i32>} : memref<192x128xf32, #tpu.memory_space<vmem>>, vector<1x16xf32>,
              %get3A_329 = vector.shape_cast %get3A_328 : vector<1x16xf32> to vector<16xf32>
              %get3A_330 = arith.index_cast %sub3A_313 : i32 to index
              %get3A_331 = arith.constant 64 : index
              %get3A_332 = tpu.vector_load %arg6[%get3A_330, %get3A_331] {strides = array<i32>} : memref<192x128xf32, #tpu.memory_space<vmem>>, vector<1x16xf32>,
              %get3A_333 = vector.shape_cast %get3A_332 : vector<1x16xf32> to vector<16xf32>
              %get3A_334 = arith.index_cast %sub3A_313 : i32 to index
              %get3A_335 = arith.constant 80 : index
              %get3A_336 = tpu.vector_load %arg6[%get3A_334, %get3A_335] {strides = array<i32>} : memref<192x128xf32, #tpu.memory_space<vmem>>, vector<1x16xf32>,
              %get3A_337 = vector.shape_cast %get3A_336 : vector<1x16xf32> to vector<16xf32>
              %get3A_338 = arith.index_cast %sub3A_313 : i32 to index
              %get3A_339 = arith.constant 96 : index
              %get3A_340 = tpu.vector_load %arg6[%get3A_338, %get3A_339] {strides = array<i32>} : memref<192x128xf32, #tpu.memory_space<vmem>>, vector<1x16xf32>,
              %get3A_341 = vector.shape_cast %get3A_340 : vector<1x16xf32> to vector<16xf32>
              %get3A_342 = arith.index_cast %sub3A_313 : i32 to index
              %get3A_343 = arith.constant 112 : index
              %get3A_344 = tpu.vector_load %arg6[%get3A_342, %get3A_343] {strides = array<i32>} : memref<192x128xf32, #tpu.memory_space<vmem>>, vector<1x16xf32>,
              %get3A_345 = vector.shape_cast %get3A_344 : vector<1x16xf32> to vector<16xf32>
              %get3A_346 = arith.index_cast %sub3A_313 : i32 to index
              %get3A_347 = arith.constant 0 : index
              %get3A_348 = tpu.vector_load %arg8[%get3A_346, %get3A_347] {strides = array<i32>} : memref<192x128xf32, #tpu.memory_space<vmem>>, vector<1x16xf32>,
              %get3A_349 = vector.shape_cast %get3A_348 : vector<1x16xf32> to vector<16xf32>
              %get3A_350 = arith.index_cast %sub3A_313 : i32 to index
              %get3A_351 = arith.constant 16 : index
              %get3A_352 = tpu.vector_load %arg8[%get3A_350, %get3A_351] {strides = array<i32>} : memref<192x128xf32, #tpu.memory_space<vmem>>, vector<1x16xf32>,
              %get3A_353 = vector.shape_cast %get3A_352 : vector<1x16xf32> to vector<16xf32>
              %get3A_354 = arith.index_cast %sub3A_313 : i32 to index
              %get3A_355 = arith.constant 32 : index
              %get3A_356 = tpu.vector_load %arg8[%get3A_354, %get3A_355] {strides = array<i32>} : memref<192x128xf32, #tpu.memory_space<vmem>>, vector<1x16xf32>,
              %get3A_357 = vector.shape_cast %get3A_356 : vector<1x16xf32> to vector<16xf32>
              %get3A_358 = arith.index_cast %sub3A_313 : i32 to index
              %get3A_359 = arith.constant 48 : index
              %get3A_360 = tpu.vector_load %arg8[%get3A_358, %get3A_359] {strides = array<i32>} : memref<192x128xf32, #tpu.memory_space<vmem>>, vector<1x16xf32>,
              %get3A_361 = vector.shape_cast %get3A_360 : vector<1x16xf32> to vector<16xf32>
              %get3A_362 = arith.index_cast %sub3A_313 : i32 to index
              %get3A_363 = arith.constant 64 : index
              %get3A_364 = tpu.vector_load %arg8[%get3A_362, %get3A_363] {strides = array<i32>} : memref<192x128xf32, #tpu.memory_space<vmem>>, vector<1x16xf32>,
              %get3A_365 = vector.shape_cast %get3A_364 : vector<1x16xf32> to vector<16xf32>
              %get3A_366 = arith.index_cast %sub3A_313 : i32 to index
              %get3A_367 = arith.constant 80 : index
              %get3A_368 = tpu.vector_load %arg8[%get3A_366, %get3A_367] {strides = array<i32>} : memref<192x128xf32, #tpu.memory_space<vmem>>, vector<1x16xf32>,
              %get3A_369 = vector.shape_cast %get3A_368 : vector<1x16xf32> to vector<16xf32>
              %get3A_370 = arith.index_cast %sub3A_313 : i32 to index
              %get3A_371 = arith.constant 96 : index
              %get3A_372 = tpu.vector_load %arg8[%get3A_370, %get3A_371] {strides = array<i32>} : memref<192x128xf32, #tpu.memory_space<vmem>>, vector<1x16xf32>,
              %get3A_373 = vector.shape_cast %get3A_372 : vector<1x16xf32> to vector<16xf32>
              %get3A_374 = arith.index_cast %sub3A_313 : i32 to index
              %get3A_375 = arith.constant 112 : index
              %get3A_376 = tpu.vector_load %arg8[%get3A_374, %get3A_375] {strides = array<i32>} : memref<192x128xf32, #tpu.memory_space<vmem>>, vector<1x16xf32>,
              %get3A_377 = vector.shape_cast %get3A_376 : vector<1x16xf32> to vector<16xf32>
              %add3A_378 = arith.addf %while3A_297, %get3A_317 : vector<16xf32>
              %add3A_379 = arith.addf %while3A_298, %get3A_321 : vector<16xf32>
              %add3A_380 = arith.addf %while3A_299, %get3A_325 : vector<16xf32>
              %add3A_381 = arith.addf %while3A_300, %get3A_329 : vector<16xf32>
              %add3A_382 = arith.addf %while3A_301, %get3A_333 : vector<16xf32>
              %add3A_383 = arith.addf %while3A_302, %get3A_337 : vector<16xf32>
              %add3A_384 = arith.addf %while3A_303, %get3A_341 : vector<16xf32>
              %add3A_385 = arith.addf %while3A_304, %get3A_345 : vector<16xf32>
              %mul3A_386 = arith.mulf %get3A_349, %get3A_317 : vector<16xf32>
              %add3A_387 = arith.addf %while3A_305, %mul3A_386 : vector<16xf32>
              %mul3A_388 = arith.mulf %get3A_353, %get3A_321 : vector<16xf32>
              %add3A_389 = arith.addf %while3A_306, %mul3A_388 : vector<16xf32>
              %mul3A_390 = arith.mulf %get3A_357, %get3A_325 : vector<16xf32>
              %add3A_391 = arith.addf %while3A_307, %mul3A_390 : vector<16xf32>
              %mul3A_392 = arith.mulf %get3A_361, %get3A_329 : vector<16xf32>
              %add3A_393 = arith.addf %while3A_308, %mul3A_392 : vector<16xf32>
              %mul3A_394 = arith.mulf %get3A_365, %get3A_333 : vector<16xf32>
              %add3A_395 = arith.addf %while3A_309, %mul3A_394 : vector<16xf32>
              %mul3A_396 = arith.mulf %get3A_369, %get3A_337 : vector<16xf32>
              %add3A_397 = arith.addf %while3A_310, %mul3A_396 : vector<16xf32>
              %mul3A_398 = arith.mulf %get3A_373, %get3A_341 : vector<16xf32>
              %add3A_399 = arith.addf %while3A_311, %mul3A_398 : vector<16xf32>
              %mul3A_400 = arith.mulf %get3A_377, %get3A_345 : vector<16xf32>
              %add3A_401 = arith.addf %while3A_312, %mul3A_400 : vector<16xf32>
              scf.yield %add3A_378, %add3A_379, %add3A_380, %add3A_381, %add3A_382, %add3A_383, %add3A_384, %add3A_385, %add3A_387, %add3A_389, %add3A_391, %add3A_393, %add3A_395, %add3A_397, %add3A_399, %add3A_401 : vector<16xf32>, vector<16xf32>, vector<16xf32>, vector<16xf32>, vector<16xf32>, vector<16xf32>, vector<16xf32>, vector<16xf32>, vector<16xf32>, vector<16xf32>, vector<16xf32>, vector<16xf32>, vector<16xf32>, vector<16xf32>, vector<16xf32>, vector<16xf32>
            }
            %while3A_215 = arith.constant 1 : i32
            %while3A_216:16 = scf.for %while3A_296 = %while3A_212 to %while3A_208 step %while3A_215 iter_args(%while3A_297 = %while3A_214#0, %while3A_298 = %while3A_214#1, %while3A_299 = %while3A_214#2, %while3A_300 = %while3A_214#3, %while3A_301 = %while3A_214#4, %while3A_302 = %while3A_214#5, %while3A_303 = %while3A_214#6, %while3A_304 = %while3A_214#7, %while3A_305 = %while3A_214#8, %while3A_306 = %while3A_214#9, %while3A_307 = %while3A_214#10, %while3A_308 = %while3A_214#11, %while3A_309 = %while3A_214#12, %while3A_310 = %while3A_214#13, %while3A_311 = %while3A_214#14, %while3A_312 = %while3A_214#15) -> (vector<16xf32>, vector<16xf32>, vector<16xf32>, vector<16xf32>, vector<16xf32>, vector<16xf32>, vector<16xf32>, vector<16xf32>, vector<16xf32>, vector<16xf32>, vector<16xf32>, vector<16xf32>, vector<16xf32>, vector<16xf32>, vector<16xf32>, vector<16xf32>)  : i32 {
              %sub3A_313 = arith.subi %while3A_296, %multiple_of3A_116 : i32
              %get3A_314 = arith.index_cast %sub3A_313 : i32 to index
              %get3A_315 = arith.constant 0 : index
              %get3A_316 = tpu.vector_load %arg6[%get3A_314, %get3A_315] {strides = array<i32>} : memref<192x128xf32, #tpu.memory_space<vmem>>, vector<1x16xf32>,
              %get3A_317 = vector.shape_cast %get3A_316 : vector<1x16xf32> to vector<16xf32>
              %get3A_318 = arith.index_cast %sub3A_313 : i32 to index
              %get3A_319 = arith.constant 16 : index
              %get3A_320 = tpu.vector_load %arg6[%get3A_318, %get3A_319] {strides = array<i32>} : memref<192x128xf32, #tpu.memory_space<vmem>>, vector<1x16xf32>,
              %get3A_321 = vector.shape_cast %get3A_320 : vector<1x16xf32> to vector<16xf32>
              %get3A_322 = arith.index_cast %sub3A_313 : i32 to index
              %get3A_323 = arith.constant 32 : index
              %get3A_324 = tpu.vector_load %arg6[%get3A_322, %get3A_323] {strides = array<i32>} : memref<192x128xf32, #tpu.memory_space<vmem>>, vector<1x16xf32>,
              %get3A_325 = vector.shape_cast %get3A_324 : vector<1x16xf32> to vector<16xf32>
              %get3A_326 = arith.index_cast %sub3A_313 : i32 to index
              %get3A_327 = arith.constant 48 : index
              %get3A_328 = tpu.vector_load %arg6[%get3A_326, %get3A_327] {strides = array<i32>} : memref<192x128xf32, #tpu.memory_space<vmem>>, vector<1x16xf32>,
              %get3A_329 = vector.shape_cast %get3A_328 : vector<1x16xf32> to vector<16xf32>
              %get3A_330 = arith.index_cast %sub3A_313 : i32 to index
              %get3A_331 = arith.constant 64 : index
              %get3A_332 = tpu.vector_load %arg6[%get3A_330, %get3A_331] {strides = array<i32>} : memref<192x128xf32, #tpu.memory_space<vmem>>, vector<1x16xf32>,
              %get3A_333 = vector.shape_cast %get3A_332 : vector<1x16xf32> to vector<16xf32>
              %get3A_334 = arith.index_cast %sub3A_313 : i32 to index
              %get3A_335 = arith.constant 80 : index
              %get3A_336 = tpu.vector_load %arg6[%get3A_334, %get3A_335] {strides = array<i32>} : memref<192x128xf32, #tpu.memory_space<vmem>>, vector<1x16xf32>,
              %get3A_337 = vector.shape_cast %get3A_336 : vector<1x16xf32> to vector<16xf32>
              %get3A_338 = arith.index_cast %sub3A_313 : i32 to index
              %get3A_339 = arith.constant 96 : index
              %get3A_340 = tpu.vector_load %arg6[%get3A_338, %get3A_339] {strides = array<i32>} : memref<192x128xf32, #tpu.memory_space<vmem>>, vector<1x16xf32>,
              %get3A_341 = vector.shape_cast %get3A_340 : vector<1x16xf32> to vector<16xf32>
              %get3A_342 = arith.index_cast %sub3A_313 : i32 to index
              %get3A_343 = arith.constant 112 : index
              %get3A_344 = tpu.vector_load %arg6[%get3A_342, %get3A_343] {strides = array<i32>} : memref<192x128xf32, #tpu.memory_space<vmem>>, vector<1x16xf32>,
              %get3A_345 = vector.shape_cast %get3A_344 : vector<1x16xf32> to vector<16xf32>
              %get3A_346 = arith.index_cast %sub3A_313 : i32 to index
              %get3A_347 = arith.constant 0 : index
              %get3A_348 = tpu.vector_load %arg8[%get3A_346, %get3A_347] {strides = array<i32>} : memref<192x128xf32, #tpu.memory_space<vmem>>, vector<1x16xf32>,
              %get3A_349 = vector.shape_cast %get3A_348 : vector<1x16xf32> to vector<16xf32>
              %get3A_350 = arith.index_cast %sub3A_313 : i32 to index
              %get3A_351 = arith.constant 16 : index
              %get3A_352 = tpu.vector_load %arg8[%get3A_350, %get3A_351] {strides = array<i32>} : memref<192x128xf32, #tpu.memory_space<vmem>>, vector<1x16xf32>,
              %get3A_353 = vector.shape_cast %get3A_352 : vector<1x16xf32> to vector<16xf32>
              %get3A_354 = arith.index_cast %sub3A_313 : i32 to index
              %get3A_355 = arith.constant 32 : index
              %get3A_356 = tpu.vector_load %arg8[%get3A_354, %get3A_355] {strides = array<i32>} : memref<192x128xf32, #tpu.memory_space<vmem>>, vector<1x16xf32>,
              %get3A_357 = vector.shape_cast %get3A_356 : vector<1x16xf32> to vector<16xf32>
              %get3A_358 = arith.index_cast %sub3A_313 : i32 to index
              %get3A_359 = arith.constant 48 : index
              %get3A_360 = tpu.vector_load %arg8[%get3A_358, %get3A_359] {strides = array<i32>} : memref<192x128xf32, #tpu.memory_space<vmem>>, vector<1x16xf32>,
              %get3A_361 = vector.shape_cast %get3A_360 : vector<1x16xf32> to vector<16xf32>
              %get3A_362 = arith.index_cast %sub3A_313 : i32 to index
              %get3A_363 = arith.constant 64 : index
              %get3A_364 = tpu.vector_load %arg8[%get3A_362, %get3A_363] {strides = array<i32>} : memref<192x128xf32, #tpu.memory_space<vmem>>, vector<1x16xf32>,
              %get3A_365 = vector.shape_cast %get3A_364 : vector<1x16xf32> to vector<16xf32>
              %get3A_366 = arith.index_cast %sub3A_313 : i32 to index
              %get3A_367 = arith.constant 80 : index
              %get3A_368 = tpu.vector_load %arg8[%get3A_366, %get3A_367] {strides = array<i32>} : memref<192x128xf32, #tpu.memory_space<vmem>>, vector<1x16xf32>,
              %get3A_369 = vector.shape_cast %get3A_368 : vector<1x16xf32> to vector<16xf32>
              %get3A_370 = arith.index_cast %sub3A_313 : i32 to index
              %get3A_371 = arith.constant 96 : index
              %get3A_372 = tpu.vector_load %arg8[%get3A_370, %get3A_371] {strides = array<i32>} : memref<192x128xf32, #tpu.memory_space<vmem>>, vector<1x16xf32>,
              %get3A_373 = vector.shape_cast %get3A_372 : vector<1x16xf32> to vector<16xf32>
              %get3A_374 = arith.index_cast %sub3A_313 : i32 to index
              %get3A_375 = arith.constant 112 : index
              %get3A_376 = tpu.vector_load %arg8[%get3A_374, %get3A_375] {strides = array<i32>} : memref<192x128xf32, #tpu.memory_space<vmem>>, vector<1x16xf32>,
              %get3A_377 = vector.shape_cast %get3A_376 : vector<1x16xf32> to vector<16xf32>
              %add3A_378 = arith.addf %while3A_297, %get3A_317 : vector<16xf32>
              %add3A_379 = arith.addf %while3A_298, %get3A_321 : vector<16xf32>
              %add3A_380 = arith.addf %while3A_299, %get3A_325 : vector<16xf32>
              %add3A_381 = arith.addf %while3A_300, %get3A_329 : vector<16xf32>
              %add3A_382 = arith.addf %while3A_301, %get3A_333 : vector<16xf32>
              %add3A_383 = arith.addf %while3A_302, %get3A_337 : vector<16xf32>
              %add3A_384 = arith.addf %while3A_303, %get3A_341 : vector<16xf32>
              %add3A_385 = arith.addf %while3A_304, %get3A_345 : vector<16xf32>
              %mul3A_386 = arith.mulf %get3A_349, %get3A_317 : vector<16xf32>
              %add3A_387 = arith.addf %while3A_305, %mul3A_386 : vector<16xf32>
              %mul3A_388 = arith.mulf %get3A_353, %get3A_321 : vector<16xf32>
              %add3A_389 = arith.addf %while3A_306, %mul3A_388 : vector<16xf32>
              %mul3A_390 = arith.mulf %get3A_357, %get3A_325 : vector<16xf32>
              %add3A_391 = arith.addf %while3A_307, %mul3A_390 : vector<16xf32>
              %mul3A_392 = arith.mulf %get3A_361, %get3A_329 : vector<16xf32>
              %add3A_393 = arith.addf %while3A_308, %mul3A_392 : vector<16xf32>
              %mul3A_394 = arith.mulf %get3A_365, %get3A_333 : vector<16xf32>
              %add3A_395 = arith.addf %while3A_309, %mul3A_394 : vector<16xf32>
              %mul3A_396 = arith.mulf %get3A_369, %get3A_337 : vector<16xf32>
              %add3A_397 = arith.addf %while3A_310, %mul3A_396 : vector<16xf32>
              %mul3A_398 = arith.mulf %get3A_373, %get3A_341 : vector<16xf32>
              %add3A_399 = arith.addf %while3A_311, %mul3A_398 : vector<16xf32>
              %mul3A_400 = arith.mulf %get3A_377, %get3A_345 : vector<16xf32>
              %add3A_401 = arith.addf %while3A_312, %mul3A_400 : vector<16xf32>
              scf.yield %add3A_378, %add3A_379, %add3A_380, %add3A_381, %add3A_382, %add3A_383, %add3A_384, %add3A_385, %add3A_387, %add3A_389, %add3A_391, %add3A_393, %add3A_395, %add3A_397, %add3A_399, %add3A_401 : vector<16xf32>, vector<16xf32>, vector<16xf32>, vector<16xf32>, vector<16xf32>, vector<16xf32>, vector<16xf32>, vector<16xf32>, vector<16xf32>, vector<16xf32>, vector<16xf32>, vector<16xf32>, vector<16xf32>, vector<16xf32>, vector<16xf32>, vector<16xf32>
            }
            %swap3A = arith.index_cast %scan3A_123 : i32 to index
            %swap3A_217 = arith.constant 0 : index
            %swap3A_218 = tpu.vector_load %arg11[%swap3A, %swap3A_217] {strides = array<i32>} : memref<32x256xf32, #tpu.memory_space<vmem>>, vector<1x16xf32>,
            %swap3A_219 = vector.shape_cast %swap3A_218 : vector<1x16xf32> to vector<16xf32>
            %swap3A_220 = vector.shape_cast %while3A_216#0 : vector<16xf32> to vector<1x16xf32>
            tpu.vector_store %arg11[%swap3A, %swap3A_217], %swap3A_220 {strides = array<i32>} : memref<32x256xf32, #tpu.memory_space<vmem>>, vector<1x16xf32>,
            %swap3A_221 = arith.index_cast %scan3A_123 : i32 to index
            %swap3A_222 = arith.constant 16 : index
            %swap3A_223 = tpu.vector_load %arg11[%swap3A_221, %swap3A_222] {strides = array<i32>} : memref<32x256xf32, #tpu.memory_space<vmem>>, vector<1x16xf32>,
            %swap3A_224 = vector.shape_cast %swap3A_223 : vector<1x16xf32> to vector<16xf32>
            %swap3A_225 = vector.shape_cast %while3A_216#1 : vector<16xf32> to vector<1x16xf32>
            tpu.vector_store %arg11[%swap3A_221, %swap3A_222], %swap3A_225 {strides = array<i32>} : memref<32x256xf32, #tpu.memory_space<vmem>>, vector<1x16xf32>,
            %swap3A_226 = arith.index_cast %scan3A_123 : i32 to index
            %swap3A_227 = arith.constant 32 : index
            %swap3A_228 = tpu.vector_load %arg11[%swap3A_226, %swap3A_227] {strides = array<i32>} : memref<32x256xf32, #tpu.memory_space<vmem>>, vector<1x16xf32>,
            %swap3A_229 = vector.shape_cast %swap3A_228 : vector<1x16xf32> to vector<16xf32>
            %swap3A_230 = vector.shape_cast %while3A_216#2 : vector<16xf32> to vector<1x16xf32>
            tpu.vector_store %arg11[%swap3A_226, %swap3A_227], %swap3A_230 {strides = array<i32>} : memref<32x256xf32, #tpu.memory_space<vmem>>, vector<1x16xf32>,
            %swap3A_231 = arith.index_cast %scan3A_123 : i32 to index
            %swap3A_232 = arith.constant 48 : index
            %swap3A_233 = tpu.vector_load %arg11[%swap3A_231, %swap3A_232] {strides = array<i32>} : memref<32x256xf32, #tpu.memory_space<vmem>>, vector<1x16xf32>,
            %swap3A_234 = vector.shape_cast %swap3A_233 : vector<1x16xf32> to vector<16xf32>
            %swap3A_235 = vector.shape_cast %while3A_216#3 : vector<16xf32> to vector<1x16xf32>
            tpu.vector_store %arg11[%swap3A_231, %swap3A_232], %swap3A_235 {strides = array<i32>} : memref<32x256xf32, #tpu.memory_space<vmem>>, vector<1x16xf32>,
            %swap3A_236 = arith.index_cast %scan3A_123 : i32 to index
            %swap3A_237 = arith.constant 64 : index
            %swap3A_238 = tpu.vector_load %arg11[%swap3A_236, %swap3A_237] {strides = array<i32>} : memref<32x256xf32, #tpu.memory_space<vmem>>, vector<1x16xf32>,
            %swap3A_239 = vector.shape_cast %swap3A_238 : vector<1x16xf32> to vector<16xf32>
            %swap3A_240 = vector.shape_cast %while3A_216#4 : vector<16xf32> to vector<1x16xf32>
            tpu.vector_store %arg11[%swap3A_236, %swap3A_237], %swap3A_240 {strides = array<i32>} : memref<32x256xf32, #tpu.memory_space<vmem>>, vector<1x16xf32>,
            %swap3A_241 = arith.index_cast %scan3A_123 : i32 to index
            %swap3A_242 = arith.constant 80 : index
            %swap3A_243 = tpu.vector_load %arg11[%swap3A_241, %swap3A_242] {strides = array<i32>} : memref<32x256xf32, #tpu.memory_space<vmem>>, vector<1x16xf32>,
            %swap3A_244 = vector.shape_cast %swap3A_243 : vector<1x16xf32> to vector<16xf32>
            %swap3A_245 = vector.shape_cast %while3A_216#5 : vector<16xf32> to vector<1x16xf32>
            tpu.vector_store %arg11[%swap3A_241, %swap3A_242], %swap3A_245 {strides = array<i32>} : memref<32x256xf32, #tpu.memory_space<vmem>>, vector<1x16xf32>,
            %swap3A_246 = arith.index_cast %scan3A_123 : i32 to index
            %swap3A_247 = arith.constant 96 : index
            %swap3A_248 = tpu.vector_load %arg11[%swap3A_246, %swap3A_247] {strides = array<i32>} : memref<32x256xf32, #tpu.memory_space<vmem>>, vector<1x16xf32>,
            %swap3A_249 = vector.shape_cast %swap3A_248 : vector<1x16xf32> to vector<16xf32>
            %swap3A_250 = vector.shape_cast %while3A_216#6 : vector<16xf32> to vector<1x16xf32>
            tpu.vector_store %arg11[%swap3A_246, %swap3A_247], %swap3A_250 {strides = array<i32>} : memref<32x256xf32, #tpu.memory_space<vmem>>, vector<1x16xf32>,
            %swap3A_251 = arith.index_cast %scan3A_123 : i32 to index
            %swap3A_252 = arith.constant 112 : index
            %swap3A_253 = tpu.vector_load %arg11[%swap3A_251, %swap3A_252] {strides = array<i32>} : memref<32x256xf32, #tpu.memory_space<vmem>>, vector<1x16xf32>,
            %swap3A_254 = vector.shape_cast %swap3A_253 : vector<1x16xf32> to vector<16xf32>
            %swap3A_255 = vector.shape_cast %while3A_216#7 : vector<16xf32> to vector<1x16xf32>
            tpu.vector_store %arg11[%swap3A_251, %swap3A_252], %swap3A_255 {strides = array<i32>} : memref<32x256xf32, #tpu.memory_space<vmem>>, vector<1x16xf32>,
            %swap3A_256 = arith.index_cast %scan3A_123 : i32 to index
            %swap3A_257 = arith.constant 128 : index
            %swap3A_258 = tpu.vector_load %arg11[%swap3A_256, %swap3A_257] {strides = array<i32>} : memref<32x256xf32, #tpu.memory_space<vmem>>, vector<1x16xf32>,
            %swap3A_259 = vector.shape_cast %swap3A_258 : vector<1x16xf32> to vector<16xf32>
            %swap3A_260 = vector.shape_cast %while3A_216#8 : vector<16xf32> to vector<1x16xf32>
            tpu.vector_store %arg11[%swap3A_256, %swap3A_257], %swap3A_260 {strides = array<i32>} : memref<32x256xf32, #tpu.memory_space<vmem>>, vector<1x16xf32>,
            %swap3A_261 = arith.index_cast %scan3A_123 : i32 to index
            %swap3A_262 = arith.constant 144 : index
            %swap3A_263 = tpu.vector_load %arg11[%swap3A_261, %swap3A_262] {strides = array<i32>} : memref<32x256xf32, #tpu.memory_space<vmem>>, vector<1x16xf32>,
            %swap3A_264 = vector.shape_cast %swap3A_263 : vector<1x16xf32> to vector<16xf32>
            %swap3A_265 = vector.shape_cast %while3A_216#9 : vector<16xf32> to vector<1x16xf32>
            tpu.vector_store %arg11[%swap3A_261, %swap3A_262], %swap3A_265 {strides = array<i32>} : memref<32x256xf32, #tpu.memory_space<vmem>>, vector<1x16xf32>,
            %swap3A_266 = arith.index_cast %scan3A_123 : i32 to index
            %swap3A_267 = arith.constant 160 : index
            %swap3A_268 = tpu.vector_load %arg11[%swap3A_266, %swap3A_267] {strides = array<i32>} : memref<32x256xf32, #tpu.memory_space<vmem>>, vector<1x16xf32>,
            %swap3A_269 = vector.shape_cast %swap3A_268 : vector<1x16xf32> to vector<16xf32>
            %swap3A_270 = vector.shape_cast %while3A_216#10 : vector<16xf32> to vector<1x16xf32>
            tpu.vector_store %arg11[%swap3A_266, %swap3A_267], %swap3A_270 {strides = array<i32>} : memref<32x256xf32, #tpu.memory_space<vmem>>, vector<1x16xf32>,
            %swap3A_271 = arith.index_cast %scan3A_123 : i32 to index
            %swap3A_272 = arith.constant 176 : index
            %swap3A_273 = tpu.vector_load %arg11[%swap3A_271, %swap3A_272] {strides = array<i32>} : memref<32x256xf32, #tpu.memory_space<vmem>>, vector<1x16xf32>,
            %swap3A_274 = vector.shape_cast %swap3A_273 : vector<1x16xf32> to vector<16xf32>
            %swap3A_275 = vector.shape_cast %while3A_216#11 : vector<16xf32> to vector<1x16xf32>
            tpu.vector_store %arg11[%swap3A_271, %swap3A_272], %swap3A_275 {strides = array<i32>} : memref<32x256xf32, #tpu.memory_space<vmem>>, vector<1x16xf32>,
            %swap3A_276 = arith.index_cast %scan3A_123 : i32 to index
            %swap3A_277 = arith.constant 192 : index
            %swap3A_278 = tpu.vector_load %arg11[%swap3A_276, %swap3A_277] {strides = array<i32>} : memref<32x256xf32, #tpu.memory_space<vmem>>, vector<1x16xf32>,
            %swap3A_279 = vector.shape_cast %swap3A_278 : vector<1x16xf32> to vector<16xf32>
            %swap3A_280 = vector.shape_cast %while3A_216#12 : vector<16xf32> to vector<1x16xf32>
            tpu.vector_store %arg11[%swap3A_276, %swap3A_277], %swap3A_280 {strides = array<i32>} : memref<32x256xf32, #tpu.memory_space<vmem>>, vector<1x16xf32>,
            %swap3A_281 = arith.index_cast %scan3A_123 : i32 to index
            %swap3A_282 = arith.constant 208 : index
            %swap3A_283 = tpu.vector_load %arg11[%swap3A_281, %swap3A_282] {strides = array<i32>} : memref<32x256xf32, #tpu.memory_space<vmem>>, vector<1x16xf32>,
            %swap3A_284 = vector.shape_cast %swap3A_283 : vector<1x16xf32> to vector<16xf32>
            %swap3A_285 = vector.shape_cast %while3A_216#13 : vector<16xf32> to vector<1x16xf32>
            tpu.vector_store %arg11[%swap3A_281, %swap3A_282], %swap3A_285 {strides = array<i32>} : memref<32x256xf32, #tpu.memory_space<vmem>>, vector<1x16xf32>,
            %swap3A_286 = arith.index_cast %scan3A_123 : i32 to index
            %swap3A_287 = arith.constant 224 : index
            %swap3A_288 = tpu.vector_load %arg11[%swap3A_286, %swap3A_287] {strides = array<i32>} : memref<32x256xf32, #tpu.memory_space<vmem>>, vector<1x16xf32>,
            %swap3A_289 = vector.shape_cast %swap3A_288 : vector<1x16xf32> to vector<16xf32>
            %swap3A_290 = vector.shape_cast %while3A_216#14 : vector<16xf32> to vector<1x16xf32>
            tpu.vector_store %arg11[%swap3A_286, %swap3A_287], %swap3A_290 {strides = array<i32>} : memref<32x256xf32, #tpu.memory_space<vmem>>, vector<1x16xf32>,
            %swap3A_291 = arith.index_cast %scan3A_123 : i32 to index
            %swap3A_292 = arith.constant 240 : index
            %swap3A_293 = tpu.vector_load %arg11[%swap3A_291, %swap3A_292] {strides = array<i32>} : memref<32x256xf32, #tpu.memory_space<vmem>>, vector<1x16xf32>,
            %swap3A_294 = vector.shape_cast %swap3A_293 : vector<1x16xf32> to vector<16xf32>
            %swap3A_295 = vector.shape_cast %while3A_216#15 : vector<16xf32> to vector<1x16xf32>
            tpu.vector_store %arg11[%swap3A_291, %swap3A_292], %swap3A_295 {strides = array<i32>} : memref<32x256xf32, #tpu.memory_space<vmem>>, vector<1x16xf32>,
          } else {
          }
        }
        %scan3A_122 = arith.constant 32 : i32
      } else {
      }
      %rem3A_88 = arith.constant 2 : i32
      %rem3A_89 = arith.remsi %while3A_79, %rem3A_88 : i32
      %eq3A_90 = arith.constant 1 : i32
      %eq3A_91 = arith.cmpi eq, %rem3A_89, %eq3A_90 : i32
      %convert_element_type3A_92 = arith.extui %eq3A_91 : i1 to i32
      %cond3A_93 = arith.constant 0 : i32
      %cond3A_94 = arith.cmpi ne, %convert_element_type3A_92, %cond3A_93 : i32
      scf.if %cond3A_94 {
        %dma_wait3A = arith.constant 0 : i32
        %dma_wait3A_95 = arith.constant 0 : i32
        %dma_wait3A_96 = tpu.memref_slice %arg2[%dma_wait3A, %dma_wait3A_95] : memref<100000x128xf32, #tpu.memory_space<hbm>> -> memref<192x128xf32, #tpu.memory_space<hbm>>
        %dma_wait3A_97 = arith.constant 0 : i32
        %dma_wait3A_98 = arith.constant 0 : i32
        %dma_wait3A_99 = tpu.memref_slice %arg2[%dma_wait3A_97, %dma_wait3A_98] : memref<100000x128xf32, #tpu.memory_space<hbm>> -> memref<192x128xf32, #tpu.memory_space<hbm>>
        tpu.wait_dma2 semaphore(%arg14 : memref<!tpu.dma_semaphore, #tpu.memory_space<semaphore_mem>>) src(%dma_wait3A_99 : memref<192x128xf32, #tpu.memory_space<hbm>>) dst(%arg7 : memref<192x128xf32, #tpu.memory_space<vmem>>)
        %dma_wait3A_100 = arith.constant 0 : i32
        %dma_wait3A_101 = arith.constant 0 : i32
        %dma_wait3A_102 = tpu.memref_slice %arg3[%dma_wait3A_100, %dma_wait3A_101] : memref<100000x128xf32, #tpu.memory_space<hbm>> -> memref<192x128xf32, #tpu.memory_space<hbm>>
        %dma_wait3A_103 = arith.constant 0 : i32
        %dma_wait3A_104 = arith.constant 0 : i32
        %dma_wait3A_105 = tpu.memref_slice %arg3[%dma_wait3A_103, %dma_wait3A_104] : memref<100000x128xf32, #tpu.memory_space<hbm>> -> memref<192x128xf32, #tpu.memory_space<hbm>>
        tpu.wait_dma2 semaphore(%arg16 : memref<!tpu.dma_semaphore, #tpu.memory_space<semaphore_mem>>) src(%dma_wait3A_105 : memref<192x128xf32, #tpu.memory_space<hbm>>) dst(%arg9 : memref<192x128xf32, #tpu.memory_space<vmem>>)
        %lt3A = arith.cmpi slt, %add3A_81, %select_n3A_61 : i32
        %convert_element_type3A_106 = arith.extui %lt3A : i1 to i32
        %cond3A_107 = arith.constant 0 : i32
        %cond3A_108 = arith.cmpi ne, %convert_element_type3A_106, %cond3A_107 : i32
        scf.if %cond3A_108 {
          %mul3A_123 = arith.constant 192 : i32
          %mul3A_124 = arith.muli %add3A_81, %mul3A_123 : i32
          %add3A_125 = arith.addi %mul3A_32, %mul3A_124 : i32
          %min3A_126 = arith.constant 99808 : i32
          %min3A_127 = arith.minsi %add3A_125, %min3A_126 : i32
          %multiple_of3A_128 = tpu.assume_multiple %min3A_127, 16 : i32
          %dma_start3A = arith.constant 0 : i32
          %dma_start3A_129 = tpu.memref_slice %arg2[%multiple_of3A_128, %dma_start3A] : memref<100000x128xf32, #tpu.memory_space<hbm>> -> memref<192x128xf32, #tpu.memory_space<hbm>>
          %dma_start3A_130 = arith.constant 0 : i32
          %dma_start3A_131 = tpu.memref_slice %arg2[%multiple_of3A_128, %dma_start3A_130] : memref<100000x128xf32, #tpu.memory_space<hbm>> -> memref<192x128xf32, #tpu.memory_space<hbm>>
          tpu.enqueue_dma source(%dma_start3A_131 : memref<192x128xf32, #tpu.memory_space<hbm>>) target(%arg6 : memref<192x128xf32, #tpu.memory_space<vmem>>) target_semaphore(%arg13 : memref<!tpu.dma_semaphore, #tpu.memory_space<semaphore_mem>>)
          %dma_start3A_132 = arith.constant 0 : i32
          %dma_start3A_133 = tpu.memref_slice %arg3[%multiple_of3A_128, %dma_start3A_132] : memref<100000x128xf32, #tpu.memory_space<hbm>> -> memref<192x128xf32, #tpu.memory_space<hbm>>
          %dma_start3A_134 = arith.constant 0 : i32
          %dma_start3A_135 = tpu.memref_slice %arg3[%multiple_of3A_128, %dma_start3A_134] : memref<100000x128xf32, #tpu.memory_space<hbm>> -> memref<192x128xf32, #tpu.memory_space<hbm>>
          tpu.enqueue_dma source(%dma_start3A_135 : memref<192x128xf32, #tpu.memory_space<hbm>>) target(%arg8 : memref<192x128xf32, #tpu.memory_space<vmem>>) target_semaphore(%arg15 : memref<!tpu.dma_semaphore, #tpu.memory_space<semaphore_mem>>)
        } else {
        }
        %mul3A_109 = arith.constant 192 : i32
        %mul3A_110 = arith.muli %while3A_79, %mul3A_109 : i32
        %add3A_111 = arith.addi %mul3A_32, %mul3A_110 : i32
        %mul3A_112 = arith.constant 192 : i32
        %mul3A_113 = arith.muli %while3A_79, %mul3A_112 : i32
        %add3A_114 = arith.addi %mul3A_32, %mul3A_113 : i32
        %min3A = arith.constant 99808 : i32
        %min3A_115 = arith.minsi %add3A_114, %min3A : i32
        %multiple_of3A_116 = tpu.assume_multiple %min3A_115, 16 : i32
        %scan3A_117 = arith.constant 0 : i32
        %scan3A_118 = arith.constant 0 : i32
        %scan3A_119 = arith.constant 32 : i32
        %scan3A_120 = arith.addi %scan3A_118, %scan3A_119 : i32
        %scan3A_121 = arith.constant 1 : i32
        scf.for %scan3A_123 = %scan3A_118 to %scan3A_120 step %scan3A_121  : i32 {
          %get3A_124 = arith.index_cast %scan3A_123 : i32 to index
          %get3A_125 = tpu.vector_load %arg10[%get3A_124] {strides = array<i32>} : memref<48xi32, #tpu.memory_space<vmem>>, vector<16xi32>,
          %get3A_126 = vector.shape_cast %get3A_125 : vector<16xi32> to vector<16xi32>
          %slice3A_127 = vector.extract_strided_slice %get3A_126 {offsets = [0], sizes = [1], strides = [1]} : vector<16xi32> to vector<1xi32>
          %squeeze3A_128 = vector.extract %slice3A_127[0] : i32 from vector<1xi32>
          %max3A = arith.maxsi %squeeze3A_128, %add3A_111 : i32
          %add3A_129 = arith.constant 1 : i32
          %add3A_130 = arith.addi %scan3A_123, %add3A_129 : i32
          %get3A_131 = arith.index_cast %add3A_130 : i32 to index
          %get3A_132 = tpu.vector_load %arg10[%get3A_131] {strides = array<i32>} : memref<48xi32, #tpu.memory_space<vmem>>, vector<16xi32>,
          %get3A_133 = vector.shape_cast %get3A_132 : vector<16xi32> to vector<16xi32>
          %slice3A_134 = vector.extract_strided_slice %get3A_133 {offsets = [0], sizes = [1], strides = [1]} : vector<16xi32> to vector<1xi32>
          %squeeze3A_135 = vector.extract %slice3A_134[0] : i32 from vector<1xi32>
          %add3A_136 = arith.constant 192 : i32
          %add3A_137 = arith.addi %multiple_of3A_116, %add3A_136 : i32
          %min3A_138 = arith.minsi %squeeze3A_135, %add3A_137 : i32
          %gt3A_139 = arith.cmpi sgt, %min3A_138, %max3A : i32
          %convert_element_type3A_140 = arith.extui %gt3A_139 : i1 to i32
          %cond3A_141 = arith.constant 0 : i32
          %cond3A_142 = arith.cmpi ne, %convert_element_type3A_140, %cond3A_141 : i32
          scf.if %cond3A_142 {
            %get3A_143 = arith.index_cast %scan3A_123 : i32 to index
            %get3A_144 = arith.constant 0 : index
            %get3A_145 = tpu.vector_load %arg11[%get3A_143, %get3A_144] {strides = array<i32>} : memref<32x256xf32, #tpu.memory_space<vmem>>, vector<1x16xf32>,
            %get3A_146 = vector.shape_cast %get3A_145 : vector<1x16xf32> to vector<16xf32>
            %get3A_147 = arith.index_cast %scan3A_123 : i32 to index
            %get3A_148 = arith.constant 16 : index
            %get3A_149 = tpu.vector_load %arg11[%get3A_147, %get3A_148] {strides = array<i32>} : memref<32x256xf32, #tpu.memory_space<vmem>>, vector<1x16xf32>,
            %get3A_150 = vector.shape_cast %get3A_149 : vector<1x16xf32> to vector<16xf32>
            %get3A_151 = arith.index_cast %scan3A_123 : i32 to index
            %get3A_152 = arith.constant 32 : index
            %get3A_153 = tpu.vector_load %arg11[%get3A_151, %get3A_152] {strides = array<i32>} : memref<32x256xf32, #tpu.memory_space<vmem>>, vector<1x16xf32>,
            %get3A_154 = vector.shape_cast %get3A_153 : vector<1x16xf32> to vector<16xf32>
            %get3A_155 = arith.index_cast %scan3A_123 : i32 to index
            %get3A_156 = arith.constant 48 : index
            %get3A_157 = tpu.vector_load %arg11[%get3A_155, %get3A_156] {strides = array<i32>} : memref<32x256xf32, #tpu.memory_space<vmem>>, vector<1x16xf32>,
            %get3A_158 = vector.shape_cast %get3A_157 : vector<1x16xf32> to vector<16xf32>
            %get3A_159 = arith.index_cast %scan3A_123 : i32 to index
            %get3A_160 = arith.constant 64 : index
            %get3A_161 = tpu.vector_load %arg11[%get3A_159, %get3A_160] {strides = array<i32>} : memref<32x256xf32, #tpu.memory_space<vmem>>, vector<1x16xf32>,
            %get3A_162 = vector.shape_cast %get3A_161 : vector<1x16xf32> to vector<16xf32>
            %get3A_163 = arith.index_cast %scan3A_123 : i32 to index
            %get3A_164 = arith.constant 80 : index
            %get3A_165 = tpu.vector_load %arg11[%get3A_163, %get3A_164] {strides = array<i32>} : memref<32x256xf32, #tpu.memory_space<vmem>>, vector<1x16xf32>,
            %get3A_166 = vector.shape_cast %get3A_165 : vector<1x16xf32> to vector<16xf32>
            %get3A_167 = arith.index_cast %scan3A_123 : i32 to index
            %get3A_168 = arith.constant 96 : index
            %get3A_169 = tpu.vector_load %arg11[%get3A_167, %get3A_168] {strides = array<i32>} : memref<32x256xf32, #tpu.memory_space<vmem>>, vector<1x16xf32>,
            %get3A_170 = vector.shape_cast %get3A_169 : vector<1x16xf32> to vector<16xf32>
            %get3A_171 = arith.index_cast %scan3A_123 : i32 to index
            %get3A_172 = arith.constant 112 : index
            %get3A_173 = tpu.vector_load %arg11[%get3A_171, %get3A_172] {strides = array<i32>} : memref<32x256xf32, #tpu.memory_space<vmem>>, vector<1x16xf32>,
            %get3A_174 = vector.shape_cast %get3A_173 : vector<1x16xf32> to vector<16xf32>
            %get3A_175 = arith.index_cast %scan3A_123 : i32 to index
            %get3A_176 = arith.constant 128 : index
            %get3A_177 = tpu.vector_load %arg11[%get3A_175, %get3A_176] {strides = array<i32>} : memref<32x256xf32, #tpu.memory_space<vmem>>, vector<1x16xf32>,
            %get3A_178 = vector.shape_cast %get3A_177 : vector<1x16xf32> to vector<16xf32>
            %get3A_179 = arith.index_cast %scan3A_123 : i32 to index
            %get3A_180 = arith.constant 144 : index
            %get3A_181 = tpu.vector_load %arg11[%get3A_179, %get3A_180] {strides = array<i32>} : memref<32x256xf32, #tpu.memory_space<vmem>>, vector<1x16xf32>,
            %get3A_182 = vector.shape_cast %get3A_181 : vector<1x16xf32> to vector<16xf32>
            %get3A_183 = arith.index_cast %scan3A_123 : i32 to index
            %get3A_184 = arith.constant 160 : index
            %get3A_185 = tpu.vector_load %arg11[%get3A_183, %get3A_184] {strides = array<i32>} : memref<32x256xf32, #tpu.memory_space<vmem>>, vector<1x16xf32>,
            %get3A_186 = vector.shape_cast %get3A_185 : vector<1x16xf32> to vector<16xf32>
            %get3A_187 = arith.index_cast %scan3A_123 : i32 to index
            %get3A_188 = arith.constant 176 : index
            %get3A_189 = tpu.vector_load %arg11[%get3A_187, %get3A_188] {strides = array<i32>} : memref<32x256xf32, #tpu.memory_space<vmem>>, vector<1x16xf32>,
            %get3A_190 = vector.shape_cast %get3A_189 : vector<1x16xf32> to vector<16xf32>
            %get3A_191 = arith.index_cast %scan3A_123 : i32 to index
            %get3A_192 = arith.constant 192 : index
            %get3A_193 = tpu.vector_load %arg11[%get3A_191, %get3A_192] {strides = array<i32>} : memref<32x256xf32, #tpu.memory_space<vmem>>, vector<1x16xf32>,
            %get3A_194 = vector.shape_cast %get3A_193 : vector<1x16xf32> to vector<16xf32>
            %get3A_195 = arith.index_cast %scan3A_123 : i32 to index
            %get3A_196 = arith.constant 208 : index
            %get3A_197 = tpu.vector_load %arg11[%get3A_195, %get3A_196] {strides = array<i32>} : memref<32x256xf32, #tpu.memory_space<vmem>>, vector<1x16xf32>,
            %get3A_198 = vector.shape_cast %get3A_197 : vector<1x16xf32> to vector<16xf32>
            %get3A_199 = arith.index_cast %scan3A_123 : i32 to index
            %get3A_200 = arith.constant 224 : index
            %get3A_201 = tpu.vector_load %arg11[%get3A_199, %get3A_200] {strides = array<i32>} : memref<32x256xf32, #tpu.memory_space<vmem>>, vector<1x16xf32>,
            %get3A_202 = vector.shape_cast %get3A_201 : vector<1x16xf32> to vector<16xf32>
            %get3A_203 = arith.index_cast %scan3A_123 : i32 to index
            %get3A_204 = arith.constant 240 : index
            %get3A_205 = tpu.vector_load %arg11[%get3A_203, %get3A_204] {strides = array<i32>} : memref<32x256xf32, #tpu.memory_space<vmem>>, vector<1x16xf32>,
            %get3A_206 = vector.shape_cast %get3A_205 : vector<1x16xf32> to vector<16xf32>
            %while3A_207 = arith.subi %min3A_138, %max3A : i32
            %while3A_208 = arith.addi %max3A, %while3A_207 : i32
            %while3A_209 = arith.constant 1 : i32
            %while3A_210 = arith.divsi %while3A_207, %while3A_209 : i32
            %while3A_211 = arith.muli %while3A_210, %while3A_209 : i32
            %while3A_212 = arith.addi %max3A, %while3A_211 : i32
            %while3A_213 = arith.constant 1 : i32
            %while3A_214:16 = scf.for %while3A_296 = %max3A to %while3A_212 step %while3A_213 iter_args(%while3A_297 = %get3A_146, %while3A_298 = %get3A_150, %while3A_299 = %get3A_154, %while3A_300 = %get3A_158, %while3A_301 = %get3A_162, %while3A_302 = %get3A_166, %while3A_303 = %get3A_170, %while3A_304 = %get3A_174, %while3A_305 = %get3A_178, %while3A_306 = %get3A_182, %while3A_307 = %get3A_186, %while3A_308 = %get3A_190, %while3A_309 = %get3A_194, %while3A_310 = %get3A_198, %while3A_311 = %get3A_202, %while3A_312 = %get3A_206) -> (vector<16xf32>, vector<16xf32>, vector<16xf32>, vector<16xf32>, vector<16xf32>, vector<16xf32>, vector<16xf32>, vector<16xf32>, vector<16xf32>, vector<16xf32>, vector<16xf32>, vector<16xf32>, vector<16xf32>, vector<16xf32>, vector<16xf32>, vector<16xf32>)  : i32 {
              %sub3A_313 = arith.subi %while3A_296, %multiple_of3A_116 : i32
              %get3A_314 = arith.index_cast %sub3A_313 : i32 to index
              %get3A_315 = arith.constant 0 : index
              %get3A_316 = tpu.vector_load %arg7[%get3A_314, %get3A_315] {strides = array<i32>} : memref<192x128xf32, #tpu.memory_space<vmem>>, vector<1x16xf32>,
              %get3A_317 = vector.shape_cast %get3A_316 : vector<1x16xf32> to vector<16xf32>
              %get3A_318 = arith.index_cast %sub3A_313 : i32 to index
              %get3A_319 = arith.constant 16 : index
              %get3A_320 = tpu.vector_load %arg7[%get3A_318, %get3A_319] {strides = array<i32>} : memref<192x128xf32, #tpu.memory_space<vmem>>, vector<1x16xf32>,
              %get3A_321 = vector.shape_cast %get3A_320 : vector<1x16xf32> to vector<16xf32>
              %get3A_322 = arith.index_cast %sub3A_313 : i32 to index
              %get3A_323 = arith.constant 32 : index
              %get3A_324 = tpu.vector_load %arg7[%get3A_322, %get3A_323] {strides = array<i32>} : memref<192x128xf32, #tpu.memory_space<vmem>>, vector<1x16xf32>,
              %get3A_325 = vector.shape_cast %get3A_324 : vector<1x16xf32> to vector<16xf32>
              %get3A_326 = arith.index_cast %sub3A_313 : i32 to index
              %get3A_327 = arith.constant 48 : index
              %get3A_328 = tpu.vector_load %arg7[%get3A_326, %get3A_327] {strides = array<i32>} : memref<192x128xf32, #tpu.memory_space<vmem>>, vector<1x16xf32>,
              %get3A_329 = vector.shape_cast %get3A_328 : vector<1x16xf32> to vector<16xf32>
              %get3A_330 = arith.index_cast %sub3A_313 : i32 to index
              %get3A_331 = arith.constant 64 : index
              %get3A_332 = tpu.vector_load %arg7[%get3A_330, %get3A_331] {strides = array<i32>} : memref<192x128xf32, #tpu.memory_space<vmem>>, vector<1x16xf32>,
              %get3A_333 = vector.shape_cast %get3A_332 : vector<1x16xf32> to vector<16xf32>
              %get3A_334 = arith.index_cast %sub3A_313 : i32 to index
              %get3A_335 = arith.constant 80 : index
              %get3A_336 = tpu.vector_load %arg7[%get3A_334, %get3A_335] {strides = array<i32>} : memref<192x128xf32, #tpu.memory_space<vmem>>, vector<1x16xf32>,
              %get3A_337 = vector.shape_cast %get3A_336 : vector<1x16xf32> to vector<16xf32>
              %get3A_338 = arith.index_cast %sub3A_313 : i32 to index
              %get3A_339 = arith.constant 96 : index
              %get3A_340 = tpu.vector_load %arg7[%get3A_338, %get3A_339] {strides = array<i32>} : memref<192x128xf32, #tpu.memory_space<vmem>>, vector<1x16xf32>,
              %get3A_341 = vector.shape_cast %get3A_340 : vector<1x16xf32> to vector<16xf32>
              %get3A_342 = arith.index_cast %sub3A_313 : i32 to index
              %get3A_343 = arith.constant 112 : index
              %get3A_344 = tpu.vector_load %arg7[%get3A_342, %get3A_343] {strides = array<i32>} : memref<192x128xf32, #tpu.memory_space<vmem>>, vector<1x16xf32>,
              %get3A_345 = vector.shape_cast %get3A_344 : vector<1x16xf32> to vector<16xf32>
              %get3A_346 = arith.index_cast %sub3A_313 : i32 to index
              %get3A_347 = arith.constant 0 : index
              %get3A_348 = tpu.vector_load %arg9[%get3A_346, %get3A_347] {strides = array<i32>} : memref<192x128xf32, #tpu.memory_space<vmem>>, vector<1x16xf32>,
              %get3A_349 = vector.shape_cast %get3A_348 : vector<1x16xf32> to vector<16xf32>
              %get3A_350 = arith.index_cast %sub3A_313 : i32 to index
              %get3A_351 = arith.constant 16 : index
              %get3A_352 = tpu.vector_load %arg9[%get3A_350, %get3A_351] {strides = array<i32>} : memref<192x128xf32, #tpu.memory_space<vmem>>, vector<1x16xf32>,
              %get3A_353 = vector.shape_cast %get3A_352 : vector<1x16xf32> to vector<16xf32>
              %get3A_354 = arith.index_cast %sub3A_313 : i32 to index
              %get3A_355 = arith.constant 32 : index
              %get3A_356 = tpu.vector_load %arg9[%get3A_354, %get3A_355] {strides = array<i32>} : memref<192x128xf32, #tpu.memory_space<vmem>>, vector<1x16xf32>,
              %get3A_357 = vector.shape_cast %get3A_356 : vector<1x16xf32> to vector<16xf32>
              %get3A_358 = arith.index_cast %sub3A_313 : i32 to index
              %get3A_359 = arith.constant 48 : index
              %get3A_360 = tpu.vector_load %arg9[%get3A_358, %get3A_359] {strides = array<i32>} : memref<192x128xf32, #tpu.memory_space<vmem>>, vector<1x16xf32>,
              %get3A_361 = vector.shape_cast %get3A_360 : vector<1x16xf32> to vector<16xf32>
              %get3A_362 = arith.index_cast %sub3A_313 : i32 to index
              %get3A_363 = arith.constant 64 : index
              %get3A_364 = tpu.vector_load %arg9[%get3A_362, %get3A_363] {strides = array<i32>} : memref<192x128xf32, #tpu.memory_space<vmem>>, vector<1x16xf32>,
              %get3A_365 = vector.shape_cast %get3A_364 : vector<1x16xf32> to vector<16xf32>
              %get3A_366 = arith.index_cast %sub3A_313 : i32 to index
              %get3A_367 = arith.constant 80 : index
              %get3A_368 = tpu.vector_load %arg9[%get3A_366, %get3A_367] {strides = array<i32>} : memref<192x128xf32, #tpu.memory_space<vmem>>, vector<1x16xf32>,
              %get3A_369 = vector.shape_cast %get3A_368 : vector<1x16xf32> to vector<16xf32>
              %get3A_370 = arith.index_cast %sub3A_313 : i32 to index
              %get3A_371 = arith.constant 96 : index
              %get3A_372 = tpu.vector_load %arg9[%get3A_370, %get3A_371] {strides = array<i32>} : memref<192x128xf32, #tpu.memory_space<vmem>>, vector<1x16xf32>,
              %get3A_373 = vector.shape_cast %get3A_372 : vector<1x16xf32> to vector<16xf32>
              %get3A_374 = arith.index_cast %sub3A_313 : i32 to index
              %get3A_375 = arith.constant 112 : index
              %get3A_376 = tpu.vector_load %arg9[%get3A_374, %get3A_375] {strides = array<i32>} : memref<192x128xf32, #tpu.memory_space<vmem>>, vector<1x16xf32>,
              %get3A_377 = vector.shape_cast %get3A_376 : vector<1x16xf32> to vector<16xf32>
              %add3A_378 = arith.addf %while3A_297, %get3A_317 : vector<16xf32>
              %add3A_379 = arith.addf %while3A_298, %get3A_321 : vector<16xf32>
              %add3A_380 = arith.addf %while3A_299, %get3A_325 : vector<16xf32>
              %add3A_381 = arith.addf %while3A_300, %get3A_329 : vector<16xf32>
              %add3A_382 = arith.addf %while3A_301, %get3A_333 : vector<16xf32>
              %add3A_383 = arith.addf %while3A_302, %get3A_337 : vector<16xf32>
              %add3A_384 = arith.addf %while3A_303, %get3A_341 : vector<16xf32>
              %add3A_385 = arith.addf %while3A_304, %get3A_345 : vector<16xf32>
              %mul3A_386 = arith.mulf %get3A_349, %get3A_317 : vector<16xf32>
              %add3A_387 = arith.addf %while3A_305, %mul3A_386 : vector<16xf32>
              %mul3A_388 = arith.mulf %get3A_353, %get3A_321 : vector<16xf32>
              %add3A_389 = arith.addf %while3A_306, %mul3A_388 : vector<16xf32>
              %mul3A_390 = arith.mulf %get3A_357, %get3A_325 : vector<16xf32>
              %add3A_391 = arith.addf %while3A_307, %mul3A_390 : vector<16xf32>
              %mul3A_392 = arith.mulf %get3A_361, %get3A_329 : vector<16xf32>
              %add3A_393 = arith.addf %while3A_308, %mul3A_392 : vector<16xf32>
              %mul3A_394 = arith.mulf %get3A_365, %get3A_333 : vector<16xf32>
              %add3A_395 = arith.addf %while3A_309, %mul3A_394 : vector<16xf32>
              %mul3A_396 = arith.mulf %get3A_369, %get3A_337 : vector<16xf32>
              %add3A_397 = arith.addf %while3A_310, %mul3A_396 : vector<16xf32>
              %mul3A_398 = arith.mulf %get3A_373, %get3A_341 : vector<16xf32>
              %add3A_399 = arith.addf %while3A_311, %mul3A_398 : vector<16xf32>
              %mul3A_400 = arith.mulf %get3A_377, %get3A_345 : vector<16xf32>
              %add3A_401 = arith.addf %while3A_312, %mul3A_400 : vector<16xf32>
              scf.yield %add3A_378, %add3A_379, %add3A_380, %add3A_381, %add3A_382, %add3A_383, %add3A_384, %add3A_385, %add3A_387, %add3A_389, %add3A_391, %add3A_393, %add3A_395, %add3A_397, %add3A_399, %add3A_401 : vector<16xf32>, vector<16xf32>, vector<16xf32>, vector<16xf32>, vector<16xf32>, vector<16xf32>, vector<16xf32>, vector<16xf32>, vector<16xf32>, vector<16xf32>, vector<16xf32>, vector<16xf32>, vector<16xf32>, vector<16xf32>, vector<16xf32>, vector<16xf32>
            }
            %while3A_215 = arith.constant 1 : i32
            %while3A_216:16 = scf.for %while3A_296 = %while3A_212 to %while3A_208 step %while3A_215 iter_args(%while3A_297 = %while3A_214#0, %while3A_298 = %while3A_214#1, %while3A_299 = %while3A_214#2, %while3A_300 = %while3A_214#3, %while3A_301 = %while3A_214#4, %while3A_302 = %while3A_214#5, %while3A_303 = %while3A_214#6, %while3A_304 = %while3A_214#7, %while3A_305 = %while3A_214#8, %while3A_306 = %while3A_214#9, %while3A_307 = %while3A_214#10, %while3A_308 = %while3A_214#11, %while3A_309 = %while3A_214#12, %while3A_310 = %while3A_214#13, %while3A_311 = %while3A_214#14, %while3A_312 = %while3A_214#15) -> (vector<16xf32>, vector<16xf32>, vector<16xf32>, vector<16xf32>, vector<16xf32>, vector<16xf32>, vector<16xf32>, vector<16xf32>, vector<16xf32>, vector<16xf32>, vector<16xf32>, vector<16xf32>, vector<16xf32>, vector<16xf32>, vector<16xf32>, vector<16xf32>)  : i32 {
              %sub3A_313 = arith.subi %while3A_296, %multiple_of3A_116 : i32
              %get3A_314 = arith.index_cast %sub3A_313 : i32 to index
              %get3A_315 = arith.constant 0 : index
              %get3A_316 = tpu.vector_load %arg7[%get3A_314, %get3A_315] {strides = array<i32>} : memref<192x128xf32, #tpu.memory_space<vmem>>, vector<1x16xf32>,
              %get3A_317 = vector.shape_cast %get3A_316 : vector<1x16xf32> to vector<16xf32>
              %get3A_318 = arith.index_cast %sub3A_313 : i32 to index
              %get3A_319 = arith.constant 16 : index
              %get3A_320 = tpu.vector_load %arg7[%get3A_318, %get3A_319] {strides = array<i32>} : memref<192x128xf32, #tpu.memory_space<vmem>>, vector<1x16xf32>,
              %get3A_321 = vector.shape_cast %get3A_320 : vector<1x16xf32> to vector<16xf32>
              %get3A_322 = arith.index_cast %sub3A_313 : i32 to index
              %get3A_323 = arith.constant 32 : index
              %get3A_324 = tpu.vector_load %arg7[%get3A_322, %get3A_323] {strides = array<i32>} : memref<192x128xf32, #tpu.memory_space<vmem>>, vector<1x16xf32>,
              %get3A_325 = vector.shape_cast %get3A_324 : vector<1x16xf32> to vector<16xf32>
              %get3A_326 = arith.index_cast %sub3A_313 : i32 to index
              %get3A_327 = arith.constant 48 : index
              %get3A_328 = tpu.vector_load %arg7[%get3A_326, %get3A_327] {strides = array<i32>} : memref<192x128xf32, #tpu.memory_space<vmem>>, vector<1x16xf32>,
              %get3A_329 = vector.shape_cast %get3A_328 : vector<1x16xf32> to vector<16xf32>
              %get3A_330 = arith.index_cast %sub3A_313 : i32 to index
              %get3A_331 = arith.constant 64 : index
              %get3A_332 = tpu.vector_load %arg7[%get3A_330, %get3A_331] {strides = array<i32>} : memref<192x128xf32, #tpu.memory_space<vmem>>, vector<1x16xf32>,
              %get3A_333 = vector.shape_cast %get3A_332 : vector<1x16xf32> to vector<16xf32>
              %get3A_334 = arith.index_cast %sub3A_313 : i32 to index
              %get3A_335 = arith.constant 80 : index
              %get3A_336 = tpu.vector_load %arg7[%get3A_334, %get3A_335] {strides = array<i32>} : memref<192x128xf32, #tpu.memory_space<vmem>>, vector<1x16xf32>,
              %get3A_337 = vector.shape_cast %get3A_336 : vector<1x16xf32> to vector<16xf32>
              %get3A_338 = arith.index_cast %sub3A_313 : i32 to index
              %get3A_339 = arith.constant 96 : index
              %get3A_340 = tpu.vector_load %arg7[%get3A_338, %get3A_339] {strides = array<i32>} : memref<192x128xf32, #tpu.memory_space<vmem>>, vector<1x16xf32>,
              %get3A_341 = vector.shape_cast %get3A_340 : vector<1x16xf32> to vector<16xf32>
              %get3A_342 = arith.index_cast %sub3A_313 : i32 to index
              %get3A_343 = arith.constant 112 : index
              %get3A_344 = tpu.vector_load %arg7[%get3A_342, %get3A_343] {strides = array<i32>} : memref<192x128xf32, #tpu.memory_space<vmem>>, vector<1x16xf32>,
              %get3A_345 = vector.shape_cast %get3A_344 : vector<1x16xf32> to vector<16xf32>
              %get3A_346 = arith.index_cast %sub3A_313 : i32 to index
              %get3A_347 = arith.constant 0 : index
              %get3A_348 = tpu.vector_load %arg9[%get3A_346, %get3A_347] {strides = array<i32>} : memref<192x128xf32, #tpu.memory_space<vmem>>, vector<1x16xf32>,
              %get3A_349 = vector.shape_cast %get3A_348 : vector<1x16xf32> to vector<16xf32>
              %get3A_350 = arith.index_cast %sub3A_313 : i32 to index
              %get3A_351 = arith.constant 16 : index
              %get3A_352 = tpu.vector_load %arg9[%get3A_350, %get3A_351] {strides = array<i32>} : memref<192x128xf32, #tpu.memory_space<vmem>>, vector<1x16xf32>,
              %get3A_353 = vector.shape_cast %get3A_352 : vector<1x16xf32> to vector<16xf32>
              %get3A_354 = arith.index_cast %sub3A_313 : i32 to index
              %get3A_355 = arith.constant 32 : index
              %get3A_356 = tpu.vector_load %arg9[%get3A_354, %get3A_355] {strides = array<i32>} : memref<192x128xf32, #tpu.memory_space<vmem>>, vector<1x16xf32>,
              %get3A_357 = vector.shape_cast %get3A_356 : vector<1x16xf32> to vector<16xf32>
              %get3A_358 = arith.index_cast %sub3A_313 : i32 to index
              %get3A_359 = arith.constant 48 : index
              %get3A_360 = tpu.vector_load %arg9[%get3A_358, %get3A_359] {strides = array<i32>} : memref<192x128xf32, #tpu.memory_space<vmem>>, vector<1x16xf32>,
              %get3A_361 = vector.shape_cast %get3A_360 : vector<1x16xf32> to vector<16xf32>
              %get3A_362 = arith.index_cast %sub3A_313 : i32 to index
              %get3A_363 = arith.constant 64 : index
              %get3A_364 = tpu.vector_load %arg9[%get3A_362, %get3A_363] {strides = array<i32>} : memref<192x128xf32, #tpu.memory_space<vmem>>, vector<1x16xf32>,
              %get3A_365 = vector.shape_cast %get3A_364 : vector<1x16xf32> to vector<16xf32>
              %get3A_366 = arith.index_cast %sub3A_313 : i32 to index
              %get3A_367 = arith.constant 80 : index
              %get3A_368 = tpu.vector_load %arg9[%get3A_366, %get3A_367] {strides = array<i32>} : memref<192x128xf32, #tpu.memory_space<vmem>>, vector<1x16xf32>,
              %get3A_369 = vector.shape_cast %get3A_368 : vector<1x16xf32> to vector<16xf32>
              %get3A_370 = arith.index_cast %sub3A_313 : i32 to index
              %get3A_371 = arith.constant 96 : index
              %get3A_372 = tpu.vector_load %arg9[%get3A_370, %get3A_371] {strides = array<i32>} : memref<192x128xf32, #tpu.memory_space<vmem>>, vector<1x16xf32>,
              %get3A_373 = vector.shape_cast %get3A_372 : vector<1x16xf32> to vector<16xf32>
              %get3A_374 = arith.index_cast %sub3A_313 : i32 to index
              %get3A_375 = arith.constant 112 : index
              %get3A_376 = tpu.vector_load %arg9[%get3A_374, %get3A_375] {strides = array<i32>} : memref<192x128xf32, #tpu.memory_space<vmem>>, vector<1x16xf32>,
              %get3A_377 = vector.shape_cast %get3A_376 : vector<1x16xf32> to vector<16xf32>
              %add3A_378 = arith.addf %while3A_297, %get3A_317 : vector<16xf32>
              %add3A_379 = arith.addf %while3A_298, %get3A_321 : vector<16xf32>
              %add3A_380 = arith.addf %while3A_299, %get3A_325 : vector<16xf32>
              %add3A_381 = arith.addf %while3A_300, %get3A_329 : vector<16xf32>
              %add3A_382 = arith.addf %while3A_301, %get3A_333 : vector<16xf32>
              %add3A_383 = arith.addf %while3A_302, %get3A_337 : vector<16xf32>
              %add3A_384 = arith.addf %while3A_303, %get3A_341 : vector<16xf32>
              %add3A_385 = arith.addf %while3A_304, %get3A_345 : vector<16xf32>
              %mul3A_386 = arith.mulf %get3A_349, %get3A_317 : vector<16xf32>
              %add3A_387 = arith.addf %while3A_305, %mul3A_386 : vector<16xf32>
              %mul3A_388 = arith.mulf %get3A_353, %get3A_321 : vector<16xf32>
              %add3A_389 = arith.addf %while3A_306, %mul3A_388 : vector<16xf32>
              %mul3A_390 = arith.mulf %get3A_357, %get3A_325 : vector<16xf32>
              %add3A_391 = arith.addf %while3A_307, %mul3A_390 : vector<16xf32>
              %mul3A_392 = arith.mulf %get3A_361, %get3A_329 : vector<16xf32>
              %add3A_393 = arith.addf %while3A_308, %mul3A_392 : vector<16xf32>
              %mul3A_394 = arith.mulf %get3A_365, %get3A_333 : vector<16xf32>
              %add3A_395 = arith.addf %while3A_309, %mul3A_394 : vector<16xf32>
              %mul3A_396 = arith.mulf %get3A_369, %get3A_337 : vector<16xf32>
              %add3A_397 = arith.addf %while3A_310, %mul3A_396 : vector<16xf32>
              %mul3A_398 = arith.mulf %get3A_373, %get3A_341 : vector<16xf32>
              %add3A_399 = arith.addf %while3A_311, %mul3A_398 : vector<16xf32>
              %mul3A_400 = arith.mulf %get3A_377, %get3A_345 : vector<16xf32>
              %add3A_401 = arith.addf %while3A_312, %mul3A_400 : vector<16xf32>
              scf.yield %add3A_378, %add3A_379, %add3A_380, %add3A_381, %add3A_382, %add3A_383, %add3A_384, %add3A_385, %add3A_387, %add3A_389, %add3A_391, %add3A_393, %add3A_395, %add3A_397, %add3A_399, %add3A_401 : vector<16xf32>, vector<16xf32>, vector<16xf32>, vector<16xf32>, vector<16xf32>, vector<16xf32>, vector<16xf32>, vector<16xf32>, vector<16xf32>, vector<16xf32>, vector<16xf32>, vector<16xf32>, vector<16xf32>, vector<16xf32>, vector<16xf32>, vector<16xf32>
            }
            %swap3A = arith.index_cast %scan3A_123 : i32 to index
            %swap3A_217 = arith.constant 0 : index
            %swap3A_218 = tpu.vector_load %arg11[%swap3A, %swap3A_217] {strides = array<i32>} : memref<32x256xf32, #tpu.memory_space<vmem>>, vector<1x16xf32>,
            %swap3A_219 = vector.shape_cast %swap3A_218 : vector<1x16xf32> to vector<16xf32>
            %swap3A_220 = vector.shape_cast %while3A_216#0 : vector<16xf32> to vector<1x16xf32>
            tpu.vector_store %arg11[%swap3A, %swap3A_217], %swap3A_220 {strides = array<i32>} : memref<32x256xf32, #tpu.memory_space<vmem>>, vector<1x16xf32>,
            %swap3A_221 = arith.index_cast %scan3A_123 : i32 to index
            %swap3A_222 = arith.constant 16 : index
            %swap3A_223 = tpu.vector_load %arg11[%swap3A_221, %swap3A_222] {strides = array<i32>} : memref<32x256xf32, #tpu.memory_space<vmem>>, vector<1x16xf32>,
            %swap3A_224 = vector.shape_cast %swap3A_223 : vector<1x16xf32> to vector<16xf32>
            %swap3A_225 = vector.shape_cast %while3A_216#1 : vector<16xf32> to vector<1x16xf32>
            tpu.vector_store %arg11[%swap3A_221, %swap3A_222], %swap3A_225 {strides = array<i32>} : memref<32x256xf32, #tpu.memory_space<vmem>>, vector<1x16xf32>,
            %swap3A_226 = arith.index_cast %scan3A_123 : i32 to index
            %swap3A_227 = arith.constant 32 : index
            %swap3A_228 = tpu.vector_load %arg11[%swap3A_226, %swap3A_227] {strides = array<i32>} : memref<32x256xf32, #tpu.memory_space<vmem>>, vector<1x16xf32>,
            %swap3A_229 = vector.shape_cast %swap3A_228 : vector<1x16xf32> to vector<16xf32>
            %swap3A_230 = vector.shape_cast %while3A_216#2 : vector<16xf32> to vector<1x16xf32>
            tpu.vector_store %arg11[%swap3A_226, %swap3A_227], %swap3A_230 {strides = array<i32>} : memref<32x256xf32, #tpu.memory_space<vmem>>, vector<1x16xf32>,
            %swap3A_231 = arith.index_cast %scan3A_123 : i32 to index
            %swap3A_232 = arith.constant 48 : index
            %swap3A_233 = tpu.vector_load %arg11[%swap3A_231, %swap3A_232] {strides = array<i32>} : memref<32x256xf32, #tpu.memory_space<vmem>>, vector<1x16xf32>,
            %swap3A_234 = vector.shape_cast %swap3A_233 : vector<1x16xf32> to vector<16xf32>
            %swap3A_235 = vector.shape_cast %while3A_216#3 : vector<16xf32> to vector<1x16xf32>
            tpu.vector_store %arg11[%swap3A_231, %swap3A_232], %swap3A_235 {strides = array<i32>} : memref<32x256xf32, #tpu.memory_space<vmem>>, vector<1x16xf32>,
            %swap3A_236 = arith.index_cast %scan3A_123 : i32 to index
            %swap3A_237 = arith.constant 64 : index
            %swap3A_238 = tpu.vector_load %arg11[%swap3A_236, %swap3A_237] {strides = array<i32>} : memref<32x256xf32, #tpu.memory_space<vmem>>, vector<1x16xf32>,
            %swap3A_239 = vector.shape_cast %swap3A_238 : vector<1x16xf32> to vector<16xf32>
            %swap3A_240 = vector.shape_cast %while3A_216#4 : vector<16xf32> to vector<1x16xf32>
            tpu.vector_store %arg11[%swap3A_236, %swap3A_237], %swap3A_240 {strides = array<i32>} : memref<32x256xf32, #tpu.memory_space<vmem>>, vector<1x16xf32>,
            %swap3A_241 = arith.index_cast %scan3A_123 : i32 to index
            %swap3A_242 = arith.constant 80 : index
            %swap3A_243 = tpu.vector_load %arg11[%swap3A_241, %swap3A_242] {strides = array<i32>} : memref<32x256xf32, #tpu.memory_space<vmem>>, vector<1x16xf32>,
            %swap3A_244 = vector.shape_cast %swap3A_243 : vector<1x16xf32> to vector<16xf32>
            %swap3A_245 = vector.shape_cast %while3A_216#5 : vector<16xf32> to vector<1x16xf32>
            tpu.vector_store %arg11[%swap3A_241, %swap3A_242], %swap3A_245 {strides = array<i32>} : memref<32x256xf32, #tpu.memory_space<vmem>>, vector<1x16xf32>,
            %swap3A_246 = arith.index_cast %scan3A_123 : i32 to index
            %swap3A_247 = arith.constant 96 : index
            %swap3A_248 = tpu.vector_load %arg11[%swap3A_246, %swap3A_247] {strides = array<i32>} : memref<32x256xf32, #tpu.memory_space<vmem>>, vector<1x16xf32>,
            %swap3A_249 = vector.shape_cast %swap3A_248 : vector<1x16xf32> to vector<16xf32>
            %swap3A_250 = vector.shape_cast %while3A_216#6 : vector<16xf32> to vector<1x16xf32>
            tpu.vector_store %arg11[%swap3A_246, %swap3A_247], %swap3A_250 {strides = array<i32>} : memref<32x256xf32, #tpu.memory_space<vmem>>, vector<1x16xf32>,
            %swap3A_251 = arith.index_cast %scan3A_123 : i32 to index
            %swap3A_252 = arith.constant 112 : index
            %swap3A_253 = tpu.vector_load %arg11[%swap3A_251, %swap3A_252] {strides = array<i32>} : memref<32x256xf32, #tpu.memory_space<vmem>>, vector<1x16xf32>,
            %swap3A_254 = vector.shape_cast %swap3A_253 : vector<1x16xf32> to vector<16xf32>
            %swap3A_255 = vector.shape_cast %while3A_216#7 : vector<16xf32> to vector<1x16xf32>
            tpu.vector_store %arg11[%swap3A_251, %swap3A_252], %swap3A_255 {strides = array<i32>} : memref<32x256xf32, #tpu.memory_space<vmem>>, vector<1x16xf32>,
            %swap3A_256 = arith.index_cast %scan3A_123 : i32 to index
            %swap3A_257 = arith.constant 128 : index
            %swap3A_258 = tpu.vector_load %arg11[%swap3A_256, %swap3A_257] {strides = array<i32>} : memref<32x256xf32, #tpu.memory_space<vmem>>, vector<1x16xf32>,
            %swap3A_259 = vector.shape_cast %swap3A_258 : vector<1x16xf32> to vector<16xf32>
            %swap3A_260 = vector.shape_cast %while3A_216#8 : vector<16xf32> to vector<1x16xf32>
            tpu.vector_store %arg11[%swap3A_256, %swap3A_257], %swap3A_260 {strides = array<i32>} : memref<32x256xf32, #tpu.memory_space<vmem>>, vector<1x16xf32>,
            %swap3A_261 = arith.index_cast %scan3A_123 : i32 to index
            %swap3A_262 = arith.constant 144 : index
            %swap3A_263 = tpu.vector_load %arg11[%swap3A_261, %swap3A_262] {strides = array<i32>} : memref<32x256xf32, #tpu.memory_space<vmem>>, vector<1x16xf32>,
            %swap3A_264 = vector.shape_cast %swap3A_263 : vector<1x16xf32> to vector<16xf32>
            %swap3A_265 = vector.shape_cast %while3A_216#9 : vector<16xf32> to vector<1x16xf32>
            tpu.vector_store %arg11[%swap3A_261, %swap3A_262], %swap3A_265 {strides = array<i32>} : memref<32x256xf32, #tpu.memory_space<vmem>>, vector<1x16xf32>,
            %swap3A_266 = arith.index_cast %scan3A_123 : i32 to index
            %swap3A_267 = arith.constant 160 : index
            %swap3A_268 = tpu.vector_load %arg11[%swap3A_266, %swap3A_267] {strides = array<i32>} : memref<32x256xf32, #tpu.memory_space<vmem>>, vector<1x16xf32>,
            %swap3A_269 = vector.shape_cast %swap3A_268 : vector<1x16xf32> to vector<16xf32>
            %swap3A_270 = vector.shape_cast %while3A_216#10 : vector<16xf32> to vector<1x16xf32>
            tpu.vector_store %arg11[%swap3A_266, %swap3A_267], %swap3A_270 {strides = array<i32>} : memref<32x256xf32, #tpu.memory_space<vmem>>, vector<1x16xf32>,
            %swap3A_271 = arith.index_cast %scan3A_123 : i32 to index
            %swap3A_272 = arith.constant 176 : index
            %swap3A_273 = tpu.vector_load %arg11[%swap3A_271, %swap3A_272] {strides = array<i32>} : memref<32x256xf32, #tpu.memory_space<vmem>>, vector<1x16xf32>,
            %swap3A_274 = vector.shape_cast %swap3A_273 : vector<1x16xf32> to vector<16xf32>
            %swap3A_275 = vector.shape_cast %while3A_216#11 : vector<16xf32> to vector<1x16xf32>
            tpu.vector_store %arg11[%swap3A_271, %swap3A_272], %swap3A_275 {strides = array<i32>} : memref<32x256xf32, #tpu.memory_space<vmem>>, vector<1x16xf32>,
            %swap3A_276 = arith.index_cast %scan3A_123 : i32 to index
            %swap3A_277 = arith.constant 192 : index
            %swap3A_278 = tpu.vector_load %arg11[%swap3A_276, %swap3A_277] {strides = array<i32>} : memref<32x256xf32, #tpu.memory_space<vmem>>, vector<1x16xf32>,
            %swap3A_279 = vector.shape_cast %swap3A_278 : vector<1x16xf32> to vector<16xf32>
            %swap3A_280 = vector.shape_cast %while3A_216#12 : vector<16xf32> to vector<1x16xf32>
            tpu.vector_store %arg11[%swap3A_276, %swap3A_277], %swap3A_280 {strides = array<i32>} : memref<32x256xf32, #tpu.memory_space<vmem>>, vector<1x16xf32>,
            %swap3A_281 = arith.index_cast %scan3A_123 : i32 to index
            %swap3A_282 = arith.constant 208 : index
            %swap3A_283 = tpu.vector_load %arg11[%swap3A_281, %swap3A_282] {strides = array<i32>} : memref<32x256xf32, #tpu.memory_space<vmem>>, vector<1x16xf32>,
            %swap3A_284 = vector.shape_cast %swap3A_283 : vector<1x16xf32> to vector<16xf32>
            %swap3A_285 = vector.shape_cast %while3A_216#13 : vector<16xf32> to vector<1x16xf32>
            tpu.vector_store %arg11[%swap3A_281, %swap3A_282], %swap3A_285 {strides = array<i32>} : memref<32x256xf32, #tpu.memory_space<vmem>>, vector<1x16xf32>,
            %swap3A_286 = arith.index_cast %scan3A_123 : i32 to index
            %swap3A_287 = arith.constant 224 : index
            %swap3A_288 = tpu.vector_load %arg11[%swap3A_286, %swap3A_287] {strides = array<i32>} : memref<32x256xf32, #tpu.memory_space<vmem>>, vector<1x16xf32>,
            %swap3A_289 = vector.shape_cast %swap3A_288 : vector<1x16xf32> to vector<16xf32>
            %swap3A_290 = vector.shape_cast %while3A_216#14 : vector<16xf32> to vector<1x16xf32>
            tpu.vector_store %arg11[%swap3A_286, %swap3A_287], %swap3A_290 {strides = array<i32>} : memref<32x256xf32, #tpu.memory_space<vmem>>, vector<1x16xf32>,
            %swap3A_291 = arith.index_cast %scan3A_123 : i32 to index
            %swap3A_292 = arith.constant 240 : index
            %swap3A_293 = tpu.vector_load %arg11[%swap3A_291, %swap3A_292] {strides = array<i32>} : memref<32x256xf32, #tpu.memory_space<vmem>>, vector<1x16xf32>,
            %swap3A_294 = vector.shape_cast %swap3A_293 : vector<1x16xf32> to vector<16xf32>
            %swap3A_295 = vector.shape_cast %while3A_216#15 : vector<16xf32> to vector<1x16xf32>
            tpu.vector_store %arg11[%swap3A_291, %swap3A_292], %swap3A_295 {strides = array<i32>} : memref<32x256xf32, #tpu.memory_space<vmem>>, vector<1x16xf32>,
          } else {
          }
        }
        %scan3A_122 = arith.constant 32 : i32
      } else {
      }
    }
    %scan3A_73 = arith.constant 0 : i32
    %scan3A_74 = arith.constant 0 : i32
    %scan3A_75 = arith.constant 32 : i32
    %scan3A_76 = arith.addi %scan3A_74, %scan3A_75 : i32
    %scan3A_77 = arith.constant 1 : i32
    scf.for %scan3A_79 = %scan3A_74 to %scan3A_76 step %scan3A_77  : i32 {
      %get3A_80 = arith.index_cast %scan3A_79 : i32 to index
      %get3A_81 = arith.constant 0 : index
      %get3A_82 = tpu.vector_load %arg11[%get3A_80, %get3A_81] {strides = array<i32>} : memref<32x256xf32, #tpu.memory_space<vmem>>, vector<1x16xf32>,
      %get3A_83 = vector.shape_cast %get3A_82 : vector<1x16xf32> to vector<16xf32>
      %get3A_84 = arith.index_cast %scan3A_79 : i32 to index
      %get3A_85 = arith.constant 128 : index
      %get3A_86 = tpu.vector_load %arg11[%get3A_84, %get3A_85] {strides = array<i32>} : memref<32x256xf32, #tpu.memory_space<vmem>>, vector<1x16xf32>,
      %get3A_87 = vector.shape_cast %get3A_86 : vector<1x16xf32> to vector<16xf32>
      %max3A = arith.constant 9.99999996E-13 : f32
      %max3A_88 = vector.broadcast %max3A : f32 to vector<16xf32>
      %max3A_89 = arith.maximumf %get3A_83, %max3A_88 : vector<16xf32>
      %div3A_90 = arith.divf %get3A_87, %max3A_89 : vector<16xf32>
      %swap3A = arith.index_cast %scan3A_79 : i32 to index
      %swap3A_91 = arith.constant 0 : index
      %swap3A_92 = tpu.vector_load %arg12[%swap3A, %swap3A_91] {strides = array<i32>} : memref<32x128xf32, #tpu.memory_space<vmem>>, vector<1x16xf32>,
      %swap3A_93 = vector.shape_cast %swap3A_92 : vector<1x16xf32> to vector<16xf32>
      %swap3A_94 = vector.shape_cast %div3A_90 : vector<16xf32> to vector<1x16xf32>
      tpu.vector_store %arg12[%swap3A, %swap3A_91], %swap3A_94 {strides = array<i32>} : memref<32x128xf32, #tpu.memory_space<vmem>>, vector<1x16xf32>,
      %get3A_95 = arith.index_cast %scan3A_79 : i32 to index
      %get3A_96 = arith.constant 16 : index
      %get3A_97 = tpu.vector_load %arg11[%get3A_95, %get3A_96] {strides = array<i32>} : memref<32x256xf32, #tpu.memory_space<vmem>>, vector<1x16xf32>,
      %get3A_98 = vector.shape_cast %get3A_97 : vector<1x16xf32> to vector<16xf32>
      %get3A_99 = arith.index_cast %scan3A_79 : i32 to index
      %get3A_100 = arith.constant 144 : index
      %get3A_101 = tpu.vector_load %arg11[%get3A_99, %get3A_100] {strides = array<i32>} : memref<32x256xf32, #tpu.memory_space<vmem>>, vector<1x16xf32>,
      %get3A_102 = vector.shape_cast %get3A_101 : vector<1x16xf32> to vector<16xf32>
      %max3A_103 = arith.constant 9.99999996E-13 : f32
      %max3A_104 = vector.broadcast %max3A_103 : f32 to vector<16xf32>
      %max3A_105 = arith.maximumf %get3A_98, %max3A_104 : vector<16xf32>
      %div3A_106 = arith.divf %get3A_102, %max3A_105 : vector<16xf32>
      %swap3A_107 = arith.index_cast %scan3A_79 : i32 to index
      %swap3A_108 = arith.constant 16 : index
      %swap3A_109 = tpu.vector_load %arg12[%swap3A_107, %swap3A_108] {strides = array<i32>} : memref<32x128xf32, #tpu.memory_space<vmem>>, vector<1x16xf32>,
      %swap3A_110 = vector.shape_cast %swap3A_109 : vector<1x16xf32> to vector<16xf32>
      %swap3A_111 = vector.shape_cast %div3A_106 : vector<16xf32> to vector<1x16xf32>
      tpu.vector_store %arg12[%swap3A_107, %swap3A_108], %swap3A_111 {strides = array<i32>} : memref<32x128xf32, #tpu.memory_space<vmem>>, vector<1x16xf32>,
      %get3A_112 = arith.index_cast %scan3A_79 : i32 to index
      %get3A_113 = arith.constant 32 : index
      %get3A_114 = tpu.vector_load %arg11[%get3A_112, %get3A_113] {strides = array<i32>} : memref<32x256xf32, #tpu.memory_space<vmem>>, vector<1x16xf32>,
      %get3A_115 = vector.shape_cast %get3A_114 : vector<1x16xf32> to vector<16xf32>
      %get3A_116 = arith.index_cast %scan3A_79 : i32 to index
      %get3A_117 = arith.constant 160 : index
      %get3A_118 = tpu.vector_load %arg11[%get3A_116, %get3A_117] {strides = array<i32>} : memref<32x256xf32, #tpu.memory_space<vmem>>, vector<1x16xf32>,
      %get3A_119 = vector.shape_cast %get3A_118 : vector<1x16xf32> to vector<16xf32>
      %max3A_120 = arith.constant 9.99999996E-13 : f32
      %max3A_121 = vector.broadcast %max3A_120 : f32 to vector<16xf32>
      %max3A_122 = arith.maximumf %get3A_115, %max3A_121 : vector<16xf32>
      %div3A_123 = arith.divf %get3A_119, %max3A_122 : vector<16xf32>
      %swap3A_124 = arith.index_cast %scan3A_79 : i32 to index
      %swap3A_125 = arith.constant 32 : index
      %swap3A_126 = tpu.vector_load %arg12[%swap3A_124, %swap3A_125] {strides = array<i32>} : memref<32x128xf32, #tpu.memory_space<vmem>>, vector<1x16xf32>,
      %swap3A_127 = vector.shape_cast %swap3A_126 : vector<1x16xf32> to vector<16xf32>
      %swap3A_128 = vector.shape_cast %div3A_123 : vector<16xf32> to vector<1x16xf32>
      tpu.vector_store %arg12[%swap3A_124, %swap3A_125], %swap3A_128 {strides = array<i32>} : memref<32x128xf32, #tpu.memory_space<vmem>>, vector<1x16xf32>,
      %get3A_129 = arith.index_cast %scan3A_79 : i32 to index
      %get3A_130 = arith.constant 48 : index
      %get3A_131 = tpu.vector_load %arg11[%get3A_129, %get3A_130] {strides = array<i32>} : memref<32x256xf32, #tpu.memory_space<vmem>>, vector<1x16xf32>,
      %get3A_132 = vector.shape_cast %get3A_131 : vector<1x16xf32> to vector<16xf32>
      %get3A_133 = arith.index_cast %scan3A_79 : i32 to index
      %get3A_134 = arith.constant 176 : index
      %get3A_135 = tpu.vector_load %arg11[%get3A_133, %get3A_134] {strides = array<i32>} : memref<32x256xf32, #tpu.memory_space<vmem>>, vector<1x16xf32>,
      %get3A_136 = vector.shape_cast %get3A_135 : vector<1x16xf32> to vector<16xf32>
      %max3A_137 = arith.constant 9.99999996E-13 : f32
      %max3A_138 = vector.broadcast %max3A_137 : f32 to vector<16xf32>
      %max3A_139 = arith.maximumf %get3A_132, %max3A_138 : vector<16xf32>
      %div3A_140 = arith.divf %get3A_136, %max3A_139 : vector<16xf32>
      %swap3A_141 = arith.index_cast %scan3A_79 : i32 to index
      %swap3A_142 = arith.constant 48 : index
      %swap3A_143 = tpu.vector_load %arg12[%swap3A_141, %swap3A_142] {strides = array<i32>} : memref<32x128xf32, #tpu.memory_space<vmem>>, vector<1x16xf32>,
      %swap3A_144 = vector.shape_cast %swap3A_143 : vector<1x16xf32> to vector<16xf32>
      %swap3A_145 = vector.shape_cast %div3A_140 : vector<16xf32> to vector<1x16xf32>
      tpu.vector_store %arg12[%swap3A_141, %swap3A_142], %swap3A_145 {strides = array<i32>} : memref<32x128xf32, #tpu.memory_space<vmem>>, vector<1x16xf32>,
      %get3A_146 = arith.index_cast %scan3A_79 : i32 to index
      %get3A_147 = arith.constant 64 : index
      %get3A_148 = tpu.vector_load %arg11[%get3A_146, %get3A_147] {strides = array<i32>} : memref<32x256xf32, #tpu.memory_space<vmem>>, vector<1x16xf32>,
      %get3A_149 = vector.shape_cast %get3A_148 : vector<1x16xf32> to vector<16xf32>
      %get3A_150 = arith.index_cast %scan3A_79 : i32 to index
      %get3A_151 = arith.constant 192 : index
      %get3A_152 = tpu.vector_load %arg11[%get3A_150, %get3A_151] {strides = array<i32>} : memref<32x256xf32, #tpu.memory_space<vmem>>, vector<1x16xf32>,
      %get3A_153 = vector.shape_cast %get3A_152 : vector<1x16xf32> to vector<16xf32>
      %max3A_154 = arith.constant 9.99999996E-13 : f32
      %max3A_155 = vector.broadcast %max3A_154 : f32 to vector<16xf32>
      %max3A_156 = arith.maximumf %get3A_149, %max3A_155 : vector<16xf32>
      %div3A_157 = arith.divf %get3A_153, %max3A_156 : vector<16xf32>
      %swap3A_158 = arith.index_cast %scan3A_79 : i32 to index
      %swap3A_159 = arith.constant 64 : index
      %swap3A_160 = tpu.vector_load %arg12[%swap3A_158, %swap3A_159] {strides = array<i32>} : memref<32x128xf32, #tpu.memory_space<vmem>>, vector<1x16xf32>,
      %swap3A_161 = vector.shape_cast %swap3A_160 : vector<1x16xf32> to vector<16xf32>
      %swap3A_162 = vector.shape_cast %div3A_157 : vector<16xf32> to vector<1x16xf32>
      tpu.vector_store %arg12[%swap3A_158, %swap3A_159], %swap3A_162 {strides = array<i32>} : memref<32x128xf32, #tpu.memory_space<vmem>>, vector<1x16xf32>,
      %get3A_163 = arith.index_cast %scan3A_79 : i32 to index
      %get3A_164 = arith.constant 80 : index
      %get3A_165 = tpu.vector_load %arg11[%get3A_163, %get3A_164] {strides = array<i32>} : memref<32x256xf32, #tpu.memory_space<vmem>>, vector<1x16xf32>,
      %get3A_166 = vector.shape_cast %get3A_165 : vector<1x16xf32> to vector<16xf32>
      %get3A_167 = arith.index_cast %scan3A_79 : i32 to index
      %get3A_168 = arith.constant 208 : index
      %get3A_169 = tpu.vector_load %arg11[%get3A_167, %get3A_168] {strides = array<i32>} : memref<32x256xf32, #tpu.memory_space<vmem>>, vector<1x16xf32>,
      %get3A_170 = vector.shape_cast %get3A_169 : vector<1x16xf32> to vector<16xf32>
      %max3A_171 = arith.constant 9.99999996E-13 : f32
      %max3A_172 = vector.broadcast %max3A_171 : f32 to vector<16xf32>
      %max3A_173 = arith.maximumf %get3A_166, %max3A_172 : vector<16xf32>
      %div3A_174 = arith.divf %get3A_170, %max3A_173 : vector<16xf32>
      %swap3A_175 = arith.index_cast %scan3A_79 : i32 to index
      %swap3A_176 = arith.constant 80 : index
      %swap3A_177 = tpu.vector_load %arg12[%swap3A_175, %swap3A_176] {strides = array<i32>} : memref<32x128xf32, #tpu.memory_space<vmem>>, vector<1x16xf32>,
      %swap3A_178 = vector.shape_cast %swap3A_177 : vector<1x16xf32> to vector<16xf32>
      %swap3A_179 = vector.shape_cast %div3A_174 : vector<16xf32> to vector<1x16xf32>
      tpu.vector_store %arg12[%swap3A_175, %swap3A_176], %swap3A_179 {strides = array<i32>} : memref<32x128xf32, #tpu.memory_space<vmem>>, vector<1x16xf32>,
      %get3A_180 = arith.index_cast %scan3A_79 : i32 to index
      %get3A_181 = arith.constant 96 : index
      %get3A_182 = tpu.vector_load %arg11[%get3A_180, %get3A_181] {strides = array<i32>} : memref<32x256xf32, #tpu.memory_space<vmem>>, vector<1x16xf32>,
      %get3A_183 = vector.shape_cast %get3A_182 : vector<1x16xf32> to vector<16xf32>
      %get3A_184 = arith.index_cast %scan3A_79 : i32 to index
      %get3A_185 = arith.constant 224 : index
      %get3A_186 = tpu.vector_load %arg11[%get3A_184, %get3A_185] {strides = array<i32>} : memref<32x256xf32, #tpu.memory_space<vmem>>, vector<1x16xf32>,
      %get3A_187 = vector.shape_cast %get3A_186 : vector<1x16xf32> to vector<16xf32>
      %max3A_188 = arith.constant 9.99999996E-13 : f32
      %max3A_189 = vector.broadcast %max3A_188 : f32 to vector<16xf32>
      %max3A_190 = arith.maximumf %get3A_183, %max3A_189 : vector<16xf32>
      %div3A_191 = arith.divf %get3A_187, %max3A_190 : vector<16xf32>
      %swap3A_192 = arith.index_cast %scan3A_79 : i32 to index
      %swap3A_193 = arith.constant 96 : index
      %swap3A_194 = tpu.vector_load %arg12[%swap3A_192, %swap3A_193] {strides = array<i32>} : memref<32x128xf32, #tpu.memory_space<vmem>>, vector<1x16xf32>,
      %swap3A_195 = vector.shape_cast %swap3A_194 : vector<1x16xf32> to vector<16xf32>
      %swap3A_196 = vector.shape_cast %div3A_191 : vector<16xf32> to vector<1x16xf32>
      tpu.vector_store %arg12[%swap3A_192, %swap3A_193], %swap3A_196 {strides = array<i32>} : memref<32x128xf32, #tpu.memory_space<vmem>>, vector<1x16xf32>,
      %get3A_197 = arith.index_cast %scan3A_79 : i32 to index
      %get3A_198 = arith.constant 112 : index
      %get3A_199 = tpu.vector_load %arg11[%get3A_197, %get3A_198] {strides = array<i32>} : memref<32x256xf32, #tpu.memory_space<vmem>>, vector<1x16xf32>,
      %get3A_200 = vector.shape_cast %get3A_199 : vector<1x16xf32> to vector<16xf32>
      %get3A_201 = arith.index_cast %scan3A_79 : i32 to index
      %get3A_202 = arith.constant 240 : index
      %get3A_203 = tpu.vector_load %arg11[%get3A_201, %get3A_202] {strides = array<i32>} : memref<32x256xf32, #tpu.memory_space<vmem>>, vector<1x16xf32>,
      %get3A_204 = vector.shape_cast %get3A_203 : vector<1x16xf32> to vector<16xf32>
      %max3A_205 = arith.constant 9.99999996E-13 : f32
      %max3A_206 = vector.broadcast %max3A_205 : f32 to vector<16xf32>
      %max3A_207 = arith.maximumf %get3A_200, %max3A_206 : vector<16xf32>
      %div3A_208 = arith.divf %get3A_204, %max3A_207 : vector<16xf32>
      %swap3A_209 = arith.index_cast %scan3A_79 : i32 to index
      %swap3A_210 = arith.constant 112 : index
      %swap3A_211 = tpu.vector_load %arg12[%swap3A_209, %swap3A_210] {strides = array<i32>} : memref<32x128xf32, #tpu.memory_space<vmem>>, vector<1x16xf32>,
      %swap3A_212 = vector.shape_cast %swap3A_211 : vector<1x16xf32> to vector<16xf32>
      %swap3A_213 = vector.shape_cast %div3A_208 : vector<16xf32> to vector<1x16xf32>
      tpu.vector_store %arg12[%swap3A_209, %swap3A_210], %swap3A_213 {strides = array<i32>} : memref<32x128xf32, #tpu.memory_space<vmem>>, vector<1x16xf32>,
    }
    %scan3A_78 = arith.constant 32 : i32
    "tpu.region"() ({
      %run_scoped3A = tpu.sem_alloc : memref<!tpu.dma_semaphore, #tpu.memory_space<semaphore_mem>>
      %dma_start3A = arith.constant 0 : i32
      %dma_start3A_79 = tpu.memref_slice %arg5[%multiple_of3A, %dma_start3A] : memref<1024x128xf32, #tpu.memory_space<hbm>> -> memref<32x128xf32, #tpu.memory_space<hbm>>
      %dma_start3A_80 = arith.constant 0 : i32
      %dma_start3A_81 = tpu.memref_slice %arg5[%multiple_of3A, %dma_start3A_80] : memref<1024x128xf32, #tpu.memory_space<hbm>> -> memref<32x128xf32, #tpu.memory_space<hbm>>
      tpu.enqueue_dma source(%arg12 : memref<32x128xf32, #tpu.memory_space<vmem>>) target(%dma_start3A_81 : memref<32x128xf32, #tpu.memory_space<hbm>>) target_semaphore(%run_scoped3A : memref<!tpu.dma_semaphore, #tpu.memory_space<semaphore_mem>>)
      %dma_wait3A = arith.constant 0 : i32
      %dma_wait3A_82 = tpu.memref_slice %arg5[%multiple_of3A, %dma_wait3A] : memref<1024x128xf32, #tpu.memory_space<hbm>> -> memref<32x128xf32, #tpu.memory_space<hbm>>
      %dma_wait3A_83 = arith.constant 0 : i32
      %dma_wait3A_84 = tpu.memref_slice %arg5[%multiple_of3A, %dma_wait3A_83] : memref<1024x128xf32, #tpu.memory_space<hbm>> -> memref<32x128xf32, #tpu.memory_space<hbm>>
      tpu.wait_dma2 semaphore(%run_scoped3A : memref<!tpu.dma_semaphore, #tpu.memory_space<semaphore_mem>>) src(%arg12 : memref<32x128xf32, #tpu.memory_space<vmem>>) dst(%dma_wait3A_84 : memref<32x128xf32, #tpu.memory_space<hbm>>)
      tpu.yield
    }) : () -> ()
    return
  }
}

module attributes {stable_mosaic.version = 14 : i64} {
  func.func @_att_body(%arg0: i32, %arg1: memref<10000x128xf32, #tpu.memory_space<vmem>>, %arg2: memref<128x128xf32, #tpu.memory_space<vmem>>, %arg3: memref<1x128xf32, #tpu.memory_space<vmem>>, %arg4: memref<10000x128xf32, #tpu.memory_space<vmem>>) attributes {dimension_semantics = [#tpu.dimension_semantics<arbitrary>], iteration_bounds = array<i64: 10>, scalar_prefetch = 0 : i64, scratch_operands = 0 : i64, tpu.core_type = #tpu.core_type<tc>, window_params = [{transform_indices = @transform_0, window_bounds = array<i64: 10000, 128>}, {pipeline_mode = #tpu.pipeline_mode<synchronous>, transform_indices = @transform_1, window_bounds = array<i64: 128, 128>}, {pipeline_mode = #tpu.pipeline_mode<synchronous>, transform_indices = @transform_2, window_bounds = array<i64: 1, 128>}, {transform_indices = @transform_3, window_bounds = array<i64: 10000, 128>}]} {
    %get3A = arith.constant 0 : index
    %get3A_0 = arith.constant 0 : index
    %get3A_1 = vector.load %arg1[%get3A, %get3A_0] : memref<10000x128xf32, #tpu.memory_space<vmem>>, vector<10000x128xf32>
    %get3A_2 = arith.constant 0 : index
    %get3A_3 = arith.constant 0 : index
    %get3A_4 = vector.load %arg2[%get3A_2, %get3A_3] : memref<128x128xf32, #tpu.memory_space<vmem>>, vector<128x128xf32>
    %dot_general3A = arith.constant dense<0.000000e+00> : vector<10000x128xf32>
    %dot_general3A_5 = tpu.matmul %get3A_1, %get3A_4, %dot_general3A {dimension_numbers = #tpu.dot_dimension_numbers<[1], [0], [0], [1], [0, 0, 1, 1], [], []>, transpose_lhs_hint = false} : vector<10000x128xf32>, vector<128x128xf32>, vector<10000x128xf32> -> vector<10000x128xf32>
    %get3A_6 = arith.constant 0 : index
    %get3A_7 = arith.constant 0 : index
    %get3A_8 = vector.load %arg3[%get3A_6, %get3A_7] : memref<1x128xf32, #tpu.memory_space<vmem>>, vector<1x128xf32>
    %add3A = vector.broadcast %get3A_8 : vector<1x128xf32> to vector<10000x128xf32>
    %add3A_9 = arith.addf %dot_general3A_5, %add3A : vector<10000x128xf32>
    %logistic3A = arith.negf %add3A_9 : vector<10000x128xf32>
    %logistic3A_10 = math.exp %logistic3A : vector<10000x128xf32>
    %logistic3A_11 = arith.constant 1.000000e+00 : f32
    %logistic3A_12 = vector.broadcast %logistic3A_11 : f32 to vector<10000x128xf32>
    %logistic3A_13 = arith.addf %logistic3A_12, %logistic3A_10 : vector<10000x128xf32>
    %logistic3A_14 = arith.divf %logistic3A_12, %logistic3A_13 : vector<10000x128xf32>
    %mul3A = arith.mulf %add3A_9, %logistic3A_14 : vector<10000x128xf32>
    %exp3A = math.exp %mul3A : vector<10000x128xf32>
    %swap3A = arith.constant 0 : index
    %swap3A_15 = arith.constant 0 : index
    %swap3A_16 = vector.load %arg4[%swap3A, %swap3A_15] : memref<10000x128xf32, #tpu.memory_space<vmem>>, vector<10000x128xf32>
    tpu.vector_store %arg4[%swap3A, %swap3A_15], %exp3A {strides = array<i32>} : memref<10000x128xf32, #tpu.memory_space<vmem>>, vector<10000x128xf32>,
    return
  }
  func.func @transform_0(%arg0: i32) -> (i32, i32) {
    %c0_i32 = arith.constant 0 : i32
    %c0_i32_0 = arith.constant 0 : i32
    return %arg0, %c0_i32 : i32, i32
  }
  func.func @transform_1(%arg0: i32) -> (i32, i32) {
    %c0_i32 = arith.constant 0 : i32
    %c0_i32_0 = arith.constant 0 : i32
    %c0_i32_1 = arith.constant 0 : i32
    return %c0_i32, %c0_i32_0 : i32, i32
  }
  func.func @transform_2(%arg0: i32) -> (i32, i32) {
    %c0_i32 = arith.constant 0 : i32
    %c0_i32_0 = arith.constant 0 : i32
    %c0_i32_1 = arith.constant 0 : i32
    return %c0_i32, %c0_i32_0 : i32, i32
  }
  func.func @transform_3(%arg0: i32) -> (i32, i32) {
    %c0_i32 = arith.constant 0 : i32
    %c0_i32_0 = arith.constant 0 : i32
    return %arg0, %c0_i32 : i32, i32
  }
}

module attributes {stable_mosaic.version = 14 : i64} {
  func.func @_mlp_body(%arg0: i32, %arg1: memref<1024x128xf32, #tpu.memory_space<vmem>>, %arg2: memref<128x512xf32, #tpu.memory_space<vmem>>, %arg3: memref<1x512xf32, #tpu.memory_space<vmem>>, %arg4: memref<512x512xf32, #tpu.memory_space<vmem>>, %arg5: memref<1x512xf32, #tpu.memory_space<vmem>>, %arg6: memref<512x1024xf32, #tpu.memory_space<vmem>>, %arg7: memref<1x1024xf32, #tpu.memory_space<vmem>>, %arg8: memref<1024x1024xf32, #tpu.memory_space<vmem>>, %arg9: memref<1024x2001xf32, #tpu.memory_space<vmem>>, %arg10: memref<1024x2001xf32, #tpu.memory_space<vmem>>, %arg11: memref<1024x512xf32, #tpu.memory_space<vmem>>) attributes {dimension_semantics = [#tpu.dimension_semantics<arbitrary>], iteration_bounds = array<i64: 4>, scalar_prefetch = 0 : i64, scratch_operands = 1 : i64, tpu.core_type = #tpu.core_type<tc>, window_params = [{pipeline_mode = #tpu.pipeline_mode<synchronous>, transform_indices = @transform_0, window_bounds = array<i64: 1024, 128>}, {pipeline_mode = #tpu.pipeline_mode<synchronous>, transform_indices = @transform_1, window_bounds = array<i64: 128, 512>}, {pipeline_mode = #tpu.pipeline_mode<synchronous>, transform_indices = @transform_2, window_bounds = array<i64: 1, 512>}, {pipeline_mode = #tpu.pipeline_mode<synchronous>, transform_indices = @transform_3, window_bounds = array<i64: 512, 512>}, {pipeline_mode = #tpu.pipeline_mode<synchronous>, transform_indices = @transform_4, window_bounds = array<i64: 1, 512>}, {transform_indices = @transform_5, window_bounds = array<i64: 512, 1024>}, {transform_indices = @transform_6, window_bounds = array<i64: 1, 1024>}, {transform_indices = @transform_7, window_bounds = array<i64: 1024, 1024>}, {pipeline_mode = #tpu.pipeline_mode<synchronous>, transform_indices = @transform_8, window_bounds = array<i64: 1024, 2001>}, {pipeline_mode = #tpu.pipeline_mode<synchronous>, transform_indices = @transform_9, window_bounds = array<i64: 1024, 2001>}]} {
    %eq3A = arith.constant 0 : i32
    %eq3A_0 = arith.cmpi eq, %arg0, %eq3A : i32
    %convert_element_type3A = arith.extui %eq3A_0 : i1 to i32
    %cond3A = arith.constant 0 : i32
    %cond3A_1 = arith.cmpi ne, %convert_element_type3A, %cond3A : i32
    scf.if %cond3A_1 {
      %get3A_34 = arith.constant 0 : index
      %get3A_35 = arith.constant 0 : index
      %get3A_36 = vector.load %arg1[%get3A_34, %get3A_35] : memref<1024x128xf32, #tpu.memory_space<vmem>>, vector<1024x128xf32>
      %get3A_37 = arith.constant 0 : index
      %get3A_38 = arith.constant 0 : index
      %get3A_39 = vector.load %arg2[%get3A_37, %get3A_38] : memref<128x512xf32, #tpu.memory_space<vmem>>, vector<128x512xf32>
      %dot_general3A_40 = arith.constant dense<0.000000e+00> : vector<1024x512xf32>
      %dot_general3A_41 = tpu.matmul %get3A_36, %get3A_39, %dot_general3A_40 {dimension_numbers = #tpu.dot_dimension_numbers<[1], [0], [0], [1], [0, 0, 1, 1], [], []>, transpose_lhs_hint = false} : vector<1024x128xf32>, vector<128x512xf32>, vector<1024x512xf32> -> vector<1024x512xf32>
      %get3A_42 = arith.constant 0 : index
      %get3A_43 = arith.constant 0 : index
      %get3A_44 = vector.load %arg3[%get3A_42, %get3A_43] : memref<1x512xf32, #tpu.memory_space<vmem>>, vector<1x512xf32>
      %add3A_45 = vector.broadcast %get3A_44 : vector<1x512xf32> to vector<1024x512xf32>
      %add3A_46 = arith.addf %dot_general3A_41, %add3A_45 : vector<1024x512xf32>
      %logistic3A = arith.negf %add3A_46 : vector<1024x512xf32>
      %logistic3A_47 = math.exp %logistic3A : vector<1024x512xf32>
      %logistic3A_48 = arith.constant 1.000000e+00 : f32
      %logistic3A_49 = vector.broadcast %logistic3A_48 : f32 to vector<1024x512xf32>
      %logistic3A_50 = arith.addf %logistic3A_49, %logistic3A_47 : vector<1024x512xf32>
      %logistic3A_51 = arith.divf %logistic3A_49, %logistic3A_50 : vector<1024x512xf32>
      %mul3A = arith.mulf %add3A_46, %logistic3A_51 : vector<1024x512xf32>
      %get3A_52 = arith.constant 0 : index
      %get3A_53 = arith.constant 0 : index
      %get3A_54 = vector.load %arg4[%get3A_52, %get3A_53] : memref<512x512xf32, #tpu.memory_space<vmem>>, vector<512x512xf32>
      %dot_general3A_55 = arith.constant dense<0.000000e+00> : vector<1024x512xf32>
      %dot_general3A_56 = tpu.matmul %mul3A, %get3A_54, %dot_general3A_55 {dimension_numbers = #tpu.dot_dimension_numbers<[1], [0], [0], [1], [0, 0, 1, 1], [], []>, transpose_lhs_hint = false} : vector<1024x512xf32>, vector<512x512xf32>, vector<1024x512xf32> -> vector<1024x512xf32>
      %get3A_57 = arith.constant 0 : index
      %get3A_58 = arith.constant 0 : index
      %get3A_59 = vector.load %arg5[%get3A_57, %get3A_58] : memref<1x512xf32, #tpu.memory_space<vmem>>, vector<1x512xf32>
      %add3A_60 = vector.broadcast %get3A_59 : vector<1x512xf32> to vector<1024x512xf32>
      %add3A_61 = arith.addf %dot_general3A_56, %add3A_60 : vector<1024x512xf32>
      %logistic3A_62 = arith.negf %add3A_61 : vector<1024x512xf32>
      %logistic3A_63 = math.exp %logistic3A_62 : vector<1024x512xf32>
      %logistic3A_64 = arith.constant 1.000000e+00 : f32
      %logistic3A_65 = vector.broadcast %logistic3A_64 : f32 to vector<1024x512xf32>
      %logistic3A_66 = arith.addf %logistic3A_65, %logistic3A_63 : vector<1024x512xf32>
      %logistic3A_67 = arith.divf %logistic3A_65, %logistic3A_66 : vector<1024x512xf32>
      %mul3A_68 = arith.mulf %add3A_61, %logistic3A_67 : vector<1024x512xf32>
      %swap3A_69 = arith.constant 0 : index
      %swap3A_70 = arith.constant 0 : index
      %swap3A_71 = vector.load %arg11[%swap3A_69, %swap3A_70] : memref<1024x512xf32, #tpu.memory_space<vmem>>, vector<1024x512xf32>
      tpu.vector_store %arg11[%swap3A_69, %swap3A_70], %mul3A_68 {strides = array<i32>} : memref<1024x512xf32, #tpu.memory_space<vmem>>, vector<1024x512xf32>,
    } else {
    }
    %get3A = arith.constant 0 : index
    %get3A_2 = arith.constant 0 : index
    %get3A_3 = vector.load %arg11[%get3A, %get3A_2] : memref<1024x512xf32, #tpu.memory_space<vmem>>, vector<1024x512xf32>
    %get3A_4 = arith.constant 0 : index
    %get3A_5 = arith.constant 0 : index
    %get3A_6 = vector.load %arg6[%get3A_4, %get3A_5] : memref<512x1024xf32, #tpu.memory_space<vmem>>, vector<512x1024xf32>
    %dot_general3A = arith.constant dense<0.000000e+00> : vector<1024x1024xf32>
    %dot_general3A_7 = tpu.matmul %get3A_3, %get3A_6, %dot_general3A {dimension_numbers = #tpu.dot_dimension_numbers<[1], [0], [0], [1], [0, 0, 1, 1], [], []>, transpose_lhs_hint = false} : vector<1024x512xf32>, vector<512x1024xf32>, vector<1024x1024xf32> -> vector<1024x1024xf32>
    %get3A_8 = arith.constant 0 : index
    %get3A_9 = arith.constant 0 : index
    %get3A_10 = vector.load %arg7[%get3A_8, %get3A_9] : memref<1x1024xf32, #tpu.memory_space<vmem>>, vector<1x1024xf32>
    %add3A = vector.broadcast %get3A_10 : vector<1x1024xf32> to vector<1024x1024xf32>
    %add3A_11 = arith.addf %dot_general3A_7, %add3A : vector<1024x1024xf32>
    %swap3A = arith.constant 0 : index
    %swap3A_12 = arith.constant 0 : index
    %swap3A_13 = vector.load %arg8[%swap3A, %swap3A_12] : memref<1024x1024xf32, #tpu.memory_space<vmem>>, vector<1024x1024xf32>
    tpu.vector_store %arg8[%swap3A, %swap3A_12], %add3A_11 {strides = array<i32>} : memref<1024x1024xf32, #tpu.memory_space<vmem>>, vector<1024x1024xf32>,
    %eq3A_14 = arith.constant 0 : i32
    %eq3A_15 = arith.cmpi eq, %arg0, %eq3A_14 : i32
    %convert_element_type3A_16 = arith.extui %eq3A_15 : i1 to i32
    %cond3A_17 = arith.constant 0 : i32
    %cond3A_18 = arith.cmpi ne, %convert_element_type3A_16, %cond3A_17 : i32
    scf.if %cond3A_18 {
      %swap3A_34 = arith.constant 0 : index
      %swap3A_35 = arith.constant 0 : index
      %swap3A_36 = vector.load %arg9[%swap3A_34, %swap3A_35] : memref<1024x2001xf32, #tpu.memory_space<vmem>>, vector<1024x1024xf32>
      tpu.vector_store %arg9[%swap3A_34, %swap3A_35], %add3A_11 {strides = array<i32>} : memref<1024x2001xf32, #tpu.memory_space<vmem>>, vector<1024x1024xf32>,
    } else {
    }
    %eq3A_19 = arith.constant 1 : i32
    %eq3A_20 = arith.cmpi eq, %arg0, %eq3A_19 : i32
    %convert_element_type3A_21 = arith.extui %eq3A_20 : i1 to i32
    %cond3A_22 = arith.constant 0 : i32
    %cond3A_23 = arith.cmpi ne, %convert_element_type3A_21, %cond3A_22 : i32
    scf.if %cond3A_23 {
      %slice3A = vector.extract_strided_slice %add3A_11 {offsets = [0, 0], sizes = [1024, 977], strides = [1, 1]} : vector<1024x1024xf32> to vector<1024x977xf32>
      %swap3A_34 = arith.constant 0 : index
      %swap3A_35 = arith.constant 1024 : index
      %swap3A_36 = vector.load %arg9[%swap3A_34, %swap3A_35] : memref<1024x2001xf32, #tpu.memory_space<vmem>>, vector<1024x977xf32>
      tpu.vector_store %arg9[%swap3A_34, %swap3A_35], %slice3A {strides = array<i32>} : memref<1024x2001xf32, #tpu.memory_space<vmem>>, vector<1024x977xf32>,
      %slice3A_37 = vector.extract_strided_slice %add3A_11 {offsets = [0, 977], sizes = [1024, 47], strides = [1, 1]} : vector<1024x1024xf32> to vector<1024x47xf32>
      %swap3A_38 = arith.constant 0 : index
      %swap3A_39 = arith.constant 0 : index
      %swap3A_40 = vector.load %arg10[%swap3A_38, %swap3A_39] : memref<1024x2001xf32, #tpu.memory_space<vmem>>, vector<1024x47xf32>
      tpu.vector_store %arg10[%swap3A_38, %swap3A_39], %slice3A_37 {strides = array<i32>} : memref<1024x2001xf32, #tpu.memory_space<vmem>>, vector<1024x47xf32>,
    } else {
    }
    %eq3A_24 = arith.constant 2 : i32
    %eq3A_25 = arith.cmpi eq, %arg0, %eq3A_24 : i32
    %convert_element_type3A_26 = arith.extui %eq3A_25 : i1 to i32
    %cond3A_27 = arith.constant 0 : i32
    %cond3A_28 = arith.cmpi ne, %convert_element_type3A_26, %cond3A_27 : i32
    scf.if %cond3A_28 {
      %swap3A_34 = arith.constant 0 : index
      %swap3A_35 = arith.constant 47 : index
      %swap3A_36 = vector.load %arg10[%swap3A_34, %swap3A_35] : memref<1024x2001xf32, #tpu.memory_space<vmem>>, vector<1024x1024xf32>
      tpu.vector_store %arg10[%swap3A_34, %swap3A_35], %add3A_11 {strides = array<i32>} : memref<1024x2001xf32, #tpu.memory_space<vmem>>, vector<1024x1024xf32>,
    } else {
    }
    %eq3A_29 = arith.constant 3 : i32
    %eq3A_30 = arith.cmpi eq, %arg0, %eq3A_29 : i32
    %convert_element_type3A_31 = arith.extui %eq3A_30 : i1 to i32
    %cond3A_32 = arith.constant 0 : i32
    %cond3A_33 = arith.cmpi ne, %convert_element_type3A_31, %cond3A_32 : i32
    scf.if %cond3A_33 {
      %slice3A = vector.extract_strided_slice %add3A_11 {offsets = [0, 0], sizes = [1024, 930], strides = [1, 1]} : vector<1024x1024xf32> to vector<1024x930xf32>
      %swap3A_34 = arith.constant 0 : index
      %swap3A_35 = arith.constant 1071 : index
      %swap3A_36 = vector.load %arg10[%swap3A_34, %swap3A_35] : memref<1024x2001xf32, #tpu.memory_space<vmem>>, vector<1024x930xf32>
      tpu.vector_store %arg10[%swap3A_34, %swap3A_35], %slice3A {strides = array<i32>} : memref<1024x2001xf32, #tpu.memory_space<vmem>>, vector<1024x930xf32>,
    } else {
    }
    return
  }
  func.func @transform_0(%arg0: i32) -> (i32, i32) {
    %c0_i32 = arith.constant 0 : i32
    %c0_i32_0 = arith.constant 0 : i32
    %c0_i32_1 = arith.constant 0 : i32
    return %c0_i32, %c0_i32_0 : i32, i32
  }
  func.func @transform_1(%arg0: i32) -> (i32, i32) {
    %c0_i32 = arith.constant 0 : i32
    %c0_i32_0 = arith.constant 0 : i32
    %c0_i32_1 = arith.constant 0 : i32
    return %c0_i32, %c0_i32_0 : i32, i32
  }
  func.func @transform_2(%arg0: i32) -> (i32, i32) {
    %c0_i32 = arith.constant 0 : i32
    %c0_i32_0 = arith.constant 0 : i32
    %c0_i32_1 = arith.constant 0 : i32
    return %c0_i32, %c0_i32_0 : i32, i32
  }
  func.func @transform_3(%arg0: i32) -> (i32, i32) {
    %c0_i32 = arith.constant 0 : i32
    %c0_i32_0 = arith.constant 0 : i32
    %c0_i32_1 = arith.constant 0 : i32
    return %c0_i32, %c0_i32_0 : i32, i32
  }
  func.func @transform_4(%arg0: i32) -> (i32, i32) {
    %c0_i32 = arith.constant 0 : i32
    %c0_i32_0 = arith.constant 0 : i32
    %c0_i32_1 = arith.constant 0 : i32
    return %c0_i32, %c0_i32_0 : i32, i32
  }
  func.func @transform_5(%arg0: i32) -> (i32, i32) {
    %c0_i32 = arith.constant 0 : i32
    %c0_i32_0 = arith.constant 0 : i32
    return %c0_i32, %arg0 : i32, i32
  }
  func.func @transform_6(%arg0: i32) -> (i32, i32) {
    %c0_i32 = arith.constant 0 : i32
    %c0_i32_0 = arith.constant 0 : i32
    return %c0_i32, %arg0 : i32, i32
  }
  func.func @transform_7(%arg0: i32) -> (i32, i32) {
    %c0_i32 = arith.constant 0 : i32
    %c0_i32_0 = arith.constant 0 : i32
    return %c0_i32, %arg0 : i32, i32
  }
  func.func @transform_8(%arg0: i32) -> (i32, i32) {
    %c0_i32 = arith.constant 0 : i32
    %c0_i32_0 = arith.constant 0 : i32
    %c0_i32_1 = arith.constant 0 : i32
    return %c0_i32, %c0_i32_0 : i32, i32
  }
  func.func @transform_9(%arg0: i32) -> (i32, i32) {
    %c0_i32 = arith.constant 0 : i32
    %c0_i32_0 = arith.constant 0 : i32
    %c0_i32_1 = arith.constant 0 : i32
    return %c0_i32, %c0_i32_0 : i32, i32
  }
}

</mosaic_0001>

<sc_bundles>
// kernel: kernel.5.cloned.1.call-start
scs
__scs_entry_jumppad:
0x0: {  	(pc) =	sbr.rel $0x88, $3  }
0x1: {  	(tag) =	ssettag $0x0;
	lr =	simm.s32 $0x1  }
0x2: {  	[smem:$0x3F97] =	sst lr;
	_ =	strace $0xD0000000  }
0x3: {  	_ = 	snop  }
0x4: {  	_ = 	snop  }
0x5: {  	_ = 	snop  }
0x6: {  	_ = 	snop  }
0x7: {  	_ = 	snop  }
__scs_overlays_trampoline_lowered:
0x8: {  	[smem:$0x3FA6] =	sst s0  }
0x9: {  	[smem:$0x3FA7] =	sst s1  }
0xa: {  	[smem:$0x3FA8] =	sst s2  }
0xb: {  	[smem:$0x3FA9] =	sst s3  }
0xc: {  	[smem:$0x3FAA] =	sst s4  }
0xd: {  	[smem:$0x3FAB] =	sst s5  }
0xe: {  	[smem:$0x3FAC] =	sst s6  }
0xf: {  	[smem:$0x3FAD] =	sst s7  }
0x10: {  	[smem:$0x3FAE] =	sst s8  }
0x11: {  	[smem:$0x3FAF] =	sst s9;
	s0 =	simm.s32 @!p0 $0x0  }
0x12: {  	s1 =	sld [smem:$0x3F95];
	s0 =	simm.s32 @p0 $0x1  }
0x13: {  	[smem:$0x3FB0] =	sst s0;
	s0 =	simm.s32 @!p1 $0x0  }
0x14: {  	s2 =	sld [smem:$0x3F94];
	s0 =	simm.s32 @p1 $0x1  }
0x15: {  	[smem:$0x3FB1] =	sst s0;
	s0 =	simm.s32 @!p2 $0x0  }
0x16: {  	s3 =	sld [smem:$0x3FDB];
	s0 =	simm.s32 @p2 $0x1  }
0x17: {  	s4 =	simm.s32 $0x1BF5;
	[smem:$0x3FB3] =	sst s0  }
0x18: {  	s0 =	sld [smem:$0x3F96];
	_ =	swait.ge [sflag:s4], $0x0  }
0x19: {  	s7 =	sld [smem:$0x3F97]  }
0x1a: {  	s8 =	sadd.s32 $0xFFFFE003, lr  }
0x1b: {  	s9 =	sadd.s32 $0xFFFFFEF7, lr;
	s5 =	simm.s32 $0xFFFFFFFF;
	p2 =	slt.u32 s8, $0xFFFFF086  }
0x1c: {  	p1 =	slt.u32 s9, $0xF7A;
	s5 =	simm.s32 @!p2 $0x0  }
0x1d: {  	s5 =	simm.s32 @p1 $0x1;
	p0 =	seq.s32 s7, s2  }
0x1e: {  	s7 =	smul.u32 @!p0 $0xF7A, s2;
	p2 =	seq.s32 @!p0 s5, $0x0  }
0x1f: {  	s9 =	smul.u32 $0xF7A, s1;
	s8 =	simm.s32 @!p0 $0x1BF5;
	p2 =	por !p2, p0  }
0x20: {  	[sflag:s8] =	ssyncset.s32 @!p0 $0xFFFFF086;
	s6 =	sadd.s32 @!p0 s3, s7;
	s7 =	simm.s32 @!p0 $0x108  }
0x21: {  	s3 =	sadd.s32 s3, s9;
	s6 =	sadd.s32 @!p0 $0x88, s6;
	s7 =	simm.s32 @p2 $0x1082  }
0x22: {  	[simem:s7], [sflag:s8] =	dma.local @!p0 [hbm:s6], $0xF7A  }
0x23: {  	s9 =	sor.u32 $0xD0000000, s2;
	s6 =	simm.s32 $0x108;
	_ =	swait.ge @!p0 [sflag:s8], $0x0  }
0x24: {  	s3 =	sadd.s32 $0x88, s3;
	s6 =	simm.s32 @!p1 $0x1082;
	[sflag:s4] =	ssyncset.s32 $0xFFFFF086  }
0x25: {  	[simem:s6], [sflag:s4] =	dma.local [hbm:s3], $0xF7A  }
0x26: {  	[smem:$0x3F97] =	sst s1;
	(tag) =	ssettag s2;
	_ =	strace s9  }
0x27: {  	s1 =	sld [smem:$0x3FA7]  }
0x28: {  	s2 =	sld [smem:$0x3FA8]  }
0x29: {  	s4 =	sld [smem:$0x3FAA]  }
0x2a: {  	p0 =	seq.s32 s5, $0x0;
	s5 =	sld [smem:$0x3FAB]  }
0x2b: {  	s6 =	sld [smem:$0x3FAC]  }
0x2c: {  	s7 =	sld [smem:$0x3FAD]  }
0x2d: {  	s3 =	simm.s32 $0x108;
	s8 =	sld [smem:$0x3FAE]  }
0x2e: {  	s3 =	simm.s32 @!p0 $0x1082;
	s9 =	sld [smem:$0x3FAF]  }
0x2f: {  	lr =	sadd.s32 s0, s3;
	s0 =	sld [smem:$0x3FA6]  }
0x30: {  	s3 =	sld [smem:$0x3FA9]  }
0x31: {  	[smem:$0x3FB2] =	sst s10  }
0x32: {  	s10 =	sld [smem:$0x3FB0];
	_ =	sdelay $0x3  }
0x33: {  	p0 =	seq.s32 s10, $0x1;
	s10 =	sld [smem:$0x3FB2];
	_ =	sdelay $0x3  }
0x34: {  	[smem:$0x3FB2] =	sst s10  }
0x35: {  	s10 =	sld [smem:$0x3FB1];
	_ =	sdelay $0x3  }
0x36: {  	p1 =	seq.s32 s10, $0x1;
	s10 =	sld [smem:$0x3FB2];
	_ =	sdelay $0x3  }
0x37: {  	[smem:$0x3FB2] =	sst s10  }
0x38: {  	s10 =	sld [smem:$0x3FB3]  }
0x39: {  	_ = 	snop;
	(pc) =	sbr.ind lr, $3  }
0x3a: {  	_ = 	snop  }
0x3b: {  	_ = 	snop  }
0x3c: {  	p2 =	seq.s32 s10, $0x1;
	s10 =	sld [smem:$0x3FB2]  }
0x3d: {  	_ =	shalt  }
0x3e: {  	_ =	shalt  }
0x3f: {  	_ =	shalt  }
0x40: {  	_ =	shalt  }
0x41: {  	_ =	shalt  }
0x42: {  	_ =	shalt  }
0x43: {  	_ =	shalt  }
0x44: {  	_ =	shalt  }
0x45: {  	_ =	shalt  }
0x46: {  	_ =	shalt  }
0x47: {  	_ =	shalt  }
0x48: {  	_ =	shalt  }
0x49: {  	_ =	shalt  }
0x4a: {  	_ =	shalt  }
0x4b: {  	_ =	shalt  }
0x4c: {  	_ =	shalt  }
0x4d: {  	_ =	shalt  }
0x4e: {  	_ =	shalt  }
0x4f: {  	_ =	shalt  }
0x50: {  	_ =	shalt  }
0x51: {  	_ =	shalt  }
0x52: {  	_ =	shalt  }
0x53: {  	_ =	shalt  }
0x54: {  	_ =	shalt  }
0x55: {  	_ =	shalt  }
0x56: {  	_ =	shalt  }
0x57: {  	_ =	shalt  }
0x58: {  	_ =	shalt  }
0x59: {  	_ =	shalt  }
0x5a: {  	_ =	shalt  }
0x5b: {  	_ =	shalt  }
0x5c: {  	_ =	shalt  }
0x5d: {  	_ =	shalt  }
0x5e: {  	_ =	shalt  }
0x5f: {  	_ =	shalt  }
0x60: {  	_ =	shalt  }
0x61: {  	_ =	shalt  }
0x62: {  	_ =	shalt  }
0x63: {  	_ =	shalt  }
0x64: {  	_ =	shalt  }
0x65: {  	_ =	shalt  }
0x66: {  	_ =	shalt  }
0x67: {  	_ =	shalt  }
0x68: {  	_ =	shalt  }
0x69: {  	_ =	shalt  }
0x6a: {  	_ =	shalt  }
0x6b: {  	_ =	shalt  }
0x6c: {  	_ =	shalt  }
0x6d: {  	_ =	shalt  }
0x6e: {  	_ =	shalt  }
0x6f: {  	_ =	shalt  }
0x70: {  	_ =	shalt  }
0x71: {  	_ =	shalt  }
0x72: {  	_ =	shalt  }
0x73: {  	_ =	shalt  }
0x74: {  	_ =	shalt  }
0x75: {  	_ =	shalt  }
0x76: {  	_ =	shalt  }
0x77: {  	_ =	shalt  }
0x78: {  	_ =	shalt  }
0x79: {  	_ =	shalt  }
0x7a: {  	_ =	shalt  }
0x7b: {  	_ =	shalt  }
0x7c: {  	_ =	shalt  }
0x7d: {  	_ =	shalt  }
0x7e: {  	_ =	shalt  }
0x7f: {  	_ =	shalt  }
0x80: {  	_ =	shalt  }
0x81: {  	_ =	shalt  }
0x82: {  	_ =	shalt  }
0x83: {  	_ =	shalt  }
0x84: {  	_ =	shalt  }
0x85: {  	_ =	shalt  }
0x86: {  	_ =	shalt  }
0x87: {  	_ =	shalt  }
.Lfunc_end0:
.L_simem_size_0:
called_computation_lowered:
.L_overlay_start_0:
0x88: {  	s2 =	sld [smem:$0x3FD9]  }
0x89: {  	s3 =	sld [smem:$0x3FFE];
	_ =	sdelay $0x1  }
0x8a: {  	s1 =	srdreg.scid  }
0x8b: {  	s0 =	sand.u32 $0x1, s1  }
0x8c: {  	s14 =	sshll.u32 s0, $0xA;
	s2 =	sadd.s32 s3, s2  }
0x8d: {  	s2 =	sadd.s32 s2, s14  }
0x8e: {  	[smem:$0x3FBE] =	sst s2  }
0x8f: {  	_ = 	snop  }
0x90: {  	s2 =	sld [smem:$0x3FD0];
	_ =	sdelay $0x2  }
0x91: {  	s4 =	simm.s32 $0xA;
	s5 =	simm.s32 $0x10;
	s15 =	sld [smem:$0x3FC9]  }
0x92: {  	[smem:s5], [sflag:s4] =	dma.local [hbm:s2], $0x1  }
0x93: {  	_ =	swait.eq [sflag:s4], $0x1  }
0x94: {  	[sflag:s4] =	ssyncset.done $0x0  }
0x95: {  	s16 =	sld [smem:$0x11];
	[sflag:s4] =	ssyncadd.s32 $0xFFFFFFFF  }
0x96: {  	s17 =	sld [smem:$0x12];
	(tm) =	ssettm $0x1  }
0x97: {  	s18 =	sld [smem:$0x3FFB];
	_ =	sdelay $0x3  }
0x98: {  	_ =	strace s18  }
0x99: {  	s5 =	sld [smem:$0x3FFC];
	_ =	sdelay $0x3  }
0x9a: {  	_ =	strace s5  }
0x9b: {  	s5 =	sld [smem:$0x3FFD];
	_ =	sdelay $0x3  }
0x9c: {  	_ =	strace s5  }
0x9d: {  	_ =	strace $0x8FFFFFFF  }
0x9e: {  	s19 =	sld [smem:$0x3FDB];
	_ =	sdelay $0x1  }
0x9f: {  	s6 =	simm.s32 $_scs_section_size  }
0xa0: {  	s7 =	simm.s32 $_size__tile_overlayer_lowered;
	s8 =	simm.s32 $_tile_overlayer_lowered  }
0xa1: {  	s22 =	simm.s32 $0x1BFF;
	s21 =	sshll.u32 s8, $0x1;
	s5 =	sadd.s32 s6, s19  }
0xa2: {  	s9 =	simm.s32 $0x0;
	s20 =	sshll.u32 s7, $0x1;
	s7 =	sadd.s32 s21, s5  }
0xa3: {  	[timem:s9], [sflag:s22] =	dma.local [hbm:s7], s20  }
0xa4: {  	_ =	swait.ge [sflag:s22], s20  }
0xa5: {  	s6 =	ssub.s32 $0x0, s20;
	[sflag:s22] =	ssyncset.done $0x0  }
0xa6: {  	[sflag:s22] =	ssyncadd.s32 s6;
	_ =	sdelay $0x1  }
0xa7: {  	s23 =	simm.s32 $0x1B8B  }
0xa8: {  	_ =	swait.ge [sflag:s23], $0x1  }
0xa9: {  	[sflag:s23] =	ssyncset.done $0x0  }
0xaa: {  	s25 =	simm.s32 $0x1B8E;
	s24 =	sld [smem:$0x3FFE];
	[sflag:s23] =	ssyncadd.s32 $0xFFFFFFFF  }
0xab: {  	s26 =	simm.s32 $execute0_lowered;
	[smem:$0x3FD2] =	sst s25  }
0xac: {  	s7 =	sshll.u32 s26, $0x1;
	_ =	strace $0x80000046;
	[dreg:$0x1] =	wrdreg $0xFFFFFFFF  }
0xad: {  	s28 =	simm.s32 $_size_execute0_lowered;
	s5 =	sadd.s32 s5, s7;
	[dreg:$0x0] =	wrdreg $0x0  }
0xae: {  	s7 =	sshll.u32 s28, $0x1;
	[dreg:$0x2] =	wrdreg s5  }
0xaf: {  	[dreg:$0x3] =	wrdreg s7  }
0xb0: {  	[dreg:$0x4] =	wrdreg $0xC0  }
0xb1: {  	_ =	task [dreg:s9], $0x5FFFF  }
0xb2: {  	[dreg:$0x1] =	wrdreg $0xFFFFFFFF  }
0xb3: {  	[dreg:$0x0] =	wrdreg $0x60  }
0xb4: {  	[dreg:$0x2] =	wrdreg s24  }
0xb5: {  	[dreg:$0x3] =	wrdreg s15  }
0xb6: {  	[dreg:$0x4] =	wrdreg s16  }
0xb7: {  	[dreg:$0x5] =	wrdreg s17  }
0xb8: {  	[dreg:$0x6] =	wrdreg $0x9  }
0xb9: {  	_ =	task.clear_ibuf [dreg:s9], $0x7FFFF;
	_ =	strace $0x90000046  }
0xba: {  	s29 =	simm.s32 $0x9;
	_ =	strace $0x80000048  }
0xbb: {  	_ =	swait.ge [sflag:s29], $0x1  }
0xbc: {  	[sflag:s29] =	ssyncadd.s32 $0xFFFFFFFF  }
0xbd: {  	_ =	strace $0x90000048  }
0xbe: {  	_ =	sfence  }
0xbf: {  	s30 =	sld [smem:$0x0];
	_ =	sdelay $0x2  }
0xc0: {  	s31 =	sshll.u32 s1, $0xD;
	s1 =	sshrl.u32 s1, $0x2  }
0xc1: {  	s3 =	sand.u32 $0x4000, s31;
	s1 =	sadd.s32 s1, s30  }
0xc2: {  	s0 =	sor.u32 s3, s0;
	s1 =	sshll.u32 s1, $0x11  }
0xc3: {  	s0 =	sor.u32 s1, s0  }
0xc4: {  	s0 =	sadd.s32 $0x8F2B, s0  }
0xc5: {  	[sflag:s0] =	ssyncadd.remote.s32 $0x1  }
0xc6: {  	_ =	sfence.sel $0xFFFF  }
0xc7: {  	[dreg:$0x0] =	wrdreg $0xFFFFFFFF;
	(pc) =	sbr.abs _section_cstart, $3  }
0xc8: {  	[dreg:$0x1] =	wrdreg $0xFFFFFFFF  }
0xc9: {  	_ =	task.clear_ibuf [dreg:s9], $0x2FFFF;
	_ =	strace $0x9FFFFFFF  }
0xca: {  	(tm) =	ssettm $0x7FFFFFFF  }
0xcb: {  	_ =	shalt  }
tec
execute0_lowered:
.L_overlay_start_1:
0x0: {  	(tag) =	ssettag $0x1  }
0x1: {  	s0 =	rddreg [dreg:$0x0]  }
0x2: {  	s1 =	rddreg [dreg:$0x1]  }
0x3: {  	s5 =	rddreg [dreg:$0x2]  }
0x4: {  	s6 =	rddreg [dreg:$0x3];
	s3 =	simm.s32 $0x0;
	s4 =	srdreg.scid  }
0x5: {  	s2 =	stileid.u32;
	s10 =	simm.s32 $0x1;
	s12 =	simm.s32 $0x2  }
0x6: {  	s13 =	simm.s32 $0x4;
	s14 =	simm.s32 $0x3;
	s15 =	simm.s32 $0x1A080  }
0x7: {  	s16 =	simm.s32 $0x0;
	[smem:$0x7FF] =	sst s3;
	s4 =	sand.u32 $0x1, s4  }
0x8: {  	s8 =	sshll.u32 s2, $0x6;
	_ =	strace $0x80000047;
	s9 =	sshll.u32 s4, $0x5  }
0x9: {  	s7 =	ssub.s32 $0x2, s4;
	s4 =	sadd.s32 $0x800, s0;
	s8 =	sor.u32 s9, s8  }
0xa: {  	s30 =	sshrl.u32 s7, $0x1;
	s9 =	simm.s32 $0x5;
	s31 =	sshrl.u32 s8, $0x3  }
0xb: {  	s0 =	ssub.s32 s7, s30;
	s8 =	sshll.u32 s8, $0x4;
	s5 =	sadd.s32 s5, s31  }
0xc: {  	v0 =	vimm.f32 $0.0e+00;
	s6 =	sadd.s32 s6, s8;
	s7 =	smax.u32 s0, $0x1;
	s8 =	simm.s32 $0x18000  }
.LBB2_1:
0xd: {  	[tilespmem:s8], [sflag:$0x5] =	stream.linear.gather [hbm4b:s5+s3], $0x30, $0x38;
	[tilespmem:$0x1B080] =	vst v63  }
0xe: {  	_ =	swait.ge [sflag:s9], $0x30  }
0xf: {  	s0 =	sand.u32 $0x1800, s3;
	s17 =	sand.u32 $0x380, s3;
	[sflag:s9] =	ssyncset.done $0x0  }
0x10: {  	s17 =	sor.u32 s17, s0;
	[sflag:s9] =	ssyncadd.s32 $0xFFFFFFD0  }
0x11: {  	s0 =	sadd.s32 $0x18080, s17;
	[tilespmem:s17+$0x18080] =	vst v0  }
0x12: {  	[tilespmem:s0+$0x40] =	vst v0  }
0x13: {  	[tilespmem:s0+$0x50] =	vst v0  }
0x14: {  	[tilespmem:s0+$0x60] =	vst v0  }
0x15: {  	[tilespmem:s0+$0x70] =	vst v0  }
0x16: {  	[tilespmem:s0+$0x400] =	vst v0  }
0x17: {  	[tilespmem:s0+$0x410] =	vst v0  }
0x18: {  	[tilespmem:s0+$0x420] =	vst v0  }
0x19: {  	[tilespmem:s0+$0x430] =	vst v0  }
0x1a: {  	[tilespmem:s0+$0x440] =	vst v0  }
0x1b: {  	[tilespmem:s0+$0x450] =	vst v0  }
0x1c: {  	[tilespmem:s0+$0x460] =	vst v0  }
0x1d: {  	[tilespmem:s0+$0x10] =	vst v0  }
0x1e: {  	s18 =	simm.s32 $0x100;
	s17 =	simm.s32 $0x80;
	[tilespmem:s0+$0x20] =	vst v0  }
0x1f: {  	s19 =	sand.u32 $0x1800, s18;
	s18 =	simm.s32 $0x200;
	[tilespmem:s0+$0x30] =	vst v0;
	s20 =	sand.u32 $0x380, s17  }
.LBB2_2:
0x20: {  	p0 =	sne.s32 s18, $0x1F00;
	s19 =	sor.u32 s20, s19;
	[tilespmem:s0+$0x470] =	vst v0  }
0x21: {  	s0 =	sadd.s32 $0x18080, s19;
	[tilespmem:s19+$0x18080] =	vst v0  }
0x22: {  	[tilespmem:s0+$0x10] =	vst v0  }
0x23: {  	[tilespmem:s0+$0x20] =	vst v0  }
0x24: {  	[tilespmem:s0+$0x30] =	vst v0  }
0x25: {  	[tilespmem:s0+$0x40] =	vst v0  }
0x26: {  	[tilespmem:s0+$0x50] =	vst v0  }
0x27: {  	[tilespmem:s0+$0x60] =	vst v0  }
0x28: {  	[tilespmem:s0+$0x70] =	vst v0  }
0x29: {  	[tilespmem:s0+$0x400] =	vst v0  }
0x2a: {  	[tilespmem:s0+$0x410] =	vst v0  }
.Ltmp0:
0x2b: {  	[tilespmem:s0+$0x420] =	vst v0;
	(pc) =	sbr.rel @p0 .LBB2_2-.Ltmp0, $4  }
0x2c: {  	[tilespmem:s0+$0x430] =	vst v0  }
0x2d: {  	[tilespmem:s0+$0x440] =	vst v0  }
0x2e: {  	s17 =	sadd.s32 $0x80, s17;
	[tilespmem:s0+$0x450] =	vst v0  }
0x2f: {  	s19 =	sand.u32 $0x1800, s18;
	s20 =	sand.u32 $0x380, s17;
	s18 =	sadd.s32 $0x100, s18;
	[tilespmem:s0+$0x460] =	vst v0  }
0x30: {  	s17 =	sor.u32 s20, s19;
	[tilespmem:s0+$0x470] =	vst v0  }
0x31: {  	s24 =	sadd.s32 $0x18080, s17;
	[tilespmem:s17+$0x18080] =	vst v0  }
0x32: {  	[tilespmem:s24+$0x10] =	vst v0  }
0x33: {  	[tilespmem:s24+$0x20] =	vst v0  }
0x34: {  	[tilespmem:s24+$0x30] =	vst v0  }
0x35: {  	[tilespmem:s24+$0x40] =	vst v0  }
0x36: {  	[tilespmem:s24+$0x50] =	vst v0  }
0x37: {  	[tilespmem:s24+$0x60] =	vst v0  }
0x38: {  	[tilespmem:s24+$0x70] =	vst v0  }
0x39: {  	[tilespmem:s24+$0x400] =	vst v0  }
0x3a: {  	[tilespmem:s24+$0x410] =	vst v0  }
0x3b: {  	[tilespmem:s24+$0x420] =	vst v0  }
0x3c: {  	[tilespmem:s24+$0x430] =	vst v0  }
0x3d: {  	[tilespmem:s24+$0x440] =	vst v0  }
0x3e: {  	[tilespmem:s24+$0x450] =	vst v0  }
0x3f: {  	[tilespmem:s24+$0x460] =	vst v0  }
0x40: {  	[tilespmem:s24+$0x470] =	vst v0  }
0x41: {  	v1 =	vld [tilespmem:$0x18000];
	_ =	sdelay $0x4  }
0x42: {  	(v2sf) =	vpush v1, $0x0;
	_ =	sdelay $0x1  }
0x43: {  	v1 =	vld [tilespmem:$0x18020];
	_ =	sdelay $0x4  }
0x44: {  	(v2sf) =	vpush v1, $0x0;
	_ =	sdelay $0x7  }
0x45: {  	s25 =	spop (v2sf)  }
0x46: {  	s26 =	sand.u32 $0xF, s25  }
0x47: {  	s18 =	sshra.s32 s25, $0x1F;
	p0 =	slt.s32 s25, $0x1;
	p1 =	sne.s32 s26, $0x0  }
0x48: {  	s28 =	sshrl.u32 s18, $0x1C;
	p0 =	por !p0, !p1  }
0x49: {  	s17 =	simm.s32 $0x1;
	s0 =	sadd.s32 s28, s25;
	p0 =	por !p0, !p0  }
0x4a: {  	s0 =	sshrl.u32 s0, $0x4;
	s17 =	simm.s32 @!p0 $0x0  }
0x4b: {  	s0 =	ssub.s32 s0, s17  }
0x4c: {  	s29 =	spop (v2sf);
	s17 =	sshll.u32 s0, $0x4  }
0x4d: {  	s0 =	ssub.s32 s29, s17  }
0x4e: {  	s18 =	sadd.s32 $0xBF, s0  }
0x4f: {  	s30 =	smulhi.u32 $0x2AAAAAAB, s18;
	s31 =	sshra.s32 s18, $0x1F  }
0x50: {  	s20 =	smul.u32 $0x2AAAAAAB, s31;
	_ =	sdelay $0x1  }
0x51: {  	s19 =	sadd.s32 s20, s30  }
0x52: {  	s20 =	sshrl.u32 s19, $0x1F;
	s19 =	sshra.s32 s19, $0x5  }
0x53: {  	s19 =	sadd.s32 s20, s19  }
0x54: {  	s20 =	smul.u32 $0xFFFFFF40, s19  }
0x55: {  	s0 =	ssub.s32 $0xFFFFFF41, s0  }
0x56: {  	p5 =	slt.s32 s18, $0x1;
	p6 =	sne.s32 s20, s0  }
0x57: {  	p0 =	por !p5, !p6  }
0x58: {  	s0 =	simm.s32 $0x1;
	p0 =	por !p0, !p0  }
0x59: {  	s0 =	simm.s32 @!p0 $0x0  }
0x5a: {  	s18 =	ssub.s32 s19, s0  }
0x5b: {  	p0 =	slt.s32 s18, $0x1  }
.Ltmp1:
0x5c: {  	_ = 	snop;
	(pc) =	sbr.rel @p0 .LBB2_19-.Ltmp1, $1  }
0x5d: {  	_ =	sdelay $0x3  }
0x5e: {  	p0 =	slt.s32 s17, $0x185E0;
	s0 =	smov.u32 s17  }
0x5f: {  	s0 =	simm.s32 @!p0 $0x185E0  }
0x60: {  	s19 =	sshll.u32 s0, $0x4  }
.Ltmp2:
0x61: {  	s0 =	simm.s32 $0x0;
	s20 =	sadd.s32 s4, s19;
	(pc) =	sbr.rel .LBB2_5-.Ltmp2, $4  }
0x62: {  	[tilespmem:s0], [sflag:$0x1] =	stream.linear.gather [hbm4b:s20+s0], $0x6000, $0x38;
	[tilespmem:$0x1B080] =	vst v63  }
0x63: {  	s2 =	simm.s32 $0xC000;
	s19 =	sadd.s32 s1, s19  }
0x64: {  	[tilespmem:s2], [sflag:$0x3] =	stream.linear.gather [hbm4b:s19+s0], $0x6000, $0x38;
	[tilespmem:$0x1B080] =	vst v63  }
0x65: {  	s19 =	smov.u32 s17  }
.LBB2_18:
0x66: {  	p0 =	sne.s32 s20, s18  }
.Ltmp3:
0x67: {  	_ = 	snop;
	(pc) =	sbr.rel @!p0 .LBB2_19-.Ltmp3, $2  }
0x68: {  	_ =	sdelay $0x2  }
0x69: {  	s19 =	sadd.s32 $0xC0, s19;
	s0 =	smov.u32 s20  }
.LBB2_5:
0x6a: {  	s22 =	sand.u32 $0x1, s0  }
0x6b: {  	p1 =	seq.s32 s22, $0x1  }
.Ltmp4:
0x6c: {  	_ = 	snop;
	(pc) =	sbr.rel @!p1 .LBB2_6-.Ltmp4, $4  }
0x6d: {  	p0 =	slt.s32 s19, $0x185E0;
	s21 =	smov.u32 s19  }
0x6e: {  	s20 =	sadd.s32 $0x1, s0;
	s21 =	simm.s32 @!p0 $0x185E0  }
0x6f: {  	p0 =	sge.s32 s20, s18;
	s21 =	sshll.u32 s21, $0x9  }
0x70: {  	s23 =	ssub.s32 $0x0, s21;
	s21 =	smul.u32 @!p0 $0xC0, s20  }
0x71: {  	_ = 	snop  }
0x72: {  	_ =	swait.ge [sflag:s12], $0x6000;
	s2 =	sadd.s32 @!p0 s17, s21  }
0x73: {  	[sflag:s12] =	ssyncset.done $0x0;
	p1 =	slt.s32 @!p0 s2, $0x185E0  }
0x74: {  	[sflag:s12] =	ssyncadd.s32 $0xFFFFA000;
	p1 =	por !p1, p0  }
0x75: {  	_ =	swait.ge [sflag:s13], $0x6000;
	s2 =	simm.s32 @p1 $0x185E0  }
0x76: {  	[sflag:s13] =	ssyncset.done $0x0;
	s2 =	sshll.u32 @!p0 s2, $0x4  }
0x77: {  	s22 =	simm.s32 @!p0 $0x0;
	[sflag:s13] =	ssyncadd.s32 $0xFFFFA000;
	s21 =	sadd.s32 @!p0 s4, s2  }
0x78: {  	[tilespmem:s22], [sflag:$0x1] =	stream.linear.gather @!p0 [hbm4b:s21+s22], $0x6000, $0x38;
	[tilespmem:$0x1B080] =	vst v63  }
0x79: {  	s0 =	smul.u32 $0xC0, s0;
	s2 =	sadd.s32 @!p0 s1, s2;
	s21 =	simm.s32 @!p0 $0xC000  }
0x7a: {  	[tilespmem:s21], [sflag:$0x3] =	stream.linear.gather @!p0 [hbm4b:s2+s22], $0x6000, $0x38;
	[tilespmem:$0x1B080] =	vst v63  }
.Ltmp5:
0x7b: {  	_ = 	snop;
	(pc) =	sbr.rel .LBB2_13-.Ltmp5, $4  }
0x7c: {  	s21 =	sadd.s32 s17, s0  }
0x7d: {  	p0 =	slt.s32 s21, $0x185E0;
	s0 =	smov.u32 s21  }
0x7e: {  	s31 =	sshra.s32 s23, $0x2;
	s25 =	simm.s32 $0x0;
	s0 =	simm.s32 @!p0 $0x185E0  }
0x7f: {  	s23 =	sadd.s32 $0x6040, s31;
	s24 =	sadd.s32 $0x12040, s31;
	s22 =	sadd.s32 $0xC0, s0  }
.LBB2_16:
0x80: {  	[tilespmem:s26+$0x40] =	vst v18  }
0x81: {  	[tilespmem:s26+$0x50] =	vst v19  }
0x82: {  	[tilespmem:s26+$0x60] =	vst v20  }
0x83: {  	v7 =	vadd.f32 v26, v7;
	[tilespmem:s26+$0x70] =	vst v10  }
0x84: {  	v6 =	vadd.f32 v28, v6;
	[tilespmem:s26+$0x470] =	vst v9  }
0x85: {  	v5 =	vadd.f32 v27, v5;
	[tilespmem:s29+$0x18080] =	vst v7  }
0x86: {  	[tilespmem:s26+$0x410] =	vst v6  }
0x87: {  	v59 =	vmul.f32 v21, v26;
	[tilespmem:s26+$0x420] =	vst v5  }
0x88: {  	v60 =	vmul.f32 v25, v14;
	[tilespmem:s26+$0x10] =	vst v15  }
0x89: {  	v61 =	vmul.f32 v24, v13;
	v7 =	vadd.f32 v59, v8;
	[tilespmem:s26+$0x20] =	vst v16  }
0x8a: {  	v62 =	vmul.f32 v23, v12;
	v3 =	vadd.f32 v60, v3;
	[tilespmem:s26+$0x30] =	vst v17  }
0x8b: {  	v63 =	vmul.f32 v22, v11;
	v4 =	vadd.f32 v61, v4;
	[tilespmem:s26+$0x400] =	vst v7  }
0x8c: {  	v1 =	vadd.f32 v62, v1;
	[tilespmem:s26+$0x430] =	vst v3  }
0x8d: {  	v2 =	vadd.f32 v63, v2;
	[tilespmem:s26+$0x440] =	vst v4  }
0x8e: {  	[tilespmem:s26+$0x450] =	vst v1  }
0x8f: {  	[tilespmem:s26+$0x460] =	vst v2  }
.LBB2_17:
0x90: {  	s25 =	sadd.s32 $0x1, s25  }
0x91: {  	p0 =	sne.s32 s25, $0x20  }
.Ltmp6:
0x92: {  	_ = 	snop;
	(pc) =	sbr.rel @!p0 .LBB2_18-.Ltmp6, $1  }
0x93: {  	_ =	sdelay $0x3  }
.LBB2_13:
0x94: {  	v1 =	vld [tilespmem:s25+$0x18000]  }
0x95: {  	v2 =	vld [tilespmem:s25+$0x18001];
	_ =	sdelay $0x3  }
0x96: {  	(v2sf) =	vpush v1, $0x0  }
0x97: {  	(v2sf) =	vpush v2, $0x0;
	_ =	sdelay $0xd  }
0x98: {  	s30 =	spop (v2sf)  }
0x99: {  	s0 =	smov.u32 s21;
	s2 =	spop (v2sf)  }
0x9a: {  	s28 =	smov.u32 s22;
	p0 =	sgt.s32 s30, s21;
	p1 =	slt.s32 s2, s22  }
0x9b: {  	s0 =	smov.u32 @p0 s30;
	s28 =	smov.u32 @p1 s2  }
0x9c: {  	p0 =	sle.s32 s28, s0  }
.Ltmp7:
0x9d: {  	_ = 	snop;
	(pc) =	sbr.rel @p0 .LBB2_17-.Ltmp7, $1  }
0x9e: {  	_ =	sdelay $0x3  }
0x9f: {  	s2 =	sshll.u32 s25, $0x8;
	s26 =	sshll.u32 s25, $0x7  }
0xa0: {  	s2 =	sand.u32 $0x1800, s2;
	s26 =	sand.u32 $0x380, s26  }
0xa1: {  	s29 =	sor.u32 s26, s2  }
0xa2: {  	s26 =	sadd.s32 $0x18080, s29;
	v7 =	vld [tilespmem:s29+$0x18080]  }
0xa3: {  	v9 =	vld [tilespmem:s26+$0x10]  }
0xa4: {  	v16 =	vld [tilespmem:s26+$0x20]  }
0xa5: {  	v17 =	vld [tilespmem:s26+$0x30]  }
0xa6: {  	v18 =	vld [tilespmem:s26+$0x40]  }
0xa7: {  	v19 =	vld [tilespmem:s26+$0x50]  }
0xa8: {  	v20 =	vld [tilespmem:s26+$0x60]  }
0xa9: {  	v10 =	vld [tilespmem:s26+$0x70]  }
0xaa: {  	v8 =	vld [tilespmem:s26+$0x400]  }
0xab: {  	v6 =	vld [tilespmem:s26+$0x410]  }
0xac: {  	v5 =	vld [tilespmem:s26+$0x420]  }
0xad: {  	p0 =	sgt.s32 s30, s19;
	s2 =	smov.u32 s19;
	v3 =	vld [tilespmem:s26+$0x430]  }
0xae: {  	s2 =	smov.u32 @p0 s30;
	v4 =	vld [tilespmem:s26+$0x440]  }
0xaf: {  	v1 =	vld [tilespmem:s26+$0x450];
	s2 =	sshll.u32 s2, $0x9  }
0xb0: {  	v2 =	vld [tilespmem:s26+$0x460];
	s2 =	sshra.s32 s2, $0x2  }
0xb1: {  	v22 =	vld [tilespmem:s26+$0x470];
	s11 =	sadd.s32 s2, s23  }
0xb2: {  	s30 =	sadd.s32 s2, s24;
	v15 =	vld [tilespmem:s11+$0x30]  }
0xb3: {  	v23 =	vld [tilespmem:s30+$0x30]  }
0xb4: {  	v26 =	vld [tilespmem:s11+$0xFFFFFFD0]  }
0xb5: {  	v27 =	vld [tilespmem:s11+$0xFFFFFFE0]  }
0xb6: {  	v14 =	vld [tilespmem:s11+$0xFFFFFFF0]  }
0xb7: {  	v13 =	vld [tilespmem:s11+$0x0]  }
0xb8: {  	v12 =	vld [tilespmem:s11+$0x10]  }
0xb9: {  	v28 =	vld [tilespmem:s30+$0xFFFFFFD0]  }
0xba: {  	v11 =	vld [tilespmem:s11+$0x20]  }
0xbb: {  	s31 =	sadd.s32 $0x1, s0;
	v29 =	vld [tilespmem:s30+$0xFFFFFFE0]  }
0xbc: {  	p0 =	slt.s32 s31, s28;
	v25 =	vld [tilespmem:s30+$0xFFFFFFF0]  }
.Ltmp8:
0xbd: {  	v24 =	vld [tilespmem:s30+$0x0];
	v23 =	vmul.f32 v23, v15;
	(pc) =	sbr.rel @!p0 .LBB2_16-.Ltmp8, $4  }
0xbe: {  	v10 =	vadd.f32 v15, v10;
	v15 =	vadd.f32 v26, v9;
	v28 =	vmul.f32 v28, v26;
	v26 =	vld [tilespmem:s11+$0xFFFFFFC0]  }
0xbf: {  	v16 =	vadd.f32 v27, v16;
	v9 =	vadd.f32 v23, v22;
	v23 =	vld [tilespmem:s30+$0x10]  }
0xc0: {  	v17 =	vadd.f32 v14, v17;
	v18 =	vadd.f32 v13, v18;
	v22 =	vld [tilespmem:s30+$0x20]  }
0xc1: {  	v21 =	vld [tilespmem:s30+$0xFFFFFFC0];
	s0 =	sadd.s32 $0x80, s11;
	v19 =	vadd.f32 v12, v19;
	v20 =	vadd.f32 v11, v20;
	v27 =	vmul.f32 v29, v27  }
.LBB2_15:
0xc2: {  	v29 =	vld [tilespmem:s0+$0x30];
	v6 =	vadd.f32 v28, v6;
	v14 =	vmul.f32 v25, v14;
	s30 =	sadd.s32 $0x80, s30  }
0xc3: {  	s31 =	sadd.s32 $0x1, s31;
	v5 =	vadd.f32 v27, v5;
	v13 =	vmul.f32 v24, v13;
	v25 =	vld [tilespmem:s30+$0x30]  }
0xc4: {  	v12 =	vmul.f32 v23, v12;
	p0 =	slt.s32 s31, s28;
	v27 =	vld [tilespmem:s0+$0xFFFFFFD0];
	v3 =	vadd.f32 v14, v3  }
0xc5: {  	v11 =	vmul.f32 v22, v11;
	v4 =	vadd.f32 v13, v4;
	v30 =	vld [tilespmem:s0+$0xFFFFFFE0]  }
0xc6: {  	v7 =	vadd.f32 v26, v7;
	v21 =	vmul.f32 v21, v26;
	v1 =	vadd.f32 v12, v1;
	v14 =	vld [tilespmem:s0+$0xFFFFFFF0]  }
0xc7: {  	v2 =	vadd.f32 v11, v2;
	v13 =	vld [tilespmem:s0+$0x0];
	v10 =	vadd.f32 v29, v10  }
0xc8: {  	v8 =	vadd.f32 v21, v8;
	v12 =	vld [tilespmem:s0+$0x10];
	v22 =	vmul.f32 v25, v29  }
0xc9: {  	v11 =	vld [tilespmem:s0+$0x20];
	v15 =	vadd.f32 v27, v15  }
0xca: {  	v21 =	vld [tilespmem:s30+$0xFFFFFFC0];
	v16 =	vadd.f32 v30, v16;
	v9 =	vadd.f32 v22, v9  }
0xcb: {  	v26 =	vld [tilespmem:s30+$0xFFFFFFD0];
	v17 =	vadd.f32 v14, v17  }
0xcc: {  	v29 =	vld [tilespmem:s30+$0xFFFFFFE0];
	v18 =	vadd.f32 v13, v18  }
.Ltmp9:
0xcd: {  	v25 =	vld [tilespmem:s30+$0xFFFFFFF0];
	v19 =	vadd.f32 v12, v19;
	(pc) =	sbr.rel @p0 .LBB2_15-.Ltmp9, $4  }
0xce: {  	v24 =	vld [tilespmem:s30+$0x0];
	v20 =	vadd.f32 v11, v20  }
0xcf: {  	v23 =	vld [tilespmem:s30+$0x10]  }
0xd0: {  	v22 =	vld [tilespmem:s30+$0x20];
	v28 =	vmul.f32 v26, v27  }
0xd1: {  	v26 =	vld [tilespmem:s0+$0xFFFFFFC0];
	v27 =	vmul.f32 v29, v30;
	s0 =	sadd.s32 $0x80, s0  }
.Ltmp10:
0xd2: {  	_ = 	snop;
	(pc) =	sbr.rel .LBB2_16-.Ltmp10, $1  }
0xd3: {  	_ =	sdelay $0x3  }
.LBB2_6:
0xd4: {  	_ = 	snop  }
0xd5: {  	_ =	swait.ge [sflag:s10], $0x6000;
	s21 =	sadd.s32 @!p0 s17, s21  }
0xd6: {  	[sflag:s10] =	ssyncset.done $0x0;
	p1 =	slt.s32 @!p0 s21, $0x185E0  }
0xd7: {  	[sflag:s10] =	ssyncadd.s32 $0xFFFFA000;
	p1 =	por !p1, p0  }
0xd8: {  	_ =	swait.ge [sflag:s14], $0x6000;
	s21 =	simm.s32 @p1 $0x185E0  }
0xd9: {  	s24 =	simm.s32 @!p0 $0x0;
	[sflag:s14] =	ssyncset.done $0x0;
	s21 =	sshll.u32 @!p0 s21, $0x4  }
0xda: {  	s25 =	simm.s32 @!p0 $0x6000;
	[sflag:s14] =	ssyncadd.s32 $0xFFFFA000;
	s22 =	sadd.s32 @!p0 s4, s21  }
0xdb: {  	[tilespmem:s25], [sflag:$0x2] =	stream.linear.gather @!p0 [hbm4b:s22+s24], $0x6000, $0x38;
	[tilespmem:$0x1B080] =	vst v63  }
0xdc: {  	s0 =	smul.u32 $0xC0, s0;
	s21 =	sadd.s32 @!p0 s1, s21;
	s22 =	simm.s32 @!p0 $0x12000  }
0xdd: {  	[tilespmem:s22], [sflag:$0x4] =	stream.linear.gather @!p0 [hbm4b:s21+s24], $0x6000, $0x38;
	[tilespmem:$0x1B080] =	vst v63  }
.Ltmp11:
0xde: {  	_ = 	snop;
	(pc) =	sbr.rel .LBB2_7-.Ltmp11, $4  }
0xdf: {  	s21 =	sadd.s32 s17, s0  }
0xe0: {  	s31 =	sshra.s32 s23, $0x2;
	p0 =	slt.s32 s21, $0x185E0;
	s0 =	smov.u32 s21  }
0xe1: {  	s23 =	sadd.s32 $0x40, s31;
	s0 =	simm.s32 @!p0 $0x185E0  }
0xe2: {  	s25 =	simm.s32 $0x0;
	s24 =	sadd.s32 $0xC040, s31;
	s22 =	sadd.s32 $0xC0, s0  }
.LBB2_10:
0xe3: {  	[tilespmem:s26+$0x40] =	vst v18  }
0xe4: {  	[tilespmem:s26+$0x50] =	vst v19  }
0xe5: {  	[tilespmem:s26+$0x60] =	vst v20  }
0xe6: {  	v7 =	vadd.f32 v26, v7;
	[tilespmem:s26+$0x70] =	vst v10  }
0xe7: {  	v6 =	vadd.f32 v28, v6;
	[tilespmem:s26+$0x470] =	vst v9  }
0xe8: {  	v5 =	vadd.f32 v27, v5;
	[tilespmem:s29+$0x18080] =	vst v7  }
0xe9: {  	[tilespmem:s26+$0x410] =	vst v6  }
0xea: {  	v59 =	vmul.f32 v21, v26;
	[tilespmem:s26+$0x420] =	vst v5  }
0xeb: {  	v60 =	vmul.f32 v25, v14;
	[tilespmem:s26+$0x10] =	vst v15  }
0xec: {  	v61 =	vmul.f32 v24, v13;
	v7 =	vadd.f32 v59, v8;
	[tilespmem:s26+$0x20] =	vst v16  }
0xed: {  	v62 =	vmul.f32 v23, v12;
	v3 =	vadd.f32 v60, v3;
	[tilespmem:s26+$0x30] =	vst v17  }
0xee: {  	v63 =	vmul.f32 v22, v11;
	v4 =	vadd.f32 v61, v4;
	[tilespmem:s26+$0x400] =	vst v7  }
0xef: {  	v1 =	vadd.f32 v62, v1;
	[tilespmem:s26+$0x430] =	vst v3  }
0xf0: {  	v2 =	vadd.f32 v63, v2;
	[tilespmem:s26+$0x440] =	vst v4  }
0xf1: {  	[tilespmem:s26+$0x450] =	vst v1  }
0xf2: {  	[tilespmem:s26+$0x460] =	vst v2  }
.LBB2_11:
0xf3: {  	s25 =	sadd.s32 $0x1, s25  }
0xf4: {  	p0 =	seq.s32 s25, $0x20  }
.Ltmp12:
0xf5: {  	_ = 	snop;
	(pc) =	sbr.rel @p0 .LBB2_18-.Ltmp12, $1  }
0xf6: {  	_ =	sdelay $0x3  }
.LBB2_7:
0xf7: {  	v1 =	vld [tilespmem:s25+$0x18000]  }
0xf8: {  	v2 =	vld [tilespmem:s25+$0x18001];
	_ =	sdelay $0x3  }
0xf9: {  	(v2sf) =	vpush v1, $0x0  }
0xfa: {  	(v2sf) =	vpush v2, $0x0;
	_ =	sdelay $0xd  }
0xfb: {  	s30 =	spop (v2sf)  }
0xfc: {  	s0 =	smov.u32 s21;
	s26 =	spop (v2sf)  }
0xfd: {  	s28 =	smov.u32 s22;
	p0 =	sgt.s32 s30, s21;
	p1 =	slt.s32 s26, s22  }
0xfe: {  	s0 =	smov.u32 @p0 s30;
	s28 =	smov.u32 @p1 s26  }
0xff: {  	p0 =	sle.s32 s28, s0  }
.Ltmp13:
0x100: {  	_ = 	snop;
	(pc) =	sbr.rel @p0 .LBB2_11-.Ltmp13, $1  }
0x101: {  	_ =	sdelay $0x3  }
0x102: {  	s26 =	sshll.u32 s25, $0x8;
	s29 =	sshll.u32 s25, $0x7  }
0x103: {  	s26 =	sand.u32 $0x1800, s26;
	s29 =	sand.u32 $0x380, s29  }
0x104: {  	s29 =	sor.u32 s29, s26  }
0x105: {  	s26 =	sadd.s32 $0x18080, s29;
	v7 =	vld [tilespmem:s29+$0x18080]  }
0x106: {  	v9 =	vld [tilespmem:s26+$0x10]  }
0x107: {  	v16 =	vld [tilespmem:s26+$0x20]  }
0x108: {  	v17 =	vld [tilespmem:s26+$0x30]  }
0x109: {  	v18 =	vld [tilespmem:s26+$0x40]  }
0x10a: {  	v19 =	vld [tilespmem:s26+$0x50]  }
0x10b: {  	v20 =	vld [tilespmem:s26+$0x60]  }
0x10c: {  	v10 =	vld [tilespmem:s26+$0x70]  }
0x10d: {  	v8 =	vld [tilespmem:s26+$0x400]  }
0x10e: {  	v6 =	vld [tilespmem:s26+$0x410]  }
0x10f: {  	v5 =	vld [tilespmem:s26+$0x420]  }
0x110: {  	p0 =	sgt.s32 s30, s19;
	s31 =	smov.u32 s19;
	v3 =	vld [tilespmem:s26+$0x430]  }
0x111: {  	s31 =	smov.u32 @p0 s30;
	v4 =	vld [tilespmem:s26+$0x440]  }
0x112: {  	s30 =	sshll.u32 s31, $0x9;
	v1 =	vld [tilespmem:s26+$0x450]  }
0x113: {  	s30 =	sshra.s32 s30, $0x2;
	v2 =	vld [tilespmem:s26+$0x460]  }
0x114: {  	v22 =	vld [tilespmem:s26+$0x470];
	s2 =	sadd.s32 s30, s23  }
0x115: {  	s30 =	sadd.s32 s30, s24;
	v15 =	vld [tilespmem:s2+$0x30]  }
0x116: {  	v23 =	vld [tilespmem:s30+$0x30]  }
0x117: {  	v26 =	vld [tilespmem:s2+$0xFFFFFFD0]  }
0x118: {  	v27 =	vld [tilespmem:s2+$0xFFFFFFE0]  }
0x119: {  	v14 =	vld [tilespmem:s2+$0xFFFFFFF0]  }
0x11a: {  	v13 =	vld [tilespmem:s2+$0x0]  }
0x11b: {  	v12 =	vld [tilespmem:s2+$0x10]  }
0x11c: {  	v28 =	vld [tilespmem:s30+$0xFFFFFFD0]  }
0x11d: {  	v11 =	vld [tilespmem:s2+$0x20]  }
0x11e: {  	s31 =	sadd.s32 $0x1, s0;
	v29 =	vld [tilespmem:s30+$0xFFFFFFE0]  }
0x11f: {  	p0 =	slt.s32 s31, s28;
	v25 =	vld [tilespmem:s30+$0xFFFFFFF0]  }
.Ltmp14:
0x120: {  	v24 =	vld [tilespmem:s30+$0x0];
	v23 =	vmul.f32 v23, v15;
	(pc) =	sbr.rel @!p0 .LBB2_10-.Ltmp14, $4  }
0x121: {  	v10 =	vadd.f32 v15, v10;
	v15 =	vadd.f32 v26, v9;
	v28 =	vmul.f32 v28, v26;
	v26 =	vld [tilespmem:s2+$0xFFFFFFC0]  }
0x122: {  	v16 =	vadd.f32 v27, v16;
	v9 =	vadd.f32 v23, v22;
	v23 =	vld [tilespmem:s30+$0x10]  }
0x123: {  	v17 =	vadd.f32 v14, v17;
	v18 =	vadd.f32 v13, v18;
	v22 =	vld [tilespmem:s30+$0x20]  }
0x124: {  	v21 =	vld [tilespmem:s30+$0xFFFFFFC0];
	s0 =	sadd.s32 $0x80, s2;
	v19 =	vadd.f32 v12, v19;
	v20 =	vadd.f32 v11, v20;
	v27 =	vmul.f32 v29, v27  }
.LBB2_9:
0x125: {  	v29 =	vld [tilespmem:s0+$0x30];
	v6 =	vadd.f32 v28, v6;
	v14 =	vmul.f32 v25, v14;
	s30 =	sadd.s32 $0x80, s30  }
0x126: {  	s31 =	sadd.s32 $0x1, s31;
	v5 =	vadd.f32 v27, v5;
	v13 =	vmul.f32 v24, v13;
	v25 =	vld [tilespmem:s30+$0x30]  }
0x127: {  	v12 =	vmul.f32 v23, v12;
	p0 =	slt.s32 s31, s28;
	v27 =	vld [tilespmem:s0+$0xFFFFFFD0];
	v3 =	vadd.f32 v14, v3  }
0x128: {  	v11 =	vmul.f32 v22, v11;
	v4 =	vadd.f32 v13, v4;
	v30 =	vld [tilespmem:s0+$0xFFFFFFE0]  }
0x129: {  	v7 =	vadd.f32 v26, v7;
	v21 =	vmul.f32 v21, v26;
	v1 =	vadd.f32 v12, v1;
	v14 =	vld [tilespmem:s0+$0xFFFFFFF0]  }
0x12a: {  	v2 =	vadd.f32 v11, v2;
	v13 =	vld [tilespmem:s0+$0x0];
	v10 =	vadd.f32 v29, v10  }
0x12b: {  	v8 =	vadd.f32 v21, v8;
	v12 =	vld [tilespmem:s0+$0x10];
	v22 =	vmul.f32 v25, v29  }
0x12c: {  	v11 =	vld [tilespmem:s0+$0x20];
	v15 =	vadd.f32 v27, v15  }
0x12d: {  	v21 =	vld [tilespmem:s30+$0xFFFFFFC0];
	v16 =	vadd.f32 v30, v16;
	v9 =	vadd.f32 v22, v9  }
0x12e: {  	v26 =	vld [tilespmem:s30+$0xFFFFFFD0];
	v17 =	vadd.f32 v14, v17  }
0x12f: {  	v29 =	vld [tilespmem:s30+$0xFFFFFFE0];
	v18 =	vadd.f32 v13, v18  }
.Ltmp15:
0x130: {  	v25 =	vld [tilespmem:s30+$0xFFFFFFF0];
	v19 =	vadd.f32 v12, v19;
	(pc) =	sbr.rel @p0 .LBB2_9-.Ltmp15, $4  }
0x131: {  	v24 =	vld [tilespmem:s30+$0x0];
	v20 =	vadd.f32 v11, v20  }
0x132: {  	v23 =	vld [tilespmem:s30+$0x10]  }
0x133: {  	v22 =	vld [tilespmem:s30+$0x20];
	v28 =	vmul.f32 v26, v27  }
0x134: {  	v26 =	vld [tilespmem:s0+$0xFFFFFFC0];
	v27 =	vmul.f32 v29, v30;
	s0 =	sadd.s32 $0x80, s0  }
.Ltmp16:
0x135: {  	_ = 	snop;
	(pc) =	sbr.rel .LBB2_10-.Ltmp16, $1  }
0x136: {  	_ =	sdelay $0x3  }
.LBB2_19:
0x137: {  	s0 =	simm.s32 $0x0  }
0x138: {  	s2 =	sand.u32 $0x1800, s0;
	s0 =	sand.u32 $0x380, s0  }
0x139: {  	s0 =	sor.u32 s0, s2  }
0x13a: {  	v1 =	vld [tilespmem:s0+$0x18080];
	_ =	sdelay $0x4  }
0x13b: {  	v1 =	vmax.f32 v1, $9.999999960e-13  }
0x13c: {  	(erf) = vrcp.f32 v1;
	_ =	sdelay $0x3  }
0x13d: {  	s0 =	sadd.s32 $0x18080, s0  }
0x13e: {  	v1 =	vld [tilespmem:s0+$0x400];
	_ =	sdelay $0x3  }
0x13f: {  	v2 =	vpop (erf)  }
0x140: {  	v1 =	vmul.f32 v2, v1  }
0x141: {  	s17 =	simm.s32 $0x1A0C0  }
0x142: {  	[tilespmem:s17+$0xFFFFFFC0] =	vst v1  }
0x143: {  	v1 =	vld [tilespmem:s0+$0x10];
	_ =	sdelay $0x4  }
0x144: {  	v1 =	vmax.f32 v1, $9.999999960e-13  }
0x145: {  	(erf) = vrcp.f32 v1;
	_ =	sdelay $0x4  }
0x146: {  	v1 =	vld [tilespmem:s0+$0x410];
	_ =	sdelay $0x3  }
0x147: {  	v2 =	vpop (erf)  }
0x148: {  	v1 =	vmul.f32 v2, v1;
	_ =	sdelay $0x1  }
0x149: {  	[tilespmem:s17+$0xFFFFFFD0] =	vst v1  }
0x14a: {  	v1 =	vld [tilespmem:s0+$0x20];
	_ =	sdelay $0x4  }
0x14b: {  	v1 =	vmax.f32 v1, $9.999999960e-13  }
0x14c: {  	(erf) = vrcp.f32 v1;
	_ =	sdelay $0x4  }
0x14d: {  	v1 =	vld [tilespmem:s0+$0x420];
	_ =	sdelay $0x3  }
0x14e: {  	v2 =	vpop (erf)  }
0x14f: {  	v1 =	vmul.f32 v2, v1;
	_ =	sdelay $0x1  }
0x150: {  	[tilespmem:s17+$0xFFFFFFE0] =	vst v1  }
0x151: {  	v1 =	vld [tilespmem:s0+$0x30];
	_ =	sdelay $0x4  }
0x152: {  	v1 =	vmax.f32 v1, $9.999999960e-13  }
0x153: {  	(erf) = vrcp.f32 v1;
	_ =	sdelay $0x4  }
0x154: {  	v1 =	vld [tilespmem:s0+$0x430];
	_ =	sdelay $0x3  }
0x155: {  	v2 =	vpop (erf)  }
0x156: {  	v1 =	vmul.f32 v2, v1;
	_ =	sdelay $0x1  }
0x157: {  	[tilespmem:s17+$0xFFFFFFF0] =	vst v1  }
0x158: {  	v1 =	vld [tilespmem:s0+$0x40];
	_ =	sdelay $0x4  }
0x159: {  	v1 =	vmax.f32 v1, $9.999999960e-13  }
0x15a: {  	(erf) = vrcp.f32 v1;
	_ =	sdelay $0x4  }
0x15b: {  	v1 =	vld [tilespmem:s0+$0x440];
	_ =	sdelay $0x3  }
0x15c: {  	v2 =	vpop (erf)  }
0x15d: {  	v1 =	vmul.f32 v2, v1;
	_ =	sdelay $0x1  }
0x15e: {  	[tilespmem:s17+$0x0] =	vst v1  }
0x15f: {  	v1 =	vld [tilespmem:s0+$0x50];
	_ =	sdelay $0x4  }
0x160: {  	v1 =	vmax.f32 v1, $9.999999960e-13  }
0x161: {  	(erf) = vrcp.f32 v1;
	_ =	sdelay $0x4  }
0x162: {  	v1 =	vld [tilespmem:s0+$0x450];
	_ =	sdelay $0x3  }
0x163: {  	v2 =	vpop (erf)  }
0x164: {  	v1 =	vmul.f32 v2, v1;
	_ =	sdelay $0x1  }
0x165: {  	[tilespmem:s17+$0x10] =	vst v1  }
0x166: {  	v1 =	vld [tilespmem:s0+$0x60];
	_ =	sdelay $0x4  }
0x167: {  	v1 =	vmax.f32 v1, $9.999999960e-13  }
0x168: {  	(erf) = vrcp.f32 v1;
	_ =	sdelay $0x4  }
0x169: {  	v1 =	vld [tilespmem:s0+$0x460];
	_ =	sdelay $0x3  }
0x16a: {  	v2 =	vpop (erf)  }
0x16b: {  	v1 =	vmul.f32 v2, v1;
	_ =	sdelay $0x1  }
0x16c: {  	[tilespmem:s17+$0x20] =	vst v1  }
0x16d: {  	v1 =	vld [tilespmem:s0+$0x70];
	_ =	sdelay $0x4  }
0x16e: {  	v1 =	vmax.f32 v1, $9.999999960e-13  }
0x16f: {  	(erf) = vrcp.f32 v1;
	_ =	sdelay $0x4  }
0x170: {  	v1 =	vld [tilespmem:s0+$0x470];
	_ =	sdelay $0x3  }
0x171: {  	s31 =	simm.s32 $0x100;
	s18 =	simm.s32 $0x80;
	v2 =	vpop (erf)  }
0x172: {  	s20 =	sand.u32 $0x1800, s31;
	s21 =	sand.u32 $0x380, s18;
	s0 =	simm.s32 $0x200;
	v1 =	vmul.f32 v2, v1  }
.LBB2_20:
0x173: {  	s2 =	sor.u32 s21, s20  }
0x174: {  	[tilespmem:s17+$0x30] =	vst v1;
	s17 =	sadd.s32 $0x80, s17;
	s20 =	smov.u32 s0;
	s19 =	sadd.s32 $0x100, s0  }
0x175: {  	p0 =	sne.s32 s0, $0x1F00;
	v1 =	vld [tilespmem:s2+$0x18080];
	_ =	sdelay $0x4  }
0x176: {  	v1 =	vmax.f32 v1, $9.999999960e-13  }
0x177: {  	(erf) = vrcp.f32 v1;
	_ =	sdelay $0x3  }
0x178: {  	s21 =	sadd.s32 $0x18080, s2  }
0x179: {  	v1 =	vld [tilespmem:s21+$0x400];
	_ =	sdelay $0x3  }
0x17a: {  	v2 =	vpop (erf)  }
0x17b: {  	v1 =	vmul.f32 v2, v1;
	_ =	sdelay $0x1  }
0x17c: {  	[tilespmem:s17+$0xFFFFFFC0] =	vst v1  }
0x17d: {  	v1 =	vld [tilespmem:s21+$0x10];
	_ =	sdelay $0x4  }
0x17e: {  	v1 =	vmax.f32 v1, $9.999999960e-13  }
0x17f: {  	(erf) = vrcp.f32 v1;
	_ =	sdelay $0x4  }
0x180: {  	v1 =	vld [tilespmem:s21+$0x410];
	_ =	sdelay $0x3  }
0x181: {  	v2 =	vpop (erf)  }
0x182: {  	v1 =	vmul.f32 v2, v1;
	_ =	sdelay $0x1  }
0x183: {  	[tilespmem:s17+$0xFFFFFFD0] =	vst v1  }
0x184: {  	v1 =	vld [tilespmem:s21+$0x20];
	_ =	sdelay $0x4  }
0x185: {  	v1 =	vmax.f32 v1, $9.999999960e-13  }
0x186: {  	(erf) = vrcp.f32 v1;
	_ =	sdelay $0x4  }
0x187: {  	v1 =	vld [tilespmem:s21+$0x420];
	_ =	sdelay $0x3  }
0x188: {  	v2 =	vpop (erf)  }
0x189: {  	v1 =	vmul.f32 v2, v1;
	_ =	sdelay $0x1  }
0x18a: {  	[tilespmem:s17+$0xFFFFFFE0] =	vst v1  }
0x18b: {  	v1 =	vld [tilespmem:s21+$0x30];
	_ =	sdelay $0x4  }
0x18c: {  	v1 =	vmax.f32 v1, $9.999999960e-13  }
0x18d: {  	(erf) = vrcp.f32 v1;
	_ =	sdelay $0x4  }
0x18e: {  	v1 =	vld [tilespmem:s21+$0x430];
	_ =	sdelay $0x3  }
0x18f: {  	v2 =	vpop (erf)  }
0x190: {  	v1 =	vmul.f32 v2, v1;
	_ =	sdelay $0x1  }
0x191: {  	[tilespmem:s17+$0xFFFFFFF0] =	vst v1  }
0x192: {  	v1 =	vld [tilespmem:s21+$0x40];
	_ =	sdelay $0x4  }
0x193: {  	v1 =	vmax.f32 v1, $9.999999960e-13  }
0x194: {  	(erf) = vrcp.f32 v1;
	_ =	sdelay $0x4  }
0x195: {  	v1 =	vld [tilespmem:s21+$0x440];
	_ =	sdelay $0x3  }
0x196: {  	v2 =	vpop (erf)  }
0x197: {  	v1 =	vmul.f32 v2, v1;
	_ =	sdelay $0x1  }
0x198: {  	[tilespmem:s17+$0x0] =	vst v1  }
0x199: {  	v1 =	vld [tilespmem:s21+$0x50];
	_ =	sdelay $0x4  }
0x19a: {  	v1 =	vmax.f32 v1, $9.999999960e-13  }
0x19b: {  	(erf) = vrcp.f32 v1;
	_ =	sdelay $0x4  }
0x19c: {  	v1 =	vld [tilespmem:s21+$0x450];
	_ =	sdelay $0x3  }
0x19d: {  	v2 =	vpop (erf)  }
0x19e: {  	v1 =	vmul.f32 v2, v1;
	_ =	sdelay $0x1  }
0x19f: {  	[tilespmem:s17+$0x10] =	vst v1  }
0x1a0: {  	v1 =	vld [tilespmem:s21+$0x60]  }
0x1a1: {  	v2 =	vld [tilespmem:s21+$0x460];
	_ =	sdelay $0x3  }
0x1a2: {  	v1 =	vmax.f32 v1, $9.999999960e-13  }
0x1a3: {  	(erf) = vrcp.f32 v1;
	_ =	sdelay $0x8  }
0x1a4: {  	v1 =	vpop (erf)  }
0x1a5: {  	v1 =	vmul.f32 v1, v2;
	_ =	sdelay $0x1  }
0x1a6: {  	[tilespmem:s17+$0x20] =	vst v1  }
0x1a7: {  	v1 =	vld [tilespmem:s21+$0x70]  }
0x1a8: {  	v2 =	vld [tilespmem:s21+$0x470];
	_ =	sdelay $0x3  }
0x1a9: {  	v1 =	vmax.f32 v1, $9.999999960e-13  }
0x1aa: {  	(erf) = vrcp.f32 v1;
	_ =	sdelay $0x6  }
.Ltmp17:
0x1ab: {  	(pc) =	sbr.rel @p0 .LBB2_20-.Ltmp17, $4  }
0x1ac: {  	_ = 	snop  }
0x1ad: {  	v1 =	vpop (erf)  }
0x1ae: {  	s18 =	sadd.s32 $0x80, s18;
	v1 =	vmul.f32 v1, v2  }
0x1af: {  	s20 =	sand.u32 $0x1800, s20;
	s0 =	smov.u32 s19;
	s21 =	sand.u32 $0x380, s18  }
0x1b0: {  	s0 =	sor.u32 s21, s20;
	[tilespmem:s17+$0x30] =	vst v1  }
0x1b1: {  	v1 =	vld [tilespmem:s0+$0x18080];
	_ =	sdelay $0x4  }
0x1b2: {  	v1 =	vmax.f32 v1, $9.999999960e-13  }
0x1b3: {  	(erf) = vrcp.f32 v1;
	_ =	sdelay $0x3  }
0x1b4: {  	s0 =	sadd.s32 $0x18080, s0  }
0x1b5: {  	v1 =	vld [tilespmem:s0+$0x400];
	_ =	sdelay $0x3  }
0x1b6: {  	v2 =	vpop (erf)  }
0x1b7: {  	v1 =	vmul.f32 v2, v1  }
0x1b8: {  	s2 =	sadd.s32 $0x80, s17  }
0x1b9: {  	[tilespmem:s2+$0xFFFFFFC0] =	vst v1  }
0x1ba: {  	v1 =	vld [tilespmem:s0+$0x10];
	_ =	sdelay $0x4  }
0x1bb: {  	v1 =	vmax.f32 v1, $9.999999960e-13  }
0x1bc: {  	(erf) = vrcp.f32 v1;
	_ =	sdelay $0x4  }
0x1bd: {  	v1 =	vld [tilespmem:s0+$0x410];
	_ =	sdelay $0x3  }
0x1be: {  	v2 =	vpop (erf)  }
0x1bf: {  	v1 =	vmul.f32 v2, v1;
	_ =	sdelay $0x1  }
0x1c0: {  	[tilespmem:s2+$0xFFFFFFD0] =	vst v1  }
0x1c1: {  	v1 =	vld [tilespmem:s0+$0x20];
	_ =	sdelay $0x4  }
0x1c2: {  	v1 =	vmax.f32 v1, $9.999999960e-13  }
0x1c3: {  	(erf) = vrcp.f32 v1;
	_ =	sdelay $0x4  }
0x1c4: {  	v1 =	vld [tilespmem:s0+$0x420];
	_ =	sdelay $0x3  }
0x1c5: {  	v2 =	vpop (erf)  }
0x1c6: {  	v1 =	vmul.f32 v2, v1;
	_ =	sdelay $0x1  }
0x1c7: {  	[tilespmem:s2+$0xFFFFFFE0] =	vst v1  }
0x1c8: {  	v1 =	vld [tilespmem:s0+$0x30];
	_ =	sdelay $0x4  }
0x1c9: {  	v1 =	vmax.f32 v1, $9.999999960e-13  }
0x1ca: {  	(erf) = vrcp.f32 v1;
	_ =	sdelay $0x4  }
0x1cb: {  	v1 =	vld [tilespmem:s0+$0x430];
	_ =	sdelay $0x3  }
0x1cc: {  	v2 =	vpop (erf)  }
0x1cd: {  	v1 =	vmul.f32 v2, v1;
	_ =	sdelay $0x1  }
0x1ce: {  	[tilespmem:s2+$0xFFFFFFF0] =	vst v1  }
0x1cf: {  	v1 =	vld [tilespmem:s0+$0x40];
	_ =	sdelay $0x4  }
0x1d0: {  	v1 =	vmax.f32 v1, $9.999999960e-13  }
0x1d1: {  	(erf) = vrcp.f32 v1;
	_ =	sdelay $0x4  }
0x1d2: {  	v1 =	vld [tilespmem:s0+$0x440];
	_ =	sdelay $0x3  }
0x1d3: {  	v2 =	vpop (erf)  }
0x1d4: {  	v1 =	vmul.f32 v2, v1;
	_ =	sdelay $0x1  }
0x1d5: {  	[tilespmem:s2+$0x0] =	vst v1  }
0x1d6: {  	v1 =	vld [tilespmem:s0+$0x50];
	_ =	sdelay $0x4  }
0x1d7: {  	v1 =	vmax.f32 v1, $9.999999960e-13  }
0x1d8: {  	(erf) = vrcp.f32 v1;
	_ =	sdelay $0x4  }
0x1d9: {  	v1 =	vld [tilespmem:s0+$0x450];
	_ =	sdelay $0x3  }
0x1da: {  	v2 =	vpop (erf)  }
0x1db: {  	v1 =	vmul.f32 v2, v1;
	_ =	sdelay $0x1  }
0x1dc: {  	[tilespmem:s2+$0x10] =	vst v1  }
0x1dd: {  	v1 =	vld [tilespmem:s0+$0x60];
	_ =	sdelay $0x4  }
0x1de: {  	v1 =	vmax.f32 v1, $9.999999960e-13  }
0x1df: {  	(erf) = vrcp.f32 v1;
	_ =	sdelay $0x4  }
0x1e0: {  	v1 =	vld [tilespmem:s0+$0x460];
	_ =	sdelay $0x3  }
0x1e1: {  	v2 =	vpop (erf)  }
0x1e2: {  	v1 =	vmul.f32 v2, v1;
	_ =	sdelay $0x1  }
0x1e3: {  	[tilespmem:s2+$0x20] =	vst v1  }
0x1e4: {  	v1 =	vld [tilespmem:s0+$0x70];
	_ =	sdelay $0x4  }
0x1e5: {  	v1 =	vmax.f32 v1, $9.999999960e-13  }
0x1e6: {  	(erf) = vrcp.f32 v1;
	_ =	sdelay $0x4  }
0x1e7: {  	v1 =	vld [tilespmem:s0+$0x470];
	_ =	sdelay $0x3  }
0x1e8: {  	v2 =	vpop (erf)  }
0x1e9: {  	s16 =	sadd.s32 $0x1, s16;
	v1 =	vmul.f32 v2, v1  }
0x1ea: {  	p0 =	sne.s32 s16, s7  }
.Ltmp18:
0x1eb: {  	[tilespmem:s2+$0x30] =	vst v1;
	(pc) =	sbr.rel @p0 .LBB2_1-.Ltmp18, $4  }
0x1ec: {  	[hbm4b:s6+s3] =	stream.linear.scatter [tilespmem:s15], [sflag:$0x5], $0x1000, $0x38;
	[tilespmem:$0x1B080] =	vst v63  }
0x1ed: {  	_ =	swait.ge [sflag:s9], $0x1000  }
0x1ee: {  	[sflag:s9] =	ssyncset.done $0x0  }
0x1ef: {  	[sflag:s9] =	ssyncadd.s32 $0xFFFFF000  }
0x1f0: {  	_ =	sfence.sel $0x180000  }
0x1f1: {  	[bflag:$0x0] =	sbarrier.arrive $0xFFFF  }
0x1f2: {  	_ =	strace $0x90000047  }
0x1f3: {  	s0 =	stileid.u32;
	[bflag:$0x2] =	sbarrier.arrive $0xFFFF  }
0x1f4: {  	p0 =	sne.s32 s0, $0x0;
	s0 =	rddreg [dreg:$0x4]  }
0x1f5: {  	s0 =	sadd.s32 @!p0 $0x100000, s0  }
0x1f6: {  	[sflag:s0] =	ssyncadd.tile.s32 @!p0 $0x1;
	_ =	shalt  }
.Lfunc_end2:
_tile_overlayer_lowered:
.L_overlay_start_2:
0x1f7: {  	(tag) =	ssettag $0x2  }
0x1f8: {  	s0 =	rddreg [dreg:$0x0];
	s2 =	stileid.u32  }
0x1f9: {  	s1 =	rddreg [dreg:$0x1];
	p0 =	sne.s32 s2, $0x0  }
0x1fa: {  	s3 =	rddreg [dreg:$0x2];
	[bflag:$0x3] =	sbarrier.arrive $0xFFFF;
	s2 =	simm.s32 @!p0 $0x1C05  }
0x1fb: {  	[timem:s3], [sflag:s2] =	dma.local @!p0 [hbm:s0], s1  }
0x1fc: {  	s0 =	simm.s32 @!p0 $0x5  }
0x1fd: {  	_ =	swait.ge @!p0 [sflag:s0], s1  }
0x1fe: {  	s1 =	ssub.s32 @!p0 $0x0, s1;
	[sflag:s0] =	ssyncset.done @!p0 $0x0  }
0x1ff: {  	[sflag:s0] =	ssyncadd.s32 @!p0 s1  }
0x200: {  	[bflag:$0x3] =	sbarrier.arrive $0xFFFF  }
0x201: {  	_ =	shalt  }

</sc_bundles>
